<compile_context>
chip_gen: v7x
topology: tpu7x:2x2x1
jax: 0.10.2.dev20260603
libtpu: 0.0.44.dev20260713+nightly
codegen_flags: <defaults>
</compile_context>

<pallas_src>
import functools

import jax
import jax.numpy as jnp
import numpy as np
from jax import lax
from jax.experimental import pallas as pl
from jax.experimental.pallas import tpu as pltpu
from jax.experimental.pallas import tpu_sc as plsc

N = 10000
E = 320000
D = 128
DEPTH = 5

NC = 2
NS = 16
NW = NC * NS
E_PER = E // NW
EDGE_CH = 80
N_CHUNKS = E_PER // EDGE_CH
SP_CH = 96
NSETS = 4
NIDX = 8
SP_ITERS = E_PER // (NSETS * SP_CH)
SP_FULL = SP_ITERS * NSETS
SP_REM = E_PER - SP_FULL * SP_CH
ROWS_PER_TILE = N // NS

@functools.cache
def _make_deg():
    mesh = plsc.VectorSubcoreMesh(core_axis_name="c", subcore_axis_name="s",
                                  num_cores=NC, num_subcores=NS)
    return pl.kernel(
        _deg_body,
        out_type=jax.ShapeDtypeStruct((NC, N), jnp.float32),
        mesh=mesh,
        scratch_types=[
            pltpu.VMEM((E_PER,), jnp.int32),
            pltpu.VMEM((EDGE_CH,), jnp.float32),
            pltpu.VMEM_SHARED((N,), jnp.float32),
            pltpu.SemaphoreType.DMA,
        ],
        compiler_params=pltpu.CompilerParams(use_tc_tiling_on_sc=False),
    )


def _deg_body(ei_hbm, zeros1_hbm, out_hbm, didx_v, ones_v, deg_s, sem):
    cid = lax.axis_index("c")
    sid = lax.axis_index("s")
    wid = sid * NC + cid
    base = wid * E_PER

    def fill(i, _):
        ones_v[pl.ds(i * 16, 16)] = jnp.full((16,), 1.0, jnp.float32)
        return 0

    lax.fori_loop(0, EDGE_CH // 16, fill, 0)

    @pl.when(sid < 10)
    def _():
        pltpu.sync_copy(zeros1_hbm.at[pl.ds(sid * 1000, 1000)],
                        deg_s.at[pl.ds(sid * 1000, 1000)])

    pltpu.sync_copy(ei_hbm.at[1, pl.ds(base, E_PER)], didx_v)
    plsc.subcore_barrier()

    def chunk(c, _):
        pltpu.async_copy(
            ones_v, deg_s.at[didx_v.at[pl.ds(c * EDGE_CH, EDGE_CH)]], sem,
            add=True)
        return 0

    lax.fori_loop(0, N_CHUNKS, chunk, 0)
    pltpu.make_async_copy(ei_hbm.at[1, pl.ds(base, E_PER)], didx_v, sem).wait()
    plsc.subcore_barrier()

    @pl.when(sid < 10)
    def _():
        pltpu.sync_copy(deg_s.at[pl.ds(sid * 1000, 1000)],
                        out_hbm.at[cid, pl.ds(sid * 1000, 1000)])


@functools.cache
def _make_spmm():
    mesh = plsc.VectorSubcoreMesh(core_axis_name="c", subcore_axis_name="s",
                                  num_cores=NC, num_subcores=NS)
    return pl.kernel(
        _spmm_body,
        out_type=jax.ShapeDtypeStruct((NC, N, D), jnp.float32),
        mesh=mesh,
        scratch_types=(
            [pltpu.VMEM((SP_CH,), jnp.int32) for _ in range(NIDX)]
            + [pltpu.VMEM((SP_CH,), jnp.int32) for _ in range(NIDX)]
            + [pltpu.VMEM((SP_CH, D), jnp.float32) for _ in range(NSETS)]
            + [pltpu.VMEM_SHARED((N, D), jnp.float32)]
            + [pltpu.SemaphoreType.DMA for _ in range(2 * NSETS + 1)]
        ),
        compiler_params=pltpu.CompilerParams(use_tc_tiling_on_sc=False),
    )


def _spmm_body(ei_hbm, g_hbm, zeros_hbm, out_hbm, *refs):
    sidx = refs[0:NIDX]
    didx = refs[NIDX:2 * NIDX]
    rows = refs[2 * NIDX:2 * NIDX + NSETS]
    acc_s = refs[2 * NIDX + NSETS]
    semg = refs[2 * NIDX + NSETS + 1:2 * NIDX + NSETS + 1 + NSETS]
    sems = refs[2 * NIDX + NSETS + 1 + NSETS:2 * NIDX + 1 + 3 * NSETS]
    semi = refs[2 * NIDX + 1 + 3 * NSETS]

    cid = lax.axis_index("c")
    sid = lax.axis_index("s")
    wid = sid * NC + cid
    base = wid * E_PER
    row0 = sid * ROWS_PER_TILE

    pltpu.sync_copy(zeros_hbm.at[pl.ds(row0, ROWS_PER_TILE)],
                    acc_s.at[pl.ds(row0, ROWS_PER_TILE)])
    plsc.subcore_barrier()

    def stage_idx(k, c):
        pltpu.async_copy(ei_hbm.at[0, pl.ds(base + c * SP_CH, SP_CH)],
                         sidx[k], semi)
        pltpu.async_copy(ei_hbm.at[1, pl.ds(base + c * SP_CH, SP_CH)],
                         didx[k], semi)

    def wait_idx(k):
        pltpu.make_async_copy(ei_hbm.at[0, pl.ds(0, SP_CH)], sidx[k],
                              semi).wait()
        pltpu.make_async_copy(ei_hbm.at[0, pl.ds(0, SP_CH)], didx[k],
                              semi).wait()

    def wait_gather(r):
        pltpu.make_async_copy(zeros_hbm.at[pl.ds(0, SP_CH)], rows[r],
                              semg[r]).wait()

    def fire_scatter(r, k):
        pltpu.async_copy(rows[r], acc_s.at[didx[k]], sems[r], add=True)

    def drain_scatter(r):
        pltpu.make_async_copy(zeros_hbm.at[pl.ds(0, SP_CH)], rows[r],
                              sems[r]).wait()

    stage_idx(0, 0)

    def ring(i, _):
        c0 = i * NIDX
        for k in range(NIDX):
            c = c0 + k
            r = k % NSETS

            @pl.when(c >= NSETS)
            def _():
                drain_scatter(r)

            @pl.when(c + 1 < SP_FULL)
            def _():
                stage_idx((k + 1) % NIDX, c + 1)

            wait_idx(k)
            pltpu.async_copy(g_hbm.at[sidx[k]], rows[r], semg[r])
            rw = (k - 2) % NSETS
            kw = (k - 2) % NIDX

            @pl.when(c >= 2)
            def _():
                wait_gather(rw)
                fire_scatter(rw, kw)

        return 0

    lax.fori_loop(0, SP_FULL // NIDX, ring, 0)

    for c in (SP_FULL - 2, SP_FULL - 1):
        wait_gather(c % NSETS)
        fire_scatter(c % NSETS, c % NIDX)
    if SP_REM:
        eL = base + SP_FULL * SP_CH
        sL = SP_FULL % NSETS
        kL = 0
        drain_scatter(sL)
        pltpu.sync_copy(ei_hbm.at[0, pl.ds(eL, SP_REM)],
                        sidx[kL].at[pl.ds(0, SP_REM)])
        pltpu.sync_copy(ei_hbm.at[1, pl.ds(eL, SP_REM)],
                        didx[kL].at[pl.ds(0, SP_REM)])
        pltpu.async_copy(g_hbm.at[sidx[kL].at[pl.ds(0, SP_REM)]],
                         rows[sL].at[pl.ds(0, SP_REM)], semg[sL]).wait()
        pltpu.sync_copy(rows[sL].at[pl.ds(0, SP_REM)],
                        acc_s.at[didx[kL].at[pl.ds(0, SP_REM)]], add=True)
        for r in range(NSETS):
            if r != sL:
                drain_scatter(r)
    else:
        for r in range(NSETS):
            drain_scatter(r)
    plsc.subcore_barrier()
    pltpu.sync_copy(acc_s.at[pl.ds(row0, ROWS_PER_TILE)],
                    out_hbm.at[cid, pl.ds(row0, ROWS_PER_TILE)])


def _scale_body(x_ref, w_ref, degp_ref, g_ref, dinv_ref):
    h0 = jnp.dot(x_ref[...], w_ref[...], preferred_element_type=jnp.float32)
    deg = jnp.sum(degp_ref[...], axis=0) + 1.0
    dinv = lax.rsqrt(deg)
    g_ref[...] = h0 * dinv[:, None]
    dinv_ref[...] = dinv


def _mlp_body(accp_ref, g_ref, dinv_ref, bgcn_ref, wenc_ref, benc_ref,
              wmu_ref, bmu_ref, wstd_ref, bstd_ref, eps_ref,
              xn_ref, mu_ref, std_ref):
    acc = accp_ref[0] + accp_ref[1]
    h = dinv_ref[...][:, None] * (acc + g_ref[...]) + bgcn_ref[...][None, :]
    for i in range(DEPTH):
        z = jnp.dot(h, wenc_ref[i], preferred_element_type=jnp.float32)
        h = jax.nn.sigmoid(z + benc_ref[i][None, :])
    mu = jnp.dot(h, wmu_ref[...], preferred_element_type=jnp.float32)
    mu = mu + bmu_ref[...][None, :]
    s = jnp.dot(h, wstd_ref[...], preferred_element_type=jnp.float32)
    s = s + bstd_ref[...][None, :] - 5.0
    std = jnp.maximum(s, 0.0) + jnp.log1p(jnp.exp(-jnp.abs(s)))
    mu_ref[...] = mu
    std_ref[...] = std
    xn_ref[...] = mu + std * eps_ref[...]


_R = 1024
_G = (N + _R - 1) // _R


@functools.cache
def _eps_np():
    with jax.ensure_compile_time_eval():
        with jax.default_device(jax.devices("cpu")[0]):
            return np.asarray(jax.random.uniform(
                jax.random.key(42), (N, D), dtype=jnp.float32))


_ZEROS_ND = np.zeros((N, D), np.float32)
_ZEROS_N = np.zeros((N,), np.float32)


def kernel(x, edge_index, W_gcn, b_gcn, W_enc, b_enc, W_mu, b_mu, W_std,
           b_std):
    deg_parts = _make_deg()(edge_index, _ZEROS_N)

    g, dinv = pl.pallas_call(
        _scale_body,
        grid=(_G,),
        in_specs=[
            pl.BlockSpec((_R, D), lambda i: (i, 0)),
            pl.BlockSpec((D, D), lambda i: (0, 0)),
            pl.BlockSpec((NC, _R), lambda i: (0, i)),
        ],
        out_specs=[
            pl.BlockSpec((_R, D), lambda i: (i, 0)),
            pl.BlockSpec((_R,), lambda i: (i,)),
        ],
        out_shape=[
            jax.ShapeDtypeStruct((N, D), jnp.float32),
            jax.ShapeDtypeStruct((N,), jnp.float32),
        ],
    )(x, W_gcn, deg_parts)

    acc_parts = _make_spmm()(edge_index, g, _ZEROS_ND)

    eps = _eps_np()

    x_new, mu, std = pl.pallas_call(
        _mlp_body,
        grid=(_G,),
        in_specs=[
            pl.BlockSpec((NC, _R, D), lambda i: (0, i, 0)),
            pl.BlockSpec((_R, D), lambda i: (i, 0)),
            pl.BlockSpec((_R,), lambda i: (i,)),
            pl.BlockSpec((D,), lambda i: (0,)),
            pl.BlockSpec((DEPTH, D, D), lambda i: (0, 0, 0)),
            pl.BlockSpec((DEPTH, D), lambda i: (0, 0)),
            pl.BlockSpec((D, D), lambda i: (0, 0)),
            pl.BlockSpec((D,), lambda i: (0,)),
            pl.BlockSpec((D, D), lambda i: (0, 0)),
            pl.BlockSpec((D,), lambda i: (0,)),
            pl.BlockSpec((_R, D), lambda i: (i, 0)),
        ],
        out_specs=[
            pl.BlockSpec((_R, D), lambda i: (i, 0)),
            pl.BlockSpec((_R, D), lambda i: (i, 0)),
            pl.BlockSpec((_R, D), lambda i: (i, 0)),
        ],
        out_shape=[
            jax.ShapeDtypeStruct((N, D), jnp.float32),
            jax.ShapeDtypeStruct((N, D), jnp.float32),
            jax.ShapeDtypeStruct((N, D), jnp.float32),
        ],
    )(acc_parts, g, dinv, b_gcn, W_enc, b_enc, W_mu, b_mu, W_std, b_std, eps)

    return (x_new, mu, std)

# --- scband reference (transcript-rebuilt; emitter-appended) ---
"""Pipeline reference for scband-mpencoder-34978213659211 (READ-ONLY COPY).

The authoritative reference and input builder live on the scoring server;
editing this copy changes nothing except your own understanding.
"""

import jax, jax.numpy as jnp
import numpy as np

N = 10000
E = 320000
D = 128
DEPTH = 5


def setup_inputs(seed: int = 0) -> dict:
    key = jax.random.key(seed)
    ks = jax.random.split(key, 12)
    x = jax.random.normal(ks[0], (N, D), dtype=jnp.float32)
    edge_index = jax.random.randint(ks[1], (2, E), 0, N, dtype=jnp.int32)
    scale = 1.0 / np.sqrt(D)
    W_gcn = jax.random.normal(ks[2], (D, D), dtype=jnp.float32) * scale
    b_gcn = jnp.zeros((D,), dtype=jnp.float32)
    W_enc = jax.random.normal(ks[3], (DEPTH, D, D), dtype=jnp.float32) * scale
    b_enc = jax.random.normal(ks[4], (DEPTH, D), dtype=jnp.float32) * 0.01
    W_mu = jax.random.normal(ks[5], (D, D), dtype=jnp.float32) * scale
    b_mu = jnp.zeros((D,), dtype=jnp.float32)
    W_std = jax.random.normal(ks[6], (D, D), dtype=jnp.float32) * scale
    b_std = jnp.zeros((D,), dtype=jnp.float32)
    return {"x": x, "edge_index": edge_index, "W_gcn": W_gcn, "b_gcn": b_gcn,
            "W_enc": W_enc, "b_enc": b_enc, "W_mu": W_mu, "b_mu": b_mu,
            "W_std": W_std, "b_std": b_std}


def reference(x, edge_index, W_gcn, b_gcn, W_enc, b_enc, W_mu, b_mu, W_std, b_std):
    n = x.shape[0]
    src = edge_index[0]
    dst = edge_index[1]
    # GCNConv: add self-loops, symmetric normalization D^{-1/2}(A+I)D^{-1/2} X W + b
    loop = jnp.arange(n, dtype=src.dtype)
    src = jnp.concatenate([src, loop])
    dst = jnp.concatenate([dst, loop])
    deg = jnp.zeros((n,), dtype=x.dtype).at[dst].add(1.0)
    dinv = jnp.where(deg > 0, 1.0 / jnp.sqrt(deg), 0.0)
    norm = dinv[src] * dinv[dst]
    h = x @ W_gcn
    msgs = h[src] * norm[:, None]
    h = jnp.zeros((n, h.shape[1]), dtype=x.dtype).at[dst].add(msgs) + b_gcn
    # encoder MLP stack with sigmoid
    for i in range(DEPTH):
        h = jax.nn.sigmoid(h @ W_enc[i] + b_enc[i])
    mu = h @ W_mu + b_mu
    std = jax.nn.softplus((h @ W_std + b_std) - 5.0)
    # reparametrization with uniform noise (torch.rand_like)
    eps = jax.random.uniform(jax.random.key(42), std.shape, dtype=std.dtype)
    x_new = mu + std * eps
    return (x_new, mu, std)

if __name__ == "__main__":
    import jax
    _d = setup_inputs()
    print(jax.jit(kernel)(*tuple(_d.values())))

</pallas_src>

<mosaic_0001>
#map = affine_map<(d0, d1) -> (0, 0)>
#map1 = affine_map<(d0, d1) -> (0, 0, 0)>
module attributes {stable_mosaic.version = 14 : i64} {
  func.func @_spmm_body(%arg0: i32, %arg1: i32, %arg2: memref<2x320000xi32, #tpu.memory_space<hbm>>, %arg3: memref<10000x128xf32, #tpu.memory_space<hbm>>, %arg4: memref<10000x128xf32, #tpu.memory_space<hbm>>, %arg5: memref<2x10000x128xf32, #tpu.memory_space<hbm>>, %arg6: memref<96xi32, #tpu.memory_space<vmem>>, %arg7: memref<96xi32, #tpu.memory_space<vmem>>, %arg8: memref<96xi32, #tpu.memory_space<vmem>>, %arg9: memref<96xi32, #tpu.memory_space<vmem>>, %arg10: memref<96xi32, #tpu.memory_space<vmem>>, %arg11: memref<96xi32, #tpu.memory_space<vmem>>, %arg12: memref<96xi32, #tpu.memory_space<vmem>>, %arg13: memref<96xi32, #tpu.memory_space<vmem>>, %arg14: memref<96xi32, #tpu.memory_space<vmem>>, %arg15: memref<96xi32, #tpu.memory_space<vmem>>, %arg16: memref<96xi32, #tpu.memory_space<vmem>>, %arg17: memref<96xi32, #tpu.memory_space<vmem>>, %arg18: memref<96xi32, #tpu.memory_space<vmem>>, %arg19: memref<96xi32, #tpu.memory_space<vmem>>, %arg20: memref<96xi32, #tpu.memory_space<vmem>>, %arg21: memref<96xi32, #tpu.memory_space<vmem>>, %arg22: memref<96x128xf32, #tpu.memory_space<vmem>>, %arg23: memref<96x128xf32, #tpu.memory_space<vmem>>, %arg24: memref<96x128xf32, #tpu.memory_space<vmem>>, %arg25: memref<96x128xf32, #tpu.memory_space<vmem>>, %arg26: memref<10000x128xf32, #tpu.memory_space<vmem_shared>>, %arg27: memref<!tpu.dma_semaphore, #tpu.memory_space<semaphore_mem>>, %arg28: memref<!tpu.dma_semaphore, #tpu.memory_space<semaphore_mem>>, %arg29: memref<!tpu.dma_semaphore, #tpu.memory_space<semaphore_mem>>, %arg30: memref<!tpu.dma_semaphore, #tpu.memory_space<semaphore_mem>>, %arg31: memref<!tpu.dma_semaphore, #tpu.memory_space<semaphore_mem>>, %arg32: memref<!tpu.dma_semaphore, #tpu.memory_space<semaphore_mem>>, %arg33: memref<!tpu.dma_semaphore, #tpu.memory_space<semaphore_mem>>, %arg34: memref<!tpu.dma_semaphore, #tpu.memory_space<semaphore_mem>>, %arg35: memref<!tpu.dma_semaphore, #tpu.memory_space<semaphore_mem>>) attributes {dimension_semantics = [#tpu.dimension_semantics<core_parallel>, #tpu.dimension_semantics<subcore_parallel>], iteration_bounds = array<i64: 2, 16>, scalar_prefetch = 0 : i64, scratch_operands = 30 : i64, tpu.core_type = #tpu.core_type<sc_vector_subcore>, window_params = [{transform_indices = #map}, {transform_indices = #map}, {transform_indices = #map}, {transform_indices = #map1}]} {
    %mul3A = arith.constant 2 : i32
    %mul3A_0 = arith.muli %arg1, %mul3A : i32
    %add3A = arith.addi %mul3A_0, %arg0 : i32
    %mul3A_1 = arith.constant 10000 : i32
    %mul3A_2 = arith.muli %add3A, %mul3A_1 : i32
    %mul3A_3 = arith.constant 625 : i32
    %mul3A_4 = arith.muli %arg1, %mul3A_3 : i32
    "tpu.region"() ({
      %run_scoped3A_85 = tpu.sem_alloc : memref<!tpu.dma_semaphore, #tpu.memory_space<semaphore_mem>>
      %dma_start3A_86 = arith.constant 0 : i32
      %dma_start3A_87 = tpu.memref_slice %arg26[%mul3A_4, %dma_start3A_86] : memref<10000x128xf32, #tpu.memory_space<vmem_shared>> -> memref<625x128xf32, #tpu.memory_space<vmem_shared>>
      %dma_start3A_88 = arith.constant 0 : i32
      %dma_start3A_89 = tpu.memref_slice %arg4[%mul3A_4, %dma_start3A_88] : memref<10000x128xf32, #tpu.memory_space<hbm>> -> memref<625x128xf32, #tpu.memory_space<hbm>>
      tpu.enqueue_dma source(%dma_start3A_89 : memref<625x128xf32, #tpu.memory_space<hbm>>) target(%dma_start3A_87 : memref<625x128xf32, #tpu.memory_space<vmem_shared>>) target_semaphore(%run_scoped3A_85 : memref<!tpu.dma_semaphore, #tpu.memory_space<semaphore_mem>>)
      %dma_wait3A_90 = arith.constant 0 : i32
      %dma_wait3A_91 = tpu.memref_slice %arg26[%mul3A_4, %dma_wait3A_90] : memref<10000x128xf32, #tpu.memory_space<vmem_shared>> -> memref<625x128xf32, #tpu.memory_space<vmem_shared>>
      %dma_wait3A_92 = arith.constant 0 : i32
      %dma_wait3A_93 = tpu.memref_slice %arg4[%mul3A_4, %dma_wait3A_92] : memref<10000x128xf32, #tpu.memory_space<hbm>> -> memref<625x128xf32, #tpu.memory_space<hbm>>
      tpu.wait_dma2 semaphore(%run_scoped3A_85 : memref<!tpu.dma_semaphore, #tpu.memory_space<semaphore_mem>>) src(%dma_wait3A_93 : memref<625x128xf32, #tpu.memory_space<hbm>>) dst(%dma_wait3A_91 : memref<625x128xf32, #tpu.memory_space<vmem_shared>>)
      tpu.yield
    }) : () -> ()
    %barrier3A = arith.constant 0 : index
    tpu.barrier barrier_id(%barrier3A)
    %add3A_5 = arith.constant 0 : i32
    %add3A_6 = arith.addi %mul3A_2, %add3A_5 : i32
    %dma_start3A = arith.constant 0 : i32
    %dma_start3A_7 = tpu.memref_slice %arg2[%dma_start3A, %add3A_6] : memref<2x320000xi32, #tpu.memory_space<hbm>> -> memref<1x96xi32, #tpu.memory_space<hbm>>
    %dma_start3A_8 = tpu.memref_squeeze %dma_start3A_7 : memref<1x96xi32, #tpu.memory_space<hbm>> -> memref<96xi32, #tpu.memory_space<hbm>>
    %dma_start3A_9 = tpu.memref_slice %arg2[%dma_start3A, %add3A_6] : memref<2x320000xi32, #tpu.memory_space<hbm>> -> memref<1x96xi32, #tpu.memory_space<hbm>>
    %dma_start3A_10 = tpu.memref_squeeze %dma_start3A_9 : memref<1x96xi32, #tpu.memory_space<hbm>> -> memref<96xi32, #tpu.memory_space<hbm>>
    tpu.enqueue_dma source(%dma_start3A_10 : memref<96xi32, #tpu.memory_space<hbm>>) target(%arg6 : memref<96xi32, #tpu.memory_space<vmem>>) target_semaphore(%arg35 : memref<!tpu.dma_semaphore, #tpu.memory_space<semaphore_mem>>)
    %add3A_11 = arith.constant 0 : i32
    %add3A_12 = arith.addi %mul3A_2, %add3A_11 : i32
    %dma_start3A_13 = arith.constant 1 : i32
    %dma_start3A_14 = tpu.memref_slice %arg2[%dma_start3A_13, %add3A_12] : memref<2x320000xi32, #tpu.memory_space<hbm>> -> memref<1x96xi32, #tpu.memory_space<hbm>>
    %dma_start3A_15 = tpu.memref_squeeze %dma_start3A_14 : memref<1x96xi32, #tpu.memory_space<hbm>> -> memref<96xi32, #tpu.memory_space<hbm>>
    %dma_start3A_16 = tpu.memref_slice %arg2[%dma_start3A_13, %add3A_12] : memref<2x320000xi32, #tpu.memory_space<hbm>> -> memref<1x96xi32, #tpu.memory_space<hbm>>
    %dma_start3A_17 = tpu.memref_squeeze %dma_start3A_16 : memref<1x96xi32, #tpu.memory_space<hbm>> -> memref<96xi32, #tpu.memory_space<hbm>>
    tpu.enqueue_dma source(%dma_start3A_17 : memref<96xi32, #tpu.memory_space<hbm>>) target(%arg14 : memref<96xi32, #tpu.memory_space<vmem>>) target_semaphore(%arg35 : memref<!tpu.dma_semaphore, #tpu.memory_space<semaphore_mem>>)
    %scan3A = arith.constant 0 : i32
    %scan3A_18 = arith.constant 0 : i32
    %scan3A_19 = arith.constant 13 : i32
    %scan3A_20 = arith.addi %scan3A_18, %scan3A_19 : i32
    %scan3A_21 = arith.constant 1 : i32
    %scan3A_22 = scf.for %scan3A_85 = %scan3A_18 to %scan3A_20 step %scan3A_21 iter_args(%scan3A_86 = %scan3A) -> (i32)  : i32 {
      %mul3A_87 = arith.constant 8 : i32
      %mul3A_88 = arith.muli %scan3A_85, %mul3A_87 : i32
      %add3A_89 = arith.constant 0 : i32
      %add3A_90 = arith.addi %mul3A_88, %add3A_89 : i32
      %ge3A = arith.constant 4 : i32
      %ge3A_91 = arith.cmpi sge, %add3A_90, %ge3A : i32
      %convert_element_type3A = arith.extui %ge3A_91 : i1 to i32
      %cond3A = arith.constant 0 : i32
      %cond3A_92 = arith.cmpi ne, %convert_element_type3A, %cond3A : i32
      scf.if %cond3A_92 {
        %dma_wait3A_374 = arith.constant 0 : i32
        %dma_wait3A_375 = arith.constant 0 : i32
        %dma_wait3A_376 = tpu.memref_slice %arg4[%dma_wait3A_374, %dma_wait3A_375] : memref<10000x128xf32, #tpu.memory_space<hbm>> -> memref<96x128xf32, #tpu.memory_space<hbm>>
        %dma_wait3A_377 = arith.constant 0 : i32
        %dma_wait3A_378 = arith.constant 0 : i32
        %dma_wait3A_379 = tpu.memref_slice %arg4[%dma_wait3A_377, %dma_wait3A_378] : memref<10000x128xf32, #tpu.memory_space<hbm>> -> memref<96x128xf32, #tpu.memory_space<hbm>>
        tpu.wait_dma2 semaphore(%arg31 : memref<!tpu.dma_semaphore, #tpu.memory_space<semaphore_mem>>) src(%dma_wait3A_379 : memref<96x128xf32, #tpu.memory_space<hbm>>) dst(%arg22 : memref<96x128xf32, #tpu.memory_space<vmem>>)
      } else {
      }
      %add3A_93 = arith.constant 1 : i32
      %add3A_94 = arith.addi %add3A_90, %add3A_93 : i32
      %lt3A = arith.constant 104 : i32
      %lt3A_95 = arith.cmpi slt, %add3A_94, %lt3A : i32
      %convert_element_type3A_96 = arith.extui %lt3A_95 : i1 to i32
      %cond3A_97 = arith.constant 0 : i32
      %cond3A_98 = arith.cmpi ne, %convert_element_type3A_96, %cond3A_97 : i32
      scf.if %cond3A_98 {
        %add3A_374 = arith.constant 1 : i32
        %add3A_375 = arith.addi %add3A_90, %add3A_374 : i32
        %mul3A_376 = arith.constant 96 : i32
        %mul3A_377 = arith.muli %add3A_375, %mul3A_376 : i32
        %add3A_378 = arith.addi %mul3A_2, %mul3A_377 : i32
        %dma_start3A_379 = arith.constant 0 : i32
        %dma_start3A_380 = tpu.memref_slice %arg2[%dma_start3A_379, %add3A_378] : memref<2x320000xi32, #tpu.memory_space<hbm>> -> memref<1x96xi32, #tpu.memory_space<hbm>>
        %dma_start3A_381 = tpu.memref_squeeze %dma_start3A_380 : memref<1x96xi32, #tpu.memory_space<hbm>> -> memref<96xi32, #tpu.memory_space<hbm>>
        %dma_start3A_382 = tpu.memref_slice %arg2[%dma_start3A_379, %add3A_378] : memref<2x320000xi32, #tpu.memory_space<hbm>> -> memref<1x96xi32, #tpu.memory_space<hbm>>
        %dma_start3A_383 = tpu.memref_squeeze %dma_start3A_382 : memref<1x96xi32, #tpu.memory_space<hbm>> -> memref<96xi32, #tpu.memory_space<hbm>>
        tpu.enqueue_dma source(%dma_start3A_383 : memref<96xi32, #tpu.memory_space<hbm>>) target(%arg7 : memref<96xi32, #tpu.memory_space<vmem>>) target_semaphore(%arg35 : memref<!tpu.dma_semaphore, #tpu.memory_space<semaphore_mem>>)
        %mul3A_384 = arith.constant 96 : i32
        %mul3A_385 = arith.muli %add3A_375, %mul3A_384 : i32
        %add3A_386 = arith.addi %mul3A_2, %mul3A_385 : i32
        %dma_start3A_387 = arith.constant 1 : i32
        %dma_start3A_388 = tpu.memref_slice %arg2[%dma_start3A_387, %add3A_386] : memref<2x320000xi32, #tpu.memory_space<hbm>> -> memref<1x96xi32, #tpu.memory_space<hbm>>
        %dma_start3A_389 = tpu.memref_squeeze %dma_start3A_388 : memref<1x96xi32, #tpu.memory_space<hbm>> -> memref<96xi32, #tpu.memory_space<hbm>>
        %dma_start3A_390 = tpu.memref_slice %arg2[%dma_start3A_387, %add3A_386] : memref<2x320000xi32, #tpu.memory_space<hbm>> -> memref<1x96xi32, #tpu.memory_space<hbm>>
        %dma_start3A_391 = tpu.memref_squeeze %dma_start3A_390 : memref<1x96xi32, #tpu.memory_space<hbm>> -> memref<96xi32, #tpu.memory_space<hbm>>
        tpu.enqueue_dma source(%dma_start3A_391 : memref<96xi32, #tpu.memory_space<hbm>>) target(%arg15 : memref<96xi32, #tpu.memory_space<vmem>>) target_semaphore(%arg35 : memref<!tpu.dma_semaphore, #tpu.memory_space<semaphore_mem>>)
      } else {
      }
      %dma_wait3A_99 = arith.constant 0 : i32
      %dma_wait3A_100 = arith.constant 0 : i32
      %dma_wait3A_101 = tpu.memref_slice %arg2[%dma_wait3A_99, %dma_wait3A_100] : memref<2x320000xi32, #tpu.memory_space<hbm>> -> memref<1x96xi32, #tpu.memory_space<hbm>>
      %dma_wait3A_102 = tpu.memref_squeeze %dma_wait3A_101 : memref<1x96xi32, #tpu.memory_space<hbm>> -> memref<96xi32, #tpu.memory_space<hbm>>
      %dma_wait3A_103 = arith.constant 0 : i32
      %dma_wait3A_104 = tpu.memref_slice %arg2[%dma_wait3A_99, %dma_wait3A_103] : memref<2x320000xi32, #tpu.memory_space<hbm>> -> memref<1x96xi32, #tpu.memory_space<hbm>>
      %dma_wait3A_105 = tpu.memref_squeeze %dma_wait3A_104 : memref<1x96xi32, #tpu.memory_space<hbm>> -> memref<96xi32, #tpu.memory_space<hbm>>
      tpu.wait_dma2 semaphore(%arg35 : memref<!tpu.dma_semaphore, #tpu.memory_space<semaphore_mem>>) src(%dma_wait3A_105 : memref<96xi32, #tpu.memory_space<hbm>>) dst(%arg6 : memref<96xi32, #tpu.memory_space<vmem>>)
      %dma_wait3A_106 = arith.constant 0 : i32
      %dma_wait3A_107 = arith.constant 0 : i32
      %dma_wait3A_108 = tpu.memref_slice %arg2[%dma_wait3A_106, %dma_wait3A_107] : memref<2x320000xi32, #tpu.memory_space<hbm>> -> memref<1x96xi32, #tpu.memory_space<hbm>>
      %dma_wait3A_109 = tpu.memref_squeeze %dma_wait3A_108 : memref<1x96xi32, #tpu.memory_space<hbm>> -> memref<96xi32, #tpu.memory_space<hbm>>
      %dma_wait3A_110 = arith.constant 0 : i32
      %dma_wait3A_111 = tpu.memref_slice %arg2[%dma_wait3A_106, %dma_wait3A_110] : memref<2x320000xi32, #tpu.memory_space<hbm>> -> memref<1x96xi32, #tpu.memory_space<hbm>>
      %dma_wait3A_112 = tpu.memref_squeeze %dma_wait3A_111 : memref<1x96xi32, #tpu.memory_space<hbm>> -> memref<96xi32, #tpu.memory_space<hbm>>
      tpu.wait_dma2 semaphore(%arg35 : memref<!tpu.dma_semaphore, #tpu.memory_space<semaphore_mem>>) src(%dma_wait3A_112 : memref<96xi32, #tpu.memory_space<hbm>>) dst(%arg14 : memref<96xi32, #tpu.memory_space<vmem>>)
      %dma_start3A_113 = arith.constant 0 : i32
      %dma_start3A_114 = arith.constant 0 : i32
      %dma_start3A_115 = tpu.memref_slice %arg3[%dma_start3A_113, %dma_start3A_114] : memref<10000x128xf32, #tpu.memory_space<hbm>> -> memref<10000x128xf32, #tpu.memory_space<hbm>>
      tpu.enqueue_indirect_dma source(%dma_start3A_115 : memref<10000x128xf32, #tpu.memory_space<hbm>>) target(%arg22 : memref<96x128xf32, #tpu.memory_space<vmem>>) offsets(%arg6 : memref<96xi32, #tpu.memory_space<vmem>>) semaphore(%arg27 : memref<!tpu.dma_semaphore, #tpu.memory_space<semaphore_mem>>)
      %ge3A_116 = arith.constant 2 : i32
      %ge3A_117 = arith.cmpi sge, %add3A_90, %ge3A_116 : i32
      %convert_element_type3A_118 = arith.extui %ge3A_117 : i1 to i32
      %cond3A_119 = arith.constant 0 : i32
      %cond3A_120 = arith.cmpi ne, %convert_element_type3A_118, %cond3A_119 : i32
      scf.if %cond3A_120 {
        %dma_wait3A_374 = arith.constant 0 : i32
        %dma_wait3A_375 = arith.constant 0 : i32
        %dma_wait3A_376 = tpu.memref_slice %arg4[%dma_wait3A_374, %dma_wait3A_375] : memref<10000x128xf32, #tpu.memory_space<hbm>> -> memref<96x128xf32, #tpu.memory_space<hbm>>
        %dma_wait3A_377 = arith.constant 0 : i32
        %dma_wait3A_378 = arith.constant 0 : i32
        %dma_wait3A_379 = tpu.memref_slice %arg4[%dma_wait3A_377, %dma_wait3A_378] : memref<10000x128xf32, #tpu.memory_space<hbm>> -> memref<96x128xf32, #tpu.memory_space<hbm>>
        tpu.wait_dma2 semaphore(%arg29 : memref<!tpu.dma_semaphore, #tpu.memory_space<semaphore_mem>>) src(%dma_wait3A_379 : memref<96x128xf32, #tpu.memory_space<hbm>>) dst(%arg24 : memref<96x128xf32, #tpu.memory_space<vmem>>)
        %dma_start3A_380 = arith.constant 0 : i32
        %dma_start3A_381 = arith.constant 0 : i32
        %dma_start3A_382 = tpu.memref_slice %arg26[%dma_start3A_380, %dma_start3A_381] : memref<10000x128xf32, #tpu.memory_space<vmem_shared>> -> memref<10000x128xf32, #tpu.memory_space<vmem_shared>>
        tpu.enqueue_indirect_dma source(%arg24 : memref<96x128xf32, #tpu.memory_space<vmem>>) target(%dma_start3A_382 : memref<10000x128xf32, #tpu.memory_space<vmem_shared>>) offsets(%arg20 : memref<96xi32, #tpu.memory_space<vmem>>) semaphore(%arg33 : memref<!tpu.dma_semaphore, #tpu.memory_space<semaphore_mem>>) {add = true}
      } else {
      }
      %add3A_121 = arith.constant 1 : i32
      %add3A_122 = arith.addi %mul3A_88, %add3A_121 : i32
      %ge3A_123 = arith.constant 4 : i32
      %ge3A_124 = arith.cmpi sge, %add3A_122, %ge3A_123 : i32
      %convert_element_type3A_125 = arith.extui %ge3A_124 : i1 to i32
      %cond3A_126 = arith.constant 0 : i32
      %cond3A_127 = arith.cmpi ne, %convert_element_type3A_125, %cond3A_126 : i32
      scf.if %cond3A_127 {
        %dma_wait3A_374 = arith.constant 0 : i32
        %dma_wait3A_375 = arith.constant 0 : i32
        %dma_wait3A_376 = tpu.memref_slice %arg4[%dma_wait3A_374, %dma_wait3A_375] : memref<10000x128xf32, #tpu.memory_space<hbm>> -> memref<96x128xf32, #tpu.memory_space<hbm>>
        %dma_wait3A_377 = arith.constant 0 : i32
        %dma_wait3A_378 = arith.constant 0 : i32
        %dma_wait3A_379 = tpu.memref_slice %arg4[%dma_wait3A_377, %dma_wait3A_378] : memref<10000x128xf32, #tpu.memory_space<hbm>> -> memref<96x128xf32, #tpu.memory_space<hbm>>
        tpu.wait_dma2 semaphore(%arg32 : memref<!tpu.dma_semaphore, #tpu.memory_space<semaphore_mem>>) src(%dma_wait3A_379 : memref<96x128xf32, #tpu.memory_space<hbm>>) dst(%arg23 : memref<96x128xf32, #tpu.memory_space<vmem>>)
      } else {
      }
      %add3A_128 = arith.constant 1 : i32
      %add3A_129 = arith.addi %add3A_122, %add3A_128 : i32
      %lt3A_130 = arith.constant 104 : i32
      %lt3A_131 = arith.cmpi slt, %add3A_129, %lt3A_130 : i32
      %convert_element_type3A_132 = arith.extui %lt3A_131 : i1 to i32
      %cond3A_133 = arith.constant 0 : i32
      %cond3A_134 = arith.cmpi ne, %convert_element_type3A_132, %cond3A_133 : i32
      scf.if %cond3A_134 {
        %add3A_374 = arith.constant 1 : i32
        %add3A_375 = arith.addi %add3A_122, %add3A_374 : i32
        %mul3A_376 = arith.constant 96 : i32
        %mul3A_377 = arith.muli %add3A_375, %mul3A_376 : i32
        %add3A_378 = arith.addi %mul3A_2, %mul3A_377 : i32
        %dma_start3A_379 = arith.constant 0 : i32
        %dma_start3A_380 = tpu.memref_slice %arg2[%dma_start3A_379, %add3A_378] : memref<2x320000xi32, #tpu.memory_space<hbm>> -> memref<1x96xi32, #tpu.memory_space<hbm>>
        %dma_start3A_381 = tpu.memref_squeeze %dma_start3A_380 : memref<1x96xi32, #tpu.memory_space<hbm>> -> memref<96xi32, #tpu.memory_space<hbm>>
        %dma_start3A_382 = tpu.memref_slice %arg2[%dma_start3A_379, %add3A_378] : memref<2x320000xi32, #tpu.memory_space<hbm>> -> memref<1x96xi32, #tpu.memory_space<hbm>>
        %dma_start3A_383 = tpu.memref_squeeze %dma_start3A_382 : memref<1x96xi32, #tpu.memory_space<hbm>> -> memref<96xi32, #tpu.memory_space<hbm>>
        tpu.enqueue_dma source(%dma_start3A_383 : memref<96xi32, #tpu.memory_space<hbm>>) target(%arg8 : memref<96xi32, #tpu.memory_space<vmem>>) target_semaphore(%arg35 : memref<!tpu.dma_semaphore, #tpu.memory_space<semaphore_mem>>)
        %mul3A_384 = arith.constant 96 : i32
        %mul3A_385 = arith.muli %add3A_375, %mul3A_384 : i32
        %add3A_386 = arith.addi %mul3A_2, %mul3A_385 : i32
        %dma_start3A_387 = arith.constant 1 : i32
        %dma_start3A_388 = tpu.memref_slice %arg2[%dma_start3A_387, %add3A_386] : memref<2x320000xi32, #tpu.memory_space<hbm>> -> memref<1x96xi32, #tpu.memory_space<hbm>>
        %dma_start3A_389 = tpu.memref_squeeze %dma_start3A_388 : memref<1x96xi32, #tpu.memory_space<hbm>> -> memref<96xi32, #tpu.memory_space<hbm>>
        %dma_start3A_390 = tpu.memref_slice %arg2[%dma_start3A_387, %add3A_386] : memref<2x320000xi32, #tpu.memory_space<hbm>> -> memref<1x96xi32, #tpu.memory_space<hbm>>
        %dma_start3A_391 = tpu.memref_squeeze %dma_start3A_390 : memref<1x96xi32, #tpu.memory_space<hbm>> -> memref<96xi32, #tpu.memory_space<hbm>>
        tpu.enqueue_dma source(%dma_start3A_391 : memref<96xi32, #tpu.memory_space<hbm>>) target(%arg16 : memref<96xi32, #tpu.memory_space<vmem>>) target_semaphore(%arg35 : memref<!tpu.dma_semaphore, #tpu.memory_space<semaphore_mem>>)
      } else {
      }
      %dma_wait3A_135 = arith.constant 0 : i32
      %dma_wait3A_136 = arith.constant 0 : i32
      %dma_wait3A_137 = tpu.memref_slice %arg2[%dma_wait3A_135, %dma_wait3A_136] : memref<2x320000xi32, #tpu.memory_space<hbm>> -> memref<1x96xi32, #tpu.memory_space<hbm>>
      %dma_wait3A_138 = tpu.memref_squeeze %dma_wait3A_137 : memref<1x96xi32, #tpu.memory_space<hbm>> -> memref<96xi32, #tpu.memory_space<hbm>>
      %dma_wait3A_139 = arith.constant 0 : i32
      %dma_wait3A_140 = tpu.memref_slice %arg2[%dma_wait3A_135, %dma_wait3A_139] : memref<2x320000xi32, #tpu.memory_space<hbm>> -> memref<1x96xi32, #tpu.memory_space<hbm>>
      %dma_wait3A_141 = tpu.memref_squeeze %dma_wait3A_140 : memref<1x96xi32, #tpu.memory_space<hbm>> -> memref<96xi32, #tpu.memory_space<hbm>>
      tpu.wait_dma2 semaphore(%arg35 : memref<!tpu.dma_semaphore, #tpu.memory_space<semaphore_mem>>) src(%dma_wait3A_141 : memref<96xi32, #tpu.memory_space<hbm>>) dst(%arg7 : memref<96xi32, #tpu.memory_space<vmem>>)
      %dma_wait3A_142 = arith.constant 0 : i32
      %dma_wait3A_143 = arith.constant 0 : i32
      %dma_wait3A_144 = tpu.memref_slice %arg2[%dma_wait3A_142, %dma_wait3A_143] : memref<2x320000xi32, #tpu.memory_space<hbm>> -> memref<1x96xi32, #tpu.memory_space<hbm>>
      %dma_wait3A_145 = tpu.memref_squeeze %dma_wait3A_144 : memref<1x96xi32, #tpu.memory_space<hbm>> -> memref<96xi32, #tpu.memory_space<hbm>>
      %dma_wait3A_146 = arith.constant 0 : i32
      %dma_wait3A_147 = tpu.memref_slice %arg2[%dma_wait3A_142, %dma_wait3A_146] : memref<2x320000xi32, #tpu.memory_space<hbm>> -> memref<1x96xi32, #tpu.memory_space<hbm>>
      %dma_wait3A_148 = tpu.memref_squeeze %dma_wait3A_147 : memref<1x96xi32, #tpu.memory_space<hbm>> -> memref<96xi32, #tpu.memory_space<hbm>>
      tpu.wait_dma2 semaphore(%arg35 : memref<!tpu.dma_semaphore, #tpu.memory_space<semaphore_mem>>) src(%dma_wait3A_148 : memref<96xi32, #tpu.memory_space<hbm>>) dst(%arg15 : memref<96xi32, #tpu.memory_space<vmem>>)
      %dma_start3A_149 = arith.constant 0 : i32
      %dma_start3A_150 = arith.constant 0 : i32
      %dma_start3A_151 = tpu.memref_slice %arg3[%dma_start3A_149, %dma_start3A_150] : memref<10000x128xf32, #tpu.memory_space<hbm>> -> memref<10000x128xf32, #tpu.memory_space<hbm>>
      tpu.enqueue_indirect_dma source(%dma_start3A_151 : memref<10000x128xf32, #tpu.memory_space<hbm>>) target(%arg23 : memref<96x128xf32, #tpu.memory_space<vmem>>) offsets(%arg7 : memref<96xi32, #tpu.memory_space<vmem>>) semaphore(%arg28 : memref<!tpu.dma_semaphore, #tpu.memory_space<semaphore_mem>>)
      %ge3A_152 = arith.constant 2 : i32
      %ge3A_153 = arith.cmpi sge, %add3A_122, %ge3A_152 : i32
      %convert_element_type3A_154 = arith.extui %ge3A_153 : i1 to i32
      %cond3A_155 = arith.constant 0 : i32
      %cond3A_156 = arith.cmpi ne, %convert_element_type3A_154, %cond3A_155 : i32
      scf.if %cond3A_156 {
        %dma_wait3A_374 = arith.constant 0 : i32
        %dma_wait3A_375 = arith.constant 0 : i32
        %dma_wait3A_376 = tpu.memref_slice %arg4[%dma_wait3A_374, %dma_wait3A_375] : memref<10000x128xf32, #tpu.memory_space<hbm>> -> memref<96x128xf32, #tpu.memory_space<hbm>>
        %dma_wait3A_377 = arith.constant 0 : i32
        %dma_wait3A_378 = arith.constant 0 : i32
        %dma_wait3A_379 = tpu.memref_slice %arg4[%dma_wait3A_377, %dma_wait3A_378] : memref<10000x128xf32, #tpu.memory_space<hbm>> -> memref<96x128xf32, #tpu.memory_space<hbm>>
        tpu.wait_dma2 semaphore(%arg30 : memref<!tpu.dma_semaphore, #tpu.memory_space<semaphore_mem>>) src(%dma_wait3A_379 : memref<96x128xf32, #tpu.memory_space<hbm>>) dst(%arg25 : memref<96x128xf32, #tpu.memory_space<vmem>>)
        %dma_start3A_380 = arith.constant 0 : i32
        %dma_start3A_381 = arith.constant 0 : i32
        %dma_start3A_382 = tpu.memref_slice %arg26[%dma_start3A_380, %dma_start3A_381] : memref<10000x128xf32, #tpu.memory_space<vmem_shared>> -> memref<10000x128xf32, #tpu.memory_space<vmem_shared>>
        tpu.enqueue_indirect_dma source(%arg25 : memref<96x128xf32, #tpu.memory_space<vmem>>) target(%dma_start3A_382 : memref<10000x128xf32, #tpu.memory_space<vmem_shared>>) offsets(%arg21 : memref<96xi32, #tpu.memory_space<vmem>>) semaphore(%arg34 : memref<!tpu.dma_semaphore, #tpu.memory_space<semaphore_mem>>) {add = true}
      } else {
      }
      %add3A_157 = arith.constant 2 : i32
      %add3A_158 = arith.addi %mul3A_88, %add3A_157 : i32
      %ge3A_159 = arith.constant 4 : i32
      %ge3A_160 = arith.cmpi sge, %add3A_158, %ge3A_159 : i32
      %convert_element_type3A_161 = arith.extui %ge3A_160 : i1 to i32
      %cond3A_162 = arith.constant 0 : i32
      %cond3A_163 = arith.cmpi ne, %convert_element_type3A_161, %cond3A_162 : i32
      scf.if %cond3A_163 {
        %dma_wait3A_374 = arith.constant 0 : i32
        %dma_wait3A_375 = arith.constant 0 : i32
        %dma_wait3A_376 = tpu.memref_slice %arg4[%dma_wait3A_374, %dma_wait3A_375] : memref<10000x128xf32, #tpu.memory_space<hbm>> -> memref<96x128xf32, #tpu.memory_space<hbm>>
        %dma_wait3A_377 = arith.constant 0 : i32
        %dma_wait3A_378 = arith.constant 0 : i32
        %dma_wait3A_379 = tpu.memref_slice %arg4[%dma_wait3A_377, %dma_wait3A_378] : memref<10000x128xf32, #tpu.memory_space<hbm>> -> memref<96x128xf32, #tpu.memory_space<hbm>>
        tpu.wait_dma2 semaphore(%arg33 : memref<!tpu.dma_semaphore, #tpu.memory_space<semaphore_mem>>) src(%dma_wait3A_379 : memref<96x128xf32, #tpu.memory_space<hbm>>) dst(%arg24 : memref<96x128xf32, #tpu.memory_space<vmem>>)
      } else {
      }
      %add3A_164 = arith.constant 1 : i32
      %add3A_165 = arith.addi %add3A_158, %add3A_164 : i32
      %lt3A_166 = arith.constant 104 : i32
      %lt3A_167 = arith.cmpi slt, %add3A_165, %lt3A_166 : i32
      %convert_element_type3A_168 = arith.extui %lt3A_167 : i1 to i32
      %cond3A_169 = arith.constant 0 : i32
      %cond3A_170 = arith.cmpi ne, %convert_element_type3A_168, %cond3A_169 : i32
      scf.if %cond3A_170 {
        %add3A_374 = arith.constant 1 : i32
        %add3A_375 = arith.addi %add3A_158, %add3A_374 : i32
        %mul3A_376 = arith.constant 96 : i32
        %mul3A_377 = arith.muli %add3A_375, %mul3A_376 : i32
        %add3A_378 = arith.addi %mul3A_2, %mul3A_377 : i32
        %dma_start3A_379 = arith.constant 0 : i32
        %dma_start3A_380 = tpu.memref_slice %arg2[%dma_start3A_379, %add3A_378] : memref<2x320000xi32, #tpu.memory_space<hbm>> -> memref<1x96xi32, #tpu.memory_space<hbm>>
        %dma_start3A_381 = tpu.memref_squeeze %dma_start3A_380 : memref<1x96xi32, #tpu.memory_space<hbm>> -> memref<96xi32, #tpu.memory_space<hbm>>
        %dma_start3A_382 = tpu.memref_slice %arg2[%dma_start3A_379, %add3A_378] : memref<2x320000xi32, #tpu.memory_space<hbm>> -> memref<1x96xi32, #tpu.memory_space<hbm>>
        %dma_start3A_383 = tpu.memref_squeeze %dma_start3A_382 : memref<1x96xi32, #tpu.memory_space<hbm>> -> memref<96xi32, #tpu.memory_space<hbm>>
        tpu.enqueue_dma source(%dma_start3A_383 : memref<96xi32, #tpu.memory_space<hbm>>) target(%arg9 : memref<96xi32, #tpu.memory_space<vmem>>) target_semaphore(%arg35 : memref<!tpu.dma_semaphore, #tpu.memory_space<semaphore_mem>>)
        %mul3A_384 = arith.constant 96 : i32
        %mul3A_385 = arith.muli %add3A_375, %mul3A_384 : i32
        %add3A_386 = arith.addi %mul3A_2, %mul3A_385 : i32
        %dma_start3A_387 = arith.constant 1 : i32
        %dma_start3A_388 = tpu.memref_slice %arg2[%dma_start3A_387, %add3A_386] : memref<2x320000xi32, #tpu.memory_space<hbm>> -> memref<1x96xi32, #tpu.memory_space<hbm>>
        %dma_start3A_389 = tpu.memref_squeeze %dma_start3A_388 : memref<1x96xi32, #tpu.memory_space<hbm>> -> memref<96xi32, #tpu.memory_space<hbm>>
        %dma_start3A_390 = tpu.memref_slice %arg2[%dma_start3A_387, %add3A_386] : memref<2x320000xi32, #tpu.memory_space<hbm>> -> memref<1x96xi32, #tpu.memory_space<hbm>>
        %dma_start3A_391 = tpu.memref_squeeze %dma_start3A_390 : memref<1x96xi32, #tpu.memory_space<hbm>> -> memref<96xi32, #tpu.memory_space<hbm>>
        tpu.enqueue_dma source(%dma_start3A_391 : memref<96xi32, #tpu.memory_space<hbm>>) target(%arg17 : memref<96xi32, #tpu.memory_space<vmem>>) target_semaphore(%arg35 : memref<!tpu.dma_semaphore, #tpu.memory_space<semaphore_mem>>)
      } else {
      }
      %dma_wait3A_171 = arith.constant 0 : i32
      %dma_wait3A_172 = arith.constant 0 : i32
      %dma_wait3A_173 = tpu.memref_slice %arg2[%dma_wait3A_171, %dma_wait3A_172] : memref<2x320000xi32, #tpu.memory_space<hbm>> -> memref<1x96xi32, #tpu.memory_space<hbm>>
      %dma_wait3A_174 = tpu.memref_squeeze %dma_wait3A_173 : memref<1x96xi32, #tpu.memory_space<hbm>> -> memref<96xi32, #tpu.memory_space<hbm>>
      %dma_wait3A_175 = arith.constant 0 : i32
      %dma_wait3A_176 = tpu.memref_slice %arg2[%dma_wait3A_171, %dma_wait3A_175] : memref<2x320000xi32, #tpu.memory_space<hbm>> -> memref<1x96xi32, #tpu.memory_space<hbm>>
      %dma_wait3A_177 = tpu.memref_squeeze %dma_wait3A_176 : memref<1x96xi32, #tpu.memory_space<hbm>> -> memref<96xi32, #tpu.memory_space<hbm>>
      tpu.wait_dma2 semaphore(%arg35 : memref<!tpu.dma_semaphore, #tpu.memory_space<semaphore_mem>>) src(%dma_wait3A_177 : memref<96xi32, #tpu.memory_space<hbm>>) dst(%arg8 : memref<96xi32, #tpu.memory_space<vmem>>)
      %dma_wait3A_178 = arith.constant 0 : i32
      %dma_wait3A_179 = arith.constant 0 : i32
      %dma_wait3A_180 = tpu.memref_slice %arg2[%dma_wait3A_178, %dma_wait3A_179] : memref<2x320000xi32, #tpu.memory_space<hbm>> -> memref<1x96xi32, #tpu.memory_space<hbm>>
      %dma_wait3A_181 = tpu.memref_squeeze %dma_wait3A_180 : memref<1x96xi32, #tpu.memory_space<hbm>> -> memref<96xi32, #tpu.memory_space<hbm>>
      %dma_wait3A_182 = arith.constant 0 : i32
      %dma_wait3A_183 = tpu.memref_slice %arg2[%dma_wait3A_178, %dma_wait3A_182] : memref<2x320000xi32, #tpu.memory_space<hbm>> -> memref<1x96xi32, #tpu.memory_space<hbm>>
      %dma_wait3A_184 = tpu.memref_squeeze %dma_wait3A_183 : memref<1x96xi32, #tpu.memory_space<hbm>> -> memref<96xi32, #tpu.memory_space<hbm>>
      tpu.wait_dma2 semaphore(%arg35 : memref<!tpu.dma_semaphore, #tpu.memory_space<semaphore_mem>>) src(%dma_wait3A_184 : memref<96xi32, #tpu.memory_space<hbm>>) dst(%arg16 : memref<96xi32, #tpu.memory_space<vmem>>)
      %dma_start3A_185 = arith.constant 0 : i32
      %dma_start3A_186 = arith.constant 0 : i32
      %dma_start3A_187 = tpu.memref_slice %arg3[%dma_start3A_185, %dma_start3A_186] : memref<10000x128xf32, #tpu.memory_space<hbm>> -> memref<10000x128xf32, #tpu.memory_space<hbm>>
      tpu.enqueue_indirect_dma source(%dma_start3A_187 : memref<10000x128xf32, #tpu.memory_space<hbm>>) target(%arg24 : memref<96x128xf32, #tpu.memory_space<vmem>>) offsets(%arg8 : memref<96xi32, #tpu.memory_space<vmem>>) semaphore(%arg29 : memref<!tpu.dma_semaphore, #tpu.memory_space<semaphore_mem>>)
      %ge3A_188 = arith.constant 2 : i32
      %ge3A_189 = arith.cmpi sge, %add3A_158, %ge3A_188 : i32
      %convert_element_type3A_190 = arith.extui %ge3A_189 : i1 to i32
      %cond3A_191 = arith.constant 0 : i32
      %cond3A_192 = arith.cmpi ne, %convert_element_type3A_190, %cond3A_191 : i32
      scf.if %cond3A_192 {
        %dma_wait3A_374 = arith.constant 0 : i32
        %dma_wait3A_375 = arith.constant 0 : i32
        %dma_wait3A_376 = tpu.memref_slice %arg4[%dma_wait3A_374, %dma_wait3A_375] : memref<10000x128xf32, #tpu.memory_space<hbm>> -> memref<96x128xf32, #tpu.memory_space<hbm>>
        %dma_wait3A_377 = arith.constant 0 : i32
        %dma_wait3A_378 = arith.constant 0 : i32
        %dma_wait3A_379 = tpu.memref_slice %arg4[%dma_wait3A_377, %dma_wait3A_378] : memref<10000x128xf32, #tpu.memory_space<hbm>> -> memref<96x128xf32, #tpu.memory_space<hbm>>
        tpu.wait_dma2 semaphore(%arg27 : memref<!tpu.dma_semaphore, #tpu.memory_space<semaphore_mem>>) src(%dma_wait3A_379 : memref<96x128xf32, #tpu.memory_space<hbm>>) dst(%arg22 : memref<96x128xf32, #tpu.memory_space<vmem>>)
        %dma_start3A_380 = arith.constant 0 : i32
        %dma_start3A_381 = arith.constant 0 : i32
        %dma_start3A_382 = tpu.memref_slice %arg26[%dma_start3A_380, %dma_start3A_381] : memref<10000x128xf32, #tpu.memory_space<vmem_shared>> -> memref<10000x128xf32, #tpu.memory_space<vmem_shared>>
        tpu.enqueue_indirect_dma source(%arg22 : memref<96x128xf32, #tpu.memory_space<vmem>>) target(%dma_start3A_382 : memref<10000x128xf32, #tpu.memory_space<vmem_shared>>) offsets(%arg14 : memref<96xi32, #tpu.memory_space<vmem>>) semaphore(%arg31 : memref<!tpu.dma_semaphore, #tpu.memory_space<semaphore_mem>>) {add = true}
      } else {
      }
      %add3A_193 = arith.constant 3 : i32
      %add3A_194 = arith.addi %mul3A_88, %add3A_193 : i32
      %ge3A_195 = arith.constant 4 : i32
      %ge3A_196 = arith.cmpi sge, %add3A_194, %ge3A_195 : i32
      %convert_element_type3A_197 = arith.extui %ge3A_196 : i1 to i32
      %cond3A_198 = arith.constant 0 : i32
      %cond3A_199 = arith.cmpi ne, %convert_element_type3A_197, %cond3A_198 : i32
      scf.if %cond3A_199 {
        %dma_wait3A_374 = arith.constant 0 : i32
        %dma_wait3A_375 = arith.constant 0 : i32
        %dma_wait3A_376 = tpu.memref_slice %arg4[%dma_wait3A_374, %dma_wait3A_375] : memref<10000x128xf32, #tpu.memory_space<hbm>> -> memref<96x128xf32, #tpu.memory_space<hbm>>
        %dma_wait3A_377 = arith.constant 0 : i32
        %dma_wait3A_378 = arith.constant 0 : i32
        %dma_wait3A_379 = tpu.memref_slice %arg4[%dma_wait3A_377, %dma_wait3A_378] : memref<10000x128xf32, #tpu.memory_space<hbm>> -> memref<96x128xf32, #tpu.memory_space<hbm>>
        tpu.wait_dma2 semaphore(%arg34 : memref<!tpu.dma_semaphore, #tpu.memory_space<semaphore_mem>>) src(%dma_wait3A_379 : memref<96x128xf32, #tpu.memory_space<hbm>>) dst(%arg25 : memref<96x128xf32, #tpu.memory_space<vmem>>)
      } else {
      }
      %add3A_200 = arith.constant 1 : i32
      %add3A_201 = arith.addi %add3A_194, %add3A_200 : i32
      %lt3A_202 = arith.constant 104 : i32
      %lt3A_203 = arith.cmpi slt, %add3A_201, %lt3A_202 : i32
      %convert_element_type3A_204 = arith.extui %lt3A_203 : i1 to i32
      %cond3A_205 = arith.constant 0 : i32
      %cond3A_206 = arith.cmpi ne, %convert_element_type3A_204, %cond3A_205 : i32
      scf.if %cond3A_206 {
        %add3A_374 = arith.constant 1 : i32
        %add3A_375 = arith.addi %add3A_194, %add3A_374 : i32
        %mul3A_376 = arith.constant 96 : i32
        %mul3A_377 = arith.muli %add3A_375, %mul3A_376 : i32
        %add3A_378 = arith.addi %mul3A_2, %mul3A_377 : i32
        %dma_start3A_379 = arith.constant 0 : i32
        %dma_start3A_380 = tpu.memref_slice %arg2[%dma_start3A_379, %add3A_378] : memref<2x320000xi32, #tpu.memory_space<hbm>> -> memref<1x96xi32, #tpu.memory_space<hbm>>
        %dma_start3A_381 = tpu.memref_squeeze %dma_start3A_380 : memref<1x96xi32, #tpu.memory_space<hbm>> -> memref<96xi32, #tpu.memory_space<hbm>>
        %dma_start3A_382 = tpu.memref_slice %arg2[%dma_start3A_379, %add3A_378] : memref<2x320000xi32, #tpu.memory_space<hbm>> -> memref<1x96xi32, #tpu.memory_space<hbm>>
        %dma_start3A_383 = tpu.memref_squeeze %dma_start3A_382 : memref<1x96xi32, #tpu.memory_space<hbm>> -> memref<96xi32, #tpu.memory_space<hbm>>
        tpu.enqueue_dma source(%dma_start3A_383 : memref<96xi32, #tpu.memory_space<hbm>>) target(%arg10 : memref<96xi32, #tpu.memory_space<vmem>>) target_semaphore(%arg35 : memref<!tpu.dma_semaphore, #tpu.memory_space<semaphore_mem>>)
        %mul3A_384 = arith.constant 96 : i32
        %mul3A_385 = arith.muli %add3A_375, %mul3A_384 : i32
        %add3A_386 = arith.addi %mul3A_2, %mul3A_385 : i32
        %dma_start3A_387 = arith.constant 1 : i32
        %dma_start3A_388 = tpu.memref_slice %arg2[%dma_start3A_387, %add3A_386] : memref<2x320000xi32, #tpu.memory_space<hbm>> -> memref<1x96xi32, #tpu.memory_space<hbm>>
        %dma_start3A_389 = tpu.memref_squeeze %dma_start3A_388 : memref<1x96xi32, #tpu.memory_space<hbm>> -> memref<96xi32, #tpu.memory_space<hbm>>
        %dma_start3A_390 = tpu.memref_slice %arg2[%dma_start3A_387, %add3A_386] : memref<2x320000xi32, #tpu.memory_space<hbm>> -> memref<1x96xi32, #tpu.memory_space<hbm>>
        %dma_start3A_391 = tpu.memref_squeeze %dma_start3A_390 : memref<1x96xi32, #tpu.memory_space<hbm>> -> memref<96xi32, #tpu.memory_space<hbm>>
        tpu.enqueue_dma source(%dma_start3A_391 : memref<96xi32, #tpu.memory_space<hbm>>) target(%arg18 : memref<96xi32, #tpu.memory_space<vmem>>) target_semaphore(%arg35 : memref<!tpu.dma_semaphore, #tpu.memory_space<semaphore_mem>>)
      } else {
      }
      %dma_wait3A_207 = arith.constant 0 : i32
      %dma_wait3A_208 = arith.constant 0 : i32
      %dma_wait3A_209 = tpu.memref_slice %arg2[%dma_wait3A_207, %dma_wait3A_208] : memref<2x320000xi32, #tpu.memory_space<hbm>> -> memref<1x96xi32, #tpu.memory_space<hbm>>
      %dma_wait3A_210 = tpu.memref_squeeze %dma_wait3A_209 : memref<1x96xi32, #tpu.memory_space<hbm>> -> memref<96xi32, #tpu.memory_space<hbm>>
      %dma_wait3A_211 = arith.constant 0 : i32
      %dma_wait3A_212 = tpu.memref_slice %arg2[%dma_wait3A_207, %dma_wait3A_211] : memref<2x320000xi32, #tpu.memory_space<hbm>> -> memref<1x96xi32, #tpu.memory_space<hbm>>
      %dma_wait3A_213 = tpu.memref_squeeze %dma_wait3A_212 : memref<1x96xi32, #tpu.memory_space<hbm>> -> memref<96xi32, #tpu.memory_space<hbm>>
      tpu.wait_dma2 semaphore(%arg35 : memref<!tpu.dma_semaphore, #tpu.memory_space<semaphore_mem>>) src(%dma_wait3A_213 : memref<96xi32, #tpu.memory_space<hbm>>) dst(%arg9 : memref<96xi32, #tpu.memory_space<vmem>>)
      %dma_wait3A_214 = arith.constant 0 : i32
      %dma_wait3A_215 = arith.constant 0 : i32
      %dma_wait3A_216 = tpu.memref_slice %arg2[%dma_wait3A_214, %dma_wait3A_215] : memref<2x320000xi32, #tpu.memory_space<hbm>> -> memref<1x96xi32, #tpu.memory_space<hbm>>
      %dma_wait3A_217 = tpu.memref_squeeze %dma_wait3A_216 : memref<1x96xi32, #tpu.memory_space<hbm>> -> memref<96xi32, #tpu.memory_space<hbm>>
      %dma_wait3A_218 = arith.constant 0 : i32
      %dma_wait3A_219 = tpu.memref_slice %arg2[%dma_wait3A_214, %dma_wait3A_218] : memref<2x320000xi32, #tpu.memory_space<hbm>> -> memref<1x96xi32, #tpu.memory_space<hbm>>
      %dma_wait3A_220 = tpu.memref_squeeze %dma_wait3A_219 : memref<1x96xi32, #tpu.memory_space<hbm>> -> memref<96xi32, #tpu.memory_space<hbm>>
      tpu.wait_dma2 semaphore(%arg35 : memref<!tpu.dma_semaphore, #tpu.memory_space<semaphore_mem>>) src(%dma_wait3A_220 : memref<96xi32, #tpu.memory_space<hbm>>) dst(%arg17 : memref<96xi32, #tpu.memory_space<vmem>>)
      %dma_start3A_221 = arith.constant 0 : i32
      %dma_start3A_222 = arith.constant 0 : i32
      %dma_start3A_223 = tpu.memref_slice %arg3[%dma_start3A_221, %dma_start3A_222] : memref<10000x128xf32, #tpu.memory_space<hbm>> -> memref<10000x128xf32, #tpu.memory_space<hbm>>
      tpu.enqueue_indirect_dma source(%dma_start3A_223 : memref<10000x128xf32, #tpu.memory_space<hbm>>) target(%arg25 : memref<96x128xf32, #tpu.memory_space<vmem>>) offsets(%arg9 : memref<96xi32, #tpu.memory_space<vmem>>) semaphore(%arg30 : memref<!tpu.dma_semaphore, #tpu.memory_space<semaphore_mem>>)
      %ge3A_224 = arith.constant 2 : i32
      %ge3A_225 = arith.cmpi sge, %add3A_194, %ge3A_224 : i32
      %convert_element_type3A_226 = arith.extui %ge3A_225 : i1 to i32
      %cond3A_227 = arith.constant 0 : i32
      %cond3A_228 = arith.cmpi ne, %convert_element_type3A_226, %cond3A_227 : i32
      scf.if %cond3A_228 {
        %dma_wait3A_374 = arith.constant 0 : i32
        %dma_wait3A_375 = arith.constant 0 : i32
        %dma_wait3A_376 = tpu.memref_slice %arg4[%dma_wait3A_374, %dma_wait3A_375] : memref<10000x128xf32, #tpu.memory_space<hbm>> -> memref<96x128xf32, #tpu.memory_space<hbm>>
        %dma_wait3A_377 = arith.constant 0 : i32
        %dma_wait3A_378 = arith.constant 0 : i32
        %dma_wait3A_379 = tpu.memref_slice %arg4[%dma_wait3A_377, %dma_wait3A_378] : memref<10000x128xf32, #tpu.memory_space<hbm>> -> memref<96x128xf32, #tpu.memory_space<hbm>>
        tpu.wait_dma2 semaphore(%arg28 : memref<!tpu.dma_semaphore, #tpu.memory_space<semaphore_mem>>) src(%dma_wait3A_379 : memref<96x128xf32, #tpu.memory_space<hbm>>) dst(%arg23 : memref<96x128xf32, #tpu.memory_space<vmem>>)
        %dma_start3A_380 = arith.constant 0 : i32
        %dma_start3A_381 = arith.constant 0 : i32
        %dma_start3A_382 = tpu.memref_slice %arg26[%dma_start3A_380, %dma_start3A_381] : memref<10000x128xf32, #tpu.memory_space<vmem_shared>> -> memref<10000x128xf32, #tpu.memory_space<vmem_shared>>
        tpu.enqueue_indirect_dma source(%arg23 : memref<96x128xf32, #tpu.memory_space<vmem>>) target(%dma_start3A_382 : memref<10000x128xf32, #tpu.memory_space<vmem_shared>>) offsets(%arg15 : memref<96xi32, #tpu.memory_space<vmem>>) semaphore(%arg32 : memref<!tpu.dma_semaphore, #tpu.memory_space<semaphore_mem>>) {add = true}
      } else {
      }
      %add3A_229 = arith.constant 4 : i32
      %add3A_230 = arith.addi %mul3A_88, %add3A_229 : i32
      %ge3A_231 = arith.constant 4 : i32
      %ge3A_232 = arith.cmpi sge, %add3A_230, %ge3A_231 : i32
      %convert_element_type3A_233 = arith.extui %ge3A_232 : i1 to i32
      %cond3A_234 = arith.constant 0 : i32
      %cond3A_235 = arith.cmpi ne, %convert_element_type3A_233, %cond3A_234 : i32
      scf.if %cond3A_235 {
        %dma_wait3A_374 = arith.constant 0 : i32
        %dma_wait3A_375 = arith.constant 0 : i32
        %dma_wait3A_376 = tpu.memref_slice %arg4[%dma_wait3A_374, %dma_wait3A_375] : memref<10000x128xf32, #tpu.memory_space<hbm>> -> memref<96x128xf32, #tpu.memory_space<hbm>>
        %dma_wait3A_377 = arith.constant 0 : i32
        %dma_wait3A_378 = arith.constant 0 : i32
        %dma_wait3A_379 = tpu.memref_slice %arg4[%dma_wait3A_377, %dma_wait3A_378] : memref<10000x128xf32, #tpu.memory_space<hbm>> -> memref<96x128xf32, #tpu.memory_space<hbm>>
        tpu.wait_dma2 semaphore(%arg31 : memref<!tpu.dma_semaphore, #tpu.memory_space<semaphore_mem>>) src(%dma_wait3A_379 : memref<96x128xf32, #tpu.memory_space<hbm>>) dst(%arg22 : memref<96x128xf32, #tpu.memory_space<vmem>>)
      } else {
      }
      %add3A_236 = arith.constant 1 : i32
      %add3A_237 = arith.addi %add3A_230, %add3A_236 : i32
      %lt3A_238 = arith.constant 104 : i32
      %lt3A_239 = arith.cmpi slt, %add3A_237, %lt3A_238 : i32
      %convert_element_type3A_240 = arith.extui %lt3A_239 : i1 to i32
      %cond3A_241 = arith.constant 0 : i32
      %cond3A_242 = arith.cmpi ne, %convert_element_type3A_240, %cond3A_241 : i32
      scf.if %cond3A_242 {
        %add3A_374 = arith.constant 1 : i32
        %add3A_375 = arith.addi %add3A_230, %add3A_374 : i32
        %mul3A_376 = arith.constant 96 : i32
        %mul3A_377 = arith.muli %add3A_375, %mul3A_376 : i32
        %add3A_378 = arith.addi %mul3A_2, %mul3A_377 : i32
        %dma_start3A_379 = arith.constant 0 : i32
        %dma_start3A_380 = tpu.memref_slice %arg2[%dma_start3A_379, %add3A_378] : memref<2x320000xi32, #tpu.memory_space<hbm>> -> memref<1x96xi32, #tpu.memory_space<hbm>>
        %dma_start3A_381 = tpu.memref_squeeze %dma_start3A_380 : memref<1x96xi32, #tpu.memory_space<hbm>> -> memref<96xi32, #tpu.memory_space<hbm>>
        %dma_start3A_382 = tpu.memref_slice %arg2[%dma_start3A_379, %add3A_378] : memref<2x320000xi32, #tpu.memory_space<hbm>> -> memref<1x96xi32, #tpu.memory_space<hbm>>
        %dma_start3A_383 = tpu.memref_squeeze %dma_start3A_382 : memref<1x96xi32, #tpu.memory_space<hbm>> -> memref<96xi32, #tpu.memory_space<hbm>>
        tpu.enqueue_dma source(%dma_start3A_383 : memref<96xi32, #tpu.memory_space<hbm>>) target(%arg11 : memref<96xi32, #tpu.memory_space<vmem>>) target_semaphore(%arg35 : memref<!tpu.dma_semaphore, #tpu.memory_space<semaphore_mem>>)
        %mul3A_384 = arith.constant 96 : i32
        %mul3A_385 = arith.muli %add3A_375, %mul3A_384 : i32
        %add3A_386 = arith.addi %mul3A_2, %mul3A_385 : i32
        %dma_start3A_387 = arith.constant 1 : i32
        %dma_start3A_388 = tpu.memref_slice %arg2[%dma_start3A_387, %add3A_386] : memref<2x320000xi32, #tpu.memory_space<hbm>> -> memref<1x96xi32, #tpu.memory_space<hbm>>
        %dma_start3A_389 = tpu.memref_squeeze %dma_start3A_388 : memref<1x96xi32, #tpu.memory_space<hbm>> -> memref<96xi32, #tpu.memory_space<hbm>>
        %dma_start3A_390 = tpu.memref_slice %arg2[%dma_start3A_387, %add3A_386] : memref<2x320000xi32, #tpu.memory_space<hbm>> -> memref<1x96xi32, #tpu.memory_space<hbm>>
        %dma_start3A_391 = tpu.memref_squeeze %dma_start3A_390 : memref<1x96xi32, #tpu.memory_space<hbm>> -> memref<96xi32, #tpu.memory_space<hbm>>
        tpu.enqueue_dma source(%dma_start3A_391 : memref<96xi32, #tpu.memory_space<hbm>>) target(%arg19 : memref<96xi32, #tpu.memory_space<vmem>>) target_semaphore(%arg35 : memref<!tpu.dma_semaphore, #tpu.memory_space<semaphore_mem>>)
      } else {
      }
      %dma_wait3A_243 = arith.constant 0 : i32
      %dma_wait3A_244 = arith.constant 0 : i32
      %dma_wait3A_245 = tpu.memref_slice %arg2[%dma_wait3A_243, %dma_wait3A_244] : memref<2x320000xi32, #tpu.memory_space<hbm>> -> memref<1x96xi32, #tpu.memory_space<hbm>>
      %dma_wait3A_246 = tpu.memref_squeeze %dma_wait3A_245 : memref<1x96xi32, #tpu.memory_space<hbm>> -> memref<96xi32, #tpu.memory_space<hbm>>
      %dma_wait3A_247 = arith.constant 0 : i32
      %dma_wait3A_248 = tpu.memref_slice %arg2[%dma_wait3A_243, %dma_wait3A_247] : memref<2x320000xi32, #tpu.memory_space<hbm>> -> memref<1x96xi32, #tpu.memory_space<hbm>>
      %dma_wait3A_249 = tpu.memref_squeeze %dma_wait3A_248 : memref<1x96xi32, #tpu.memory_space<hbm>> -> memref<96xi32, #tpu.memory_space<hbm>>
      tpu.wait_dma2 semaphore(%arg35 : memref<!tpu.dma_semaphore, #tpu.memory_space<semaphore_mem>>) src(%dma_wait3A_249 : memref<96xi32, #tpu.memory_space<hbm>>) dst(%arg10 : memref<96xi32, #tpu.memory_space<vmem>>)
      %dma_wait3A_250 = arith.constant 0 : i32
      %dma_wait3A_251 = arith.constant 0 : i32
      %dma_wait3A_252 = tpu.memref_slice %arg2[%dma_wait3A_250, %dma_wait3A_251] : memref<2x320000xi32, #tpu.memory_space<hbm>> -> memref<1x96xi32, #tpu.memory_space<hbm>>
      %dma_wait3A_253 = tpu.memref_squeeze %dma_wait3A_252 : memref<1x96xi32, #tpu.memory_space<hbm>> -> memref<96xi32, #tpu.memory_space<hbm>>
      %dma_wait3A_254 = arith.constant 0 : i32
      %dma_wait3A_255 = tpu.memref_slice %arg2[%dma_wait3A_250, %dma_wait3A_254] : memref<2x320000xi32, #tpu.memory_space<hbm>> -> memref<1x96xi32, #tpu.memory_space<hbm>>
      %dma_wait3A_256 = tpu.memref_squeeze %dma_wait3A_255 : memref<1x96xi32, #tpu.memory_space<hbm>> -> memref<96xi32, #tpu.memory_space<hbm>>
      tpu.wait_dma2 semaphore(%arg35 : memref<!tpu.dma_semaphore, #tpu.memory_space<semaphore_mem>>) src(%dma_wait3A_256 : memref<96xi32, #tpu.memory_space<hbm>>) dst(%arg18 : memref<96xi32, #tpu.memory_space<vmem>>)
      %dma_start3A_257 = arith.constant 0 : i32
      %dma_start3A_258 = arith.constant 0 : i32
      %dma_start3A_259 = tpu.memref_slice %arg3[%dma_start3A_257, %dma_start3A_258] : memref<10000x128xf32, #tpu.memory_space<hbm>> -> memref<10000x128xf32, #tpu.memory_space<hbm>>
      tpu.enqueue_indirect_dma source(%dma_start3A_259 : memref<10000x128xf32, #tpu.memory_space<hbm>>) target(%arg22 : memref<96x128xf32, #tpu.memory_space<vmem>>) offsets(%arg10 : memref<96xi32, #tpu.memory_space<vmem>>) semaphore(%arg27 : memref<!tpu.dma_semaphore, #tpu.memory_space<semaphore_mem>>)
      %ge3A_260 = arith.constant 2 : i32
      %ge3A_261 = arith.cmpi sge, %add3A_230, %ge3A_260 : i32
      %convert_element_type3A_262 = arith.extui %ge3A_261 : i1 to i32
      %cond3A_263 = arith.constant 0 : i32
      %cond3A_264 = arith.cmpi ne, %convert_element_type3A_262, %cond3A_263 : i32
      scf.if %cond3A_264 {
        %dma_wait3A_374 = arith.constant 0 : i32
        %dma_wait3A_375 = arith.constant 0 : i32
        %dma_wait3A_376 = tpu.memref_slice %arg4[%dma_wait3A_374, %dma_wait3A_375] : memref<10000x128xf32, #tpu.memory_space<hbm>> -> memref<96x128xf32, #tpu.memory_space<hbm>>
        %dma_wait3A_377 = arith.constant 0 : i32
        %dma_wait3A_378 = arith.constant 0 : i32
        %dma_wait3A_379 = tpu.memref_slice %arg4[%dma_wait3A_377, %dma_wait3A_378] : memref<10000x128xf32, #tpu.memory_space<hbm>> -> memref<96x128xf32, #tpu.memory_space<hbm>>
        tpu.wait_dma2 semaphore(%arg29 : memref<!tpu.dma_semaphore, #tpu.memory_space<semaphore_mem>>) src(%dma_wait3A_379 : memref<96x128xf32, #tpu.memory_space<hbm>>) dst(%arg24 : memref<96x128xf32, #tpu.memory_space<vmem>>)
        %dma_start3A_380 = arith.constant 0 : i32
        %dma_start3A_381 = arith.constant 0 : i32
        %dma_start3A_382 = tpu.memref_slice %arg26[%dma_start3A_380, %dma_start3A_381] : memref<10000x128xf32, #tpu.memory_space<vmem_shared>> -> memref<10000x128xf32, #tpu.memory_space<vmem_shared>>
        tpu.enqueue_indirect_dma source(%arg24 : memref<96x128xf32, #tpu.memory_space<vmem>>) target(%dma_start3A_382 : memref<10000x128xf32, #tpu.memory_space<vmem_shared>>) offsets(%arg16 : memref<96xi32, #tpu.memory_space<vmem>>) semaphore(%arg33 : memref<!tpu.dma_semaphore, #tpu.memory_space<semaphore_mem>>) {add = true}
      } else {
      }
      %add3A_265 = arith.constant 5 : i32
      %add3A_266 = arith.addi %mul3A_88, %add3A_265 : i32
      %ge3A_267 = arith.constant 4 : i32
      %ge3A_268 = arith.cmpi sge, %add3A_266, %ge3A_267 : i32
      %convert_element_type3A_269 = arith.extui %ge3A_268 : i1 to i32
      %cond3A_270 = arith.constant 0 : i32
      %cond3A_271 = arith.cmpi ne, %convert_element_type3A_269, %cond3A_270 : i32
      scf.if %cond3A_271 {
        %dma_wait3A_374 = arith.constant 0 : i32
        %dma_wait3A_375 = arith.constant 0 : i32
        %dma_wait3A_376 = tpu.memref_slice %arg4[%dma_wait3A_374, %dma_wait3A_375] : memref<10000x128xf32, #tpu.memory_space<hbm>> -> memref<96x128xf32, #tpu.memory_space<hbm>>
        %dma_wait3A_377 = arith.constant 0 : i32
        %dma_wait3A_378 = arith.constant 0 : i32
        %dma_wait3A_379 = tpu.memref_slice %arg4[%dma_wait3A_377, %dma_wait3A_378] : memref<10000x128xf32, #tpu.memory_space<hbm>> -> memref<96x128xf32, #tpu.memory_space<hbm>>
        tpu.wait_dma2 semaphore(%arg32 : memref<!tpu.dma_semaphore, #tpu.memory_space<semaphore_mem>>) src(%dma_wait3A_379 : memref<96x128xf32, #tpu.memory_space<hbm>>) dst(%arg23 : memref<96x128xf32, #tpu.memory_space<vmem>>)
      } else {
      }
      %add3A_272 = arith.constant 1 : i32
      %add3A_273 = arith.addi %add3A_266, %add3A_272 : i32
      %lt3A_274 = arith.constant 104 : i32
      %lt3A_275 = arith.cmpi slt, %add3A_273, %lt3A_274 : i32
      %convert_element_type3A_276 = arith.extui %lt3A_275 : i1 to i32
      %cond3A_277 = arith.constant 0 : i32
      %cond3A_278 = arith.cmpi ne, %convert_element_type3A_276, %cond3A_277 : i32
      scf.if %cond3A_278 {
        %add3A_374 = arith.constant 1 : i32
        %add3A_375 = arith.addi %add3A_266, %add3A_374 : i32
        %mul3A_376 = arith.constant 96 : i32
        %mul3A_377 = arith.muli %add3A_375, %mul3A_376 : i32
        %add3A_378 = arith.addi %mul3A_2, %mul3A_377 : i32
        %dma_start3A_379 = arith.constant 0 : i32
        %dma_start3A_380 = tpu.memref_slice %arg2[%dma_start3A_379, %add3A_378] : memref<2x320000xi32, #tpu.memory_space<hbm>> -> memref<1x96xi32, #tpu.memory_space<hbm>>
        %dma_start3A_381 = tpu.memref_squeeze %dma_start3A_380 : memref<1x96xi32, #tpu.memory_space<hbm>> -> memref<96xi32, #tpu.memory_space<hbm>>
        %dma_start3A_382 = tpu.memref_slice %arg2[%dma_start3A_379, %add3A_378] : memref<2x320000xi32, #tpu.memory_space<hbm>> -> memref<1x96xi32, #tpu.memory_space<hbm>>
        %dma_start3A_383 = tpu.memref_squeeze %dma_start3A_382 : memref<1x96xi32, #tpu.memory_space<hbm>> -> memref<96xi32, #tpu.memory_space<hbm>>
        tpu.enqueue_dma source(%dma_start3A_383 : memref<96xi32, #tpu.memory_space<hbm>>) target(%arg12 : memref<96xi32, #tpu.memory_space<vmem>>) target_semaphore(%arg35 : memref<!tpu.dma_semaphore, #tpu.memory_space<semaphore_mem>>)
        %mul3A_384 = arith.constant 96 : i32
        %mul3A_385 = arith.muli %add3A_375, %mul3A_384 : i32
        %add3A_386 = arith.addi %mul3A_2, %mul3A_385 : i32
        %dma_start3A_387 = arith.constant 1 : i32
        %dma_start3A_388 = tpu.memref_slice %arg2[%dma_start3A_387, %add3A_386] : memref<2x320000xi32, #tpu.memory_space<hbm>> -> memref<1x96xi32, #tpu.memory_space<hbm>>
        %dma_start3A_389 = tpu.memref_squeeze %dma_start3A_388 : memref<1x96xi32, #tpu.memory_space<hbm>> -> memref<96xi32, #tpu.memory_space<hbm>>
        %dma_start3A_390 = tpu.memref_slice %arg2[%dma_start3A_387, %add3A_386] : memref<2x320000xi32, #tpu.memory_space<hbm>> -> memref<1x96xi32, #tpu.memory_space<hbm>>
        %dma_start3A_391 = tpu.memref_squeeze %dma_start3A_390 : memref<1x96xi32, #tpu.memory_space<hbm>> -> memref<96xi32, #tpu.memory_space<hbm>>
        tpu.enqueue_dma source(%dma_start3A_391 : memref<96xi32, #tpu.memory_space<hbm>>) target(%arg20 : memref<96xi32, #tpu.memory_space<vmem>>) target_semaphore(%arg35 : memref<!tpu.dma_semaphore, #tpu.memory_space<semaphore_mem>>)
      } else {
      }
      %dma_wait3A_279 = arith.constant 0 : i32
      %dma_wait3A_280 = arith.constant 0 : i32
      %dma_wait3A_281 = tpu.memref_slice %arg2[%dma_wait3A_279, %dma_wait3A_280] : memref<2x320000xi32, #tpu.memory_space<hbm>> -> memref<1x96xi32, #tpu.memory_space<hbm>>
      %dma_wait3A_282 = tpu.memref_squeeze %dma_wait3A_281 : memref<1x96xi32, #tpu.memory_space<hbm>> -> memref<96xi32, #tpu.memory_space<hbm>>
      %dma_wait3A_283 = arith.constant 0 : i32
      %dma_wait3A_284 = tpu.memref_slice %arg2[%dma_wait3A_279, %dma_wait3A_283] : memref<2x320000xi32, #tpu.memory_space<hbm>> -> memref<1x96xi32, #tpu.memory_space<hbm>>
      %dma_wait3A_285 = tpu.memref_squeeze %dma_wait3A_284 : memref<1x96xi32, #tpu.memory_space<hbm>> -> memref<96xi32, #tpu.memory_space<hbm>>
      tpu.wait_dma2 semaphore(%arg35 : memref<!tpu.dma_semaphore, #tpu.memory_space<semaphore_mem>>) src(%dma_wait3A_285 : memref<96xi32, #tpu.memory_space<hbm>>) dst(%arg11 : memref<96xi32, #tpu.memory_space<vmem>>)
      %dma_wait3A_286 = arith.constant 0 : i32
      %dma_wait3A_287 = arith.constant 0 : i32
      %dma_wait3A_288 = tpu.memref_slice %arg2[%dma_wait3A_286, %dma_wait3A_287] : memref<2x320000xi32, #tpu.memory_space<hbm>> -> memref<1x96xi32, #tpu.memory_space<hbm>>
      %dma_wait3A_289 = tpu.memref_squeeze %dma_wait3A_288 : memref<1x96xi32, #tpu.memory_space<hbm>> -> memref<96xi32, #tpu.memory_space<hbm>>
      %dma_wait3A_290 = arith.constant 0 : i32
      %dma_wait3A_291 = tpu.memref_slice %arg2[%dma_wait3A_286, %dma_wait3A_290] : memref<2x320000xi32, #tpu.memory_space<hbm>> -> memref<1x96xi32, #tpu.memory_space<hbm>>
      %dma_wait3A_292 = tpu.memref_squeeze %dma_wait3A_291 : memref<1x96xi32, #tpu.memory_space<hbm>> -> memref<96xi32, #tpu.memory_space<hbm>>
      tpu.wait_dma2 semaphore(%arg35 : memref<!tpu.dma_semaphore, #tpu.memory_space<semaphore_mem>>) src(%dma_wait3A_292 : memref<96xi32, #tpu.memory_space<hbm>>) dst(%arg19 : memref<96xi32, #tpu.memory_space<vmem>>)
      %dma_start3A_293 = arith.constant 0 : i32
      %dma_start3A_294 = arith.constant 0 : i32
      %dma_start3A_295 = tpu.memref_slice %arg3[%dma_start3A_293, %dma_start3A_294] : memref<10000x128xf32, #tpu.memory_space<hbm>> -> memref<10000x128xf32, #tpu.memory_space<hbm>>
      tpu.enqueue_indirect_dma source(%dma_start3A_295 : memref<10000x128xf32, #tpu.memory_space<hbm>>) target(%arg23 : memref<96x128xf32, #tpu.memory_space<vmem>>) offsets(%arg11 : memref<96xi32, #tpu.memory_space<vmem>>) semaphore(%arg28 : memref<!tpu.dma_semaphore, #tpu.memory_space<semaphore_mem>>)
      %ge3A_296 = arith.constant 2 : i32
      %ge3A_297 = arith.cmpi sge, %add3A_266, %ge3A_296 : i32
      %convert_element_type3A_298 = arith.extui %ge3A_297 : i1 to i32
      %cond3A_299 = arith.constant 0 : i32
      %cond3A_300 = arith.cmpi ne, %convert_element_type3A_298, %cond3A_299 : i32
      scf.if %cond3A_300 {
        %dma_wait3A_374 = arith.constant 0 : i32
        %dma_wait3A_375 = arith.constant 0 : i32
        %dma_wait3A_376 = tpu.memref_slice %arg4[%dma_wait3A_374, %dma_wait3A_375] : memref<10000x128xf32, #tpu.memory_space<hbm>> -> memref<96x128xf32, #tpu.memory_space<hbm>>
        %dma_wait3A_377 = arith.constant 0 : i32
        %dma_wait3A_378 = arith.constant 0 : i32
        %dma_wait3A_379 = tpu.memref_slice %arg4[%dma_wait3A_377, %dma_wait3A_378] : memref<10000x128xf32, #tpu.memory_space<hbm>> -> memref<96x128xf32, #tpu.memory_space<hbm>>
        tpu.wait_dma2 semaphore(%arg30 : memref<!tpu.dma_semaphore, #tpu.memory_space<semaphore_mem>>) src(%dma_wait3A_379 : memref<96x128xf32, #tpu.memory_space<hbm>>) dst(%arg25 : memref<96x128xf32, #tpu.memory_space<vmem>>)
        %dma_start3A_380 = arith.constant 0 : i32
        %dma_start3A_381 = arith.constant 0 : i32
        %dma_start3A_382 = tpu.memref_slice %arg26[%dma_start3A_380, %dma_start3A_381] : memref<10000x128xf32, #tpu.memory_space<vmem_shared>> -> memref<10000x128xf32, #tpu.memory_space<vmem_shared>>
        tpu.enqueue_indirect_dma source(%arg25 : memref<96x128xf32, #tpu.memory_space<vmem>>) target(%dma_start3A_382 : memref<10000x128xf32, #tpu.memory_space<vmem_shared>>) offsets(%arg17 : memref<96xi32, #tpu.memory_space<vmem>>) semaphore(%arg34 : memref<!tpu.dma_semaphore, #tpu.memory_space<semaphore_mem>>) {add = true}
      } else {
      }
      %add3A_301 = arith.constant 6 : i32
      %add3A_302 = arith.addi %mul3A_88, %add3A_301 : i32
      %ge3A_303 = arith.constant 4 : i32
      %ge3A_304 = arith.cmpi sge, %add3A_302, %ge3A_303 : i32
      %convert_element_type3A_305 = arith.extui %ge3A_304 : i1 to i32
      %cond3A_306 = arith.constant 0 : i32
      %cond3A_307 = arith.cmpi ne, %convert_element_type3A_305, %cond3A_306 : i32
      scf.if %cond3A_307 {
        %dma_wait3A_374 = arith.constant 0 : i32
        %dma_wait3A_375 = arith.constant 0 : i32
        %dma_wait3A_376 = tpu.memref_slice %arg4[%dma_wait3A_374, %dma_wait3A_375] : memref<10000x128xf32, #tpu.memory_space<hbm>> -> memref<96x128xf32, #tpu.memory_space<hbm>>
        %dma_wait3A_377 = arith.constant 0 : i32
        %dma_wait3A_378 = arith.constant 0 : i32
        %dma_wait3A_379 = tpu.memref_slice %arg4[%dma_wait3A_377, %dma_wait3A_378] : memref<10000x128xf32, #tpu.memory_space<hbm>> -> memref<96x128xf32, #tpu.memory_space<hbm>>
        tpu.wait_dma2 semaphore(%arg33 : memref<!tpu.dma_semaphore, #tpu.memory_space<semaphore_mem>>) src(%dma_wait3A_379 : memref<96x128xf32, #tpu.memory_space<hbm>>) dst(%arg24 : memref<96x128xf32, #tpu.memory_space<vmem>>)
      } else {
      }
      %add3A_308 = arith.constant 1 : i32
      %add3A_309 = arith.addi %add3A_302, %add3A_308 : i32
      %lt3A_310 = arith.constant 104 : i32
      %lt3A_311 = arith.cmpi slt, %add3A_309, %lt3A_310 : i32
      %convert_element_type3A_312 = arith.extui %lt3A_311 : i1 to i32
      %cond3A_313 = arith.constant 0 : i32
      %cond3A_314 = arith.cmpi ne, %convert_element_type3A_312, %cond3A_313 : i32
      scf.if %cond3A_314 {
        %add3A_374 = arith.constant 1 : i32
        %add3A_375 = arith.addi %add3A_302, %add3A_374 : i32
        %mul3A_376 = arith.constant 96 : i32
        %mul3A_377 = arith.muli %add3A_375, %mul3A_376 : i32
        %add3A_378 = arith.addi %mul3A_2, %mul3A_377 : i32
        %dma_start3A_379 = arith.constant 0 : i32
        %dma_start3A_380 = tpu.memref_slice %arg2[%dma_start3A_379, %add3A_378] : memref<2x320000xi32, #tpu.memory_space<hbm>> -> memref<1x96xi32, #tpu.memory_space<hbm>>
        %dma_start3A_381 = tpu.memref_squeeze %dma_start3A_380 : memref<1x96xi32, #tpu.memory_space<hbm>> -> memref<96xi32, #tpu.memory_space<hbm>>
        %dma_start3A_382 = tpu.memref_slice %arg2[%dma_start3A_379, %add3A_378] : memref<2x320000xi32, #tpu.memory_space<hbm>> -> memref<1x96xi32, #tpu.memory_space<hbm>>
        %dma_start3A_383 = tpu.memref_squeeze %dma_start3A_382 : memref<1x96xi32, #tpu.memory_space<hbm>> -> memref<96xi32, #tpu.memory_space<hbm>>
        tpu.enqueue_dma source(%dma_start3A_383 : memref<96xi32, #tpu.memory_space<hbm>>) target(%arg13 : memref<96xi32, #tpu.memory_space<vmem>>) target_semaphore(%arg35 : memref<!tpu.dma_semaphore, #tpu.memory_space<semaphore_mem>>)
        %mul3A_384 = arith.constant 96 : i32
        %mul3A_385 = arith.muli %add3A_375, %mul3A_384 : i32
        %add3A_386 = arith.addi %mul3A_2, %mul3A_385 : i32
        %dma_start3A_387 = arith.constant 1 : i32
        %dma_start3A_388 = tpu.memref_slice %arg2[%dma_start3A_387, %add3A_386] : memref<2x320000xi32, #tpu.memory_space<hbm>> -> memref<1x96xi32, #tpu.memory_space<hbm>>
        %dma_start3A_389 = tpu.memref_squeeze %dma_start3A_388 : memref<1x96xi32, #tpu.memory_space<hbm>> -> memref<96xi32, #tpu.memory_space<hbm>>
        %dma_start3A_390 = tpu.memref_slice %arg2[%dma_start3A_387, %add3A_386] : memref<2x320000xi32, #tpu.memory_space<hbm>> -> memref<1x96xi32, #tpu.memory_space<hbm>>
        %dma_start3A_391 = tpu.memref_squeeze %dma_start3A_390 : memref<1x96xi32, #tpu.memory_space<hbm>> -> memref<96xi32, #tpu.memory_space<hbm>>
        tpu.enqueue_dma source(%dma_start3A_391 : memref<96xi32, #tpu.memory_space<hbm>>) target(%arg21 : memref<96xi32, #tpu.memory_space<vmem>>) target_semaphore(%arg35 : memref<!tpu.dma_semaphore, #tpu.memory_space<semaphore_mem>>)
      } else {
      }
      %dma_wait3A_315 = arith.constant 0 : i32
      %dma_wait3A_316 = arith.constant 0 : i32
      %dma_wait3A_317 = tpu.memref_slice %arg2[%dma_wait3A_315, %dma_wait3A_316] : memref<2x320000xi32, #tpu.memory_space<hbm>> -> memref<1x96xi32, #tpu.memory_space<hbm>>
      %dma_wait3A_318 = tpu.memref_squeeze %dma_wait3A_317 : memref<1x96xi32, #tpu.memory_space<hbm>> -> memref<96xi32, #tpu.memory_space<hbm>>
      %dma_wait3A_319 = arith.constant 0 : i32
      %dma_wait3A_320 = tpu.memref_slice %arg2[%dma_wait3A_315, %dma_wait3A_319] : memref<2x320000xi32, #tpu.memory_space<hbm>> -> memref<1x96xi32, #tpu.memory_space<hbm>>
      %dma_wait3A_321 = tpu.memref_squeeze %dma_wait3A_320 : memref<1x96xi32, #tpu.memory_space<hbm>> -> memref<96xi32, #tpu.memory_space<hbm>>
      tpu.wait_dma2 semaphore(%arg35 : memref<!tpu.dma_semaphore, #tpu.memory_space<semaphore_mem>>) src(%dma_wait3A_321 : memref<96xi32, #tpu.memory_space<hbm>>) dst(%arg12 : memref<96xi32, #tpu.memory_space<vmem>>)
      %dma_wait3A_322 = arith.constant 0 : i32
      %dma_wait3A_323 = arith.constant 0 : i32
      %dma_wait3A_324 = tpu.memref_slice %arg2[%dma_wait3A_322, %dma_wait3A_323] : memref<2x320000xi32, #tpu.memory_space<hbm>> -> memref<1x96xi32, #tpu.memory_space<hbm>>
      %dma_wait3A_325 = tpu.memref_squeeze %dma_wait3A_324 : memref<1x96xi32, #tpu.memory_space<hbm>> -> memref<96xi32, #tpu.memory_space<hbm>>
      %dma_wait3A_326 = arith.constant 0 : i32
      %dma_wait3A_327 = tpu.memref_slice %arg2[%dma_wait3A_322, %dma_wait3A_326] : memref<2x320000xi32, #tpu.memory_space<hbm>> -> memref<1x96xi32, #tpu.memory_space<hbm>>
      %dma_wait3A_328 = tpu.memref_squeeze %dma_wait3A_327 : memref<1x96xi32, #tpu.memory_space<hbm>> -> memref<96xi32, #tpu.memory_space<hbm>>
      tpu.wait_dma2 semaphore(%arg35 : memref<!tpu.dma_semaphore, #tpu.memory_space<semaphore_mem>>) src(%dma_wait3A_328 : memref<96xi32, #tpu.memory_space<hbm>>) dst(%arg20 : memref<96xi32, #tpu.memory_space<vmem>>)
      %dma_start3A_329 = arith.constant 0 : i32
      %dma_start3A_330 = arith.constant 0 : i32
      %dma_start3A_331 = tpu.memref_slice %arg3[%dma_start3A_329, %dma_start3A_330] : memref<10000x128xf32, #tpu.memory_space<hbm>> -> memref<10000x128xf32, #tpu.memory_space<hbm>>
      tpu.enqueue_indirect_dma source(%dma_start3A_331 : memref<10000x128xf32, #tpu.memory_space<hbm>>) target(%arg24 : memref<96x128xf32, #tpu.memory_space<vmem>>) offsets(%arg12 : memref<96xi32, #tpu.memory_space<vmem>>) semaphore(%arg29 : memref<!tpu.dma_semaphore, #tpu.memory_space<semaphore_mem>>)
      %ge3A_332 = arith.constant 2 : i32
      %ge3A_333 = arith.cmpi sge, %add3A_302, %ge3A_332 : i32
      %convert_element_type3A_334 = arith.extui %ge3A_333 : i1 to i32
      %cond3A_335 = arith.constant 0 : i32
      %cond3A_336 = arith.cmpi ne, %convert_element_type3A_334, %cond3A_335 : i32
      scf.if %cond3A_336 {
        %dma_wait3A_374 = arith.constant 0 : i32
        %dma_wait3A_375 = arith.constant 0 : i32
        %dma_wait3A_376 = tpu.memref_slice %arg4[%dma_wait3A_374, %dma_wait3A_375] : memref<10000x128xf32, #tpu.memory_space<hbm>> -> memref<96x128xf32, #tpu.memory_space<hbm>>
        %dma_wait3A_377 = arith.constant 0 : i32
        %dma_wait3A_378 = arith.constant 0 : i32
        %dma_wait3A_379 = tpu.memref_slice %arg4[%dma_wait3A_377, %dma_wait3A_378] : memref<10000x128xf32, #tpu.memory_space<hbm>> -> memref<96x128xf32, #tpu.memory_space<hbm>>
        tpu.wait_dma2 semaphore(%arg27 : memref<!tpu.dma_semaphore, #tpu.memory_space<semaphore_mem>>) src(%dma_wait3A_379 : memref<96x128xf32, #tpu.memory_space<hbm>>) dst(%arg22 : memref<96x128xf32, #tpu.memory_space<vmem>>)
        %dma_start3A_380 = arith.constant 0 : i32
        %dma_start3A_381 = arith.constant 0 : i32
        %dma_start3A_382 = tpu.memref_slice %arg26[%dma_start3A_380, %dma_start3A_381] : memref<10000x128xf32, #tpu.memory_space<vmem_shared>> -> memref<10000x128xf32, #tpu.memory_space<vmem_shared>>
        tpu.enqueue_indirect_dma source(%arg22 : memref<96x128xf32, #tpu.memory_space<vmem>>) target(%dma_start3A_382 : memref<10000x128xf32, #tpu.memory_space<vmem_shared>>) offsets(%arg18 : memref<96xi32, #tpu.memory_space<vmem>>) semaphore(%arg31 : memref<!tpu.dma_semaphore, #tpu.memory_space<semaphore_mem>>) {add = true}
      } else {
      }
      %add3A_337 = arith.constant 7 : i32
      %add3A_338 = arith.addi %mul3A_88, %add3A_337 : i32
      %ge3A_339 = arith.constant 4 : i32
      %ge3A_340 = arith.cmpi sge, %add3A_338, %ge3A_339 : i32
      %convert_element_type3A_341 = arith.extui %ge3A_340 : i1 to i32
      %cond3A_342 = arith.constant 0 : i32
      %cond3A_343 = arith.cmpi ne, %convert_element_type3A_341, %cond3A_342 : i32
      scf.if %cond3A_343 {
        %dma_wait3A_374 = arith.constant 0 : i32
        %dma_wait3A_375 = arith.constant 0 : i32
        %dma_wait3A_376 = tpu.memref_slice %arg4[%dma_wait3A_374, %dma_wait3A_375] : memref<10000x128xf32, #tpu.memory_space<hbm>> -> memref<96x128xf32, #tpu.memory_space<hbm>>
        %dma_wait3A_377 = arith.constant 0 : i32
        %dma_wait3A_378 = arith.constant 0 : i32
        %dma_wait3A_379 = tpu.memref_slice %arg4[%dma_wait3A_377, %dma_wait3A_378] : memref<10000x128xf32, #tpu.memory_space<hbm>> -> memref<96x128xf32, #tpu.memory_space<hbm>>
        tpu.wait_dma2 semaphore(%arg34 : memref<!tpu.dma_semaphore, #tpu.memory_space<semaphore_mem>>) src(%dma_wait3A_379 : memref<96x128xf32, #tpu.memory_space<hbm>>) dst(%arg25 : memref<96x128xf32, #tpu.memory_space<vmem>>)
      } else {
      }
      %add3A_344 = arith.constant 1 : i32
      %add3A_345 = arith.addi %add3A_338, %add3A_344 : i32
      %lt3A_346 = arith.constant 104 : i32
      %lt3A_347 = arith.cmpi slt, %add3A_345, %lt3A_346 : i32
      %convert_element_type3A_348 = arith.extui %lt3A_347 : i1 to i32
      %cond3A_349 = arith.constant 0 : i32
      %cond3A_350 = arith.cmpi ne, %convert_element_type3A_348, %cond3A_349 : i32
      scf.if %cond3A_350 {
        %add3A_374 = arith.constant 1 : i32
        %add3A_375 = arith.addi %add3A_338, %add3A_374 : i32
        %mul3A_376 = arith.constant 96 : i32
        %mul3A_377 = arith.muli %add3A_375, %mul3A_376 : i32
        %add3A_378 = arith.addi %mul3A_2, %mul3A_377 : i32
        %dma_start3A_379 = arith.constant 0 : i32
        %dma_start3A_380 = tpu.memref_slice %arg2[%dma_start3A_379, %add3A_378] : memref<2x320000xi32, #tpu.memory_space<hbm>> -> memref<1x96xi32, #tpu.memory_space<hbm>>
        %dma_start3A_381 = tpu.memref_squeeze %dma_start3A_380 : memref<1x96xi32, #tpu.memory_space<hbm>> -> memref<96xi32, #tpu.memory_space<hbm>>
        %dma_start3A_382 = tpu.memref_slice %arg2[%dma_start3A_379, %add3A_378] : memref<2x320000xi32, #tpu.memory_space<hbm>> -> memref<1x96xi32, #tpu.memory_space<hbm>>
        %dma_start3A_383 = tpu.memref_squeeze %dma_start3A_382 : memref<1x96xi32, #tpu.memory_space<hbm>> -> memref<96xi32, #tpu.memory_space<hbm>>
        tpu.enqueue_dma source(%dma_start3A_383 : memref<96xi32, #tpu.memory_space<hbm>>) target(%arg6 : memref<96xi32, #tpu.memory_space<vmem>>) target_semaphore(%arg35 : memref<!tpu.dma_semaphore, #tpu.memory_space<semaphore_mem>>)
        %mul3A_384 = arith.constant 96 : i32
        %mul3A_385 = arith.muli %add3A_375, %mul3A_384 : i32
        %add3A_386 = arith.addi %mul3A_2, %mul3A_385 : i32
        %dma_start3A_387 = arith.constant 1 : i32
        %dma_start3A_388 = tpu.memref_slice %arg2[%dma_start3A_387, %add3A_386] : memref<2x320000xi32, #tpu.memory_space<hbm>> -> memref<1x96xi32, #tpu.memory_space<hbm>>
        %dma_start3A_389 = tpu.memref_squeeze %dma_start3A_388 : memref<1x96xi32, #tpu.memory_space<hbm>> -> memref<96xi32, #tpu.memory_space<hbm>>
        %dma_start3A_390 = tpu.memref_slice %arg2[%dma_start3A_387, %add3A_386] : memref<2x320000xi32, #tpu.memory_space<hbm>> -> memref<1x96xi32, #tpu.memory_space<hbm>>
        %dma_start3A_391 = tpu.memref_squeeze %dma_start3A_390 : memref<1x96xi32, #tpu.memory_space<hbm>> -> memref<96xi32, #tpu.memory_space<hbm>>
        tpu.enqueue_dma source(%dma_start3A_391 : memref<96xi32, #tpu.memory_space<hbm>>) target(%arg14 : memref<96xi32, #tpu.memory_space<vmem>>) target_semaphore(%arg35 : memref<!tpu.dma_semaphore, #tpu.memory_space<semaphore_mem>>)
      } else {
      }
      %dma_wait3A_351 = arith.constant 0 : i32
      %dma_wait3A_352 = arith.constant 0 : i32
      %dma_wait3A_353 = tpu.memref_slice %arg2[%dma_wait3A_351, %dma_wait3A_352] : memref<2x320000xi32, #tpu.memory_space<hbm>> -> memref<1x96xi32, #tpu.memory_space<hbm>>
      %dma_wait3A_354 = tpu.memref_squeeze %dma_wait3A_353 : memref<1x96xi32, #tpu.memory_space<hbm>> -> memref<96xi32, #tpu.memory_space<hbm>>
      %dma_wait3A_355 = arith.constant 0 : i32
      %dma_wait3A_356 = tpu.memref_slice %arg2[%dma_wait3A_351, %dma_wait3A_355] : memref<2x320000xi32, #tpu.memory_space<hbm>> -> memref<1x96xi32, #tpu.memory_space<hbm>>
      %dma_wait3A_357 = tpu.memref_squeeze %dma_wait3A_356 : memref<1x96xi32, #tpu.memory_space<hbm>> -> memref<96xi32, #tpu.memory_space<hbm>>
      tpu.wait_dma2 semaphore(%arg35 : memref<!tpu.dma_semaphore, #tpu.memory_space<semaphore_mem>>) src(%dma_wait3A_357 : memref<96xi32, #tpu.memory_space<hbm>>) dst(%arg13 : memref<96xi32, #tpu.memory_space<vmem>>)
      %dma_wait3A_358 = arith.constant 0 : i32
      %dma_wait3A_359 = arith.constant 0 : i32
      %dma_wait3A_360 = tpu.memref_slice %arg2[%dma_wait3A_358, %dma_wait3A_359] : memref<2x320000xi32, #tpu.memory_space<hbm>> -> memref<1x96xi32, #tpu.memory_space<hbm>>
      %dma_wait3A_361 = tpu.memref_squeeze %dma_wait3A_360 : memref<1x96xi32, #tpu.memory_space<hbm>> -> memref<96xi32, #tpu.memory_space<hbm>>
      %dma_wait3A_362 = arith.constant 0 : i32
      %dma_wait3A_363 = tpu.memref_slice %arg2[%dma_wait3A_358, %dma_wait3A_362] : memref<2x320000xi32, #tpu.memory_space<hbm>> -> memref<1x96xi32, #tpu.memory_space<hbm>>
      %dma_wait3A_364 = tpu.memref_squeeze %dma_wait3A_363 : memref<1x96xi32, #tpu.memory_space<hbm>> -> memref<96xi32, #tpu.memory_space<hbm>>
      tpu.wait_dma2 semaphore(%arg35 : memref<!tpu.dma_semaphore, #tpu.memory_space<semaphore_mem>>) src(%dma_wait3A_364 : memref<96xi32, #tpu.memory_space<hbm>>) dst(%arg21 : memref<96xi32, #tpu.memory_space<vmem>>)
      %dma_start3A_365 = arith.constant 0 : i32
      %dma_start3A_366 = arith.constant 0 : i32
      %dma_start3A_367 = tpu.memref_slice %arg3[%dma_start3A_365, %dma_start3A_366] : memref<10000x128xf32, #tpu.memory_space<hbm>> -> memref<10000x128xf32, #tpu.memory_space<hbm>>
      tpu.enqueue_indirect_dma source(%dma_start3A_367 : memref<10000x128xf32, #tpu.memory_space<hbm>>) target(%arg25 : memref<96x128xf32, #tpu.memory_space<vmem>>) offsets(%arg13 : memref<96xi32, #tpu.memory_space<vmem>>) semaphore(%arg30 : memref<!tpu.dma_semaphore, #tpu.memory_space<semaphore_mem>>)
      %ge3A_368 = arith.constant 2 : i32
      %ge3A_369 = arith.cmpi sge, %add3A_338, %ge3A_368 : i32
      %convert_element_type3A_370 = arith.extui %ge3A_369 : i1 to i32
      %cond3A_371 = arith.constant 0 : i32
      %cond3A_372 = arith.cmpi ne, %convert_element_type3A_370, %cond3A_371 : i32
      scf.if %cond3A_372 {
        %dma_wait3A_374 = arith.constant 0 : i32
        %dma_wait3A_375 = arith.constant 0 : i32
        %dma_wait3A_376 = tpu.memref_slice %arg4[%dma_wait3A_374, %dma_wait3A_375] : memref<10000x128xf32, #tpu.memory_space<hbm>> -> memref<96x128xf32, #tpu.memory_space<hbm>>
        %dma_wait3A_377 = arith.constant 0 : i32
        %dma_wait3A_378 = arith.constant 0 : i32
        %dma_wait3A_379 = tpu.memref_slice %arg4[%dma_wait3A_377, %dma_wait3A_378] : memref<10000x128xf32, #tpu.memory_space<hbm>> -> memref<96x128xf32, #tpu.memory_space<hbm>>
        tpu.wait_dma2 semaphore(%arg28 : memref<!tpu.dma_semaphore, #tpu.memory_space<semaphore_mem>>) src(%dma_wait3A_379 : memref<96x128xf32, #tpu.memory_space<hbm>>) dst(%arg23 : memref<96x128xf32, #tpu.memory_space<vmem>>)
        %dma_start3A_380 = arith.constant 0 : i32
        %dma_start3A_381 = arith.constant 0 : i32
        %dma_start3A_382 = tpu.memref_slice %arg26[%dma_start3A_380, %dma_start3A_381] : memref<10000x128xf32, #tpu.memory_space<vmem_shared>> -> memref<10000x128xf32, #tpu.memory_space<vmem_shared>>
        tpu.enqueue_indirect_dma source(%arg23 : memref<96x128xf32, #tpu.memory_space<vmem>>) target(%dma_start3A_382 : memref<10000x128xf32, #tpu.memory_space<vmem_shared>>) offsets(%arg19 : memref<96xi32, #tpu.memory_space<vmem>>) semaphore(%arg32 : memref<!tpu.dma_semaphore, #tpu.memory_space<semaphore_mem>>) {add = true}
      } else {
      }
      %scan3A_373 = arith.constant 0 : i32
      scf.yield %scan3A_373 : i32
    }
    %scan3A_23 = arith.constant 13 : i32
    %dma_wait3A = arith.constant 0 : i32
    %dma_wait3A_24 = arith.constant 0 : i32
    %dma_wait3A_25 = tpu.memref_slice %arg4[%dma_wait3A, %dma_wait3A_24] : memref<10000x128xf32, #tpu.memory_space<hbm>> -> memref<96x128xf32, #tpu.memory_space<hbm>>
    %dma_wait3A_26 = arith.constant 0 : i32
    %dma_wait3A_27 = arith.constant 0 : i32
    %dma_wait3A_28 = tpu.memref_slice %arg4[%dma_wait3A_26, %dma_wait3A_27] : memref<10000x128xf32, #tpu.memory_space<hbm>> -> memref<96x128xf32, #tpu.memory_space<hbm>>
    tpu.wait_dma2 semaphore(%arg29 : memref<!tpu.dma_semaphore, #tpu.memory_space<semaphore_mem>>) src(%dma_wait3A_28 : memref<96x128xf32, #tpu.memory_space<hbm>>) dst(%arg24 : memref<96x128xf32, #tpu.memory_space<vmem>>)
    %dma_start3A_29 = arith.constant 0 : i32
    %dma_start3A_30 = arith.constant 0 : i32
    %dma_start3A_31 = tpu.memref_slice %arg26[%dma_start3A_29, %dma_start3A_30] : memref<10000x128xf32, #tpu.memory_space<vmem_shared>> -> memref<10000x128xf32, #tpu.memory_space<vmem_shared>>
    tpu.enqueue_indirect_dma source(%arg24 : memref<96x128xf32, #tpu.memory_space<vmem>>) target(%dma_start3A_31 : memref<10000x128xf32, #tpu.memory_space<vmem_shared>>) offsets(%arg20 : memref<96xi32, #tpu.memory_space<vmem>>) semaphore(%arg33 : memref<!tpu.dma_semaphore, #tpu.memory_space<semaphore_mem>>) {add = true}
    %dma_wait3A_32 = arith.constant 0 : i32
    %dma_wait3A_33 = arith.constant 0 : i32
    %dma_wait3A_34 = tpu.memref_slice %arg4[%dma_wait3A_32, %dma_wait3A_33] : memref<10000x128xf32, #tpu.memory_space<hbm>> -> memref<96x128xf32, #tpu.memory_space<hbm>>
    %dma_wait3A_35 = arith.constant 0 : i32
    %dma_wait3A_36 = arith.constant 0 : i32
    %dma_wait3A_37 = tpu.memref_slice %arg4[%dma_wait3A_35, %dma_wait3A_36] : memref<10000x128xf32, #tpu.memory_space<hbm>> -> memref<96x128xf32, #tpu.memory_space<hbm>>
    tpu.wait_dma2 semaphore(%arg30 : memref<!tpu.dma_semaphore, #tpu.memory_space<semaphore_mem>>) src(%dma_wait3A_37 : memref<96x128xf32, #tpu.memory_space<hbm>>) dst(%arg25 : memref<96x128xf32, #tpu.memory_space<vmem>>)
    %dma_start3A_38 = arith.constant 0 : i32
    %dma_start3A_39 = arith.constant 0 : i32
    %dma_start3A_40 = tpu.memref_slice %arg26[%dma_start3A_38, %dma_start3A_39] : memref<10000x128xf32, #tpu.memory_space<vmem_shared>> -> memref<10000x128xf32, #tpu.memory_space<vmem_shared>>
    tpu.enqueue_indirect_dma source(%arg25 : memref<96x128xf32, #tpu.memory_space<vmem>>) target(%dma_start3A_40 : memref<10000x128xf32, #tpu.memory_space<vmem_shared>>) offsets(%arg21 : memref<96xi32, #tpu.memory_space<vmem>>) semaphore(%arg34 : memref<!tpu.dma_semaphore, #tpu.memory_space<semaphore_mem>>) {add = true}
    %add3A_41 = arith.constant 9984 : i32
    %add3A_42 = arith.addi %mul3A_2, %add3A_41 : i32
    %dma_wait3A_43 = arith.constant 0 : i32
    %dma_wait3A_44 = arith.constant 0 : i32
    %dma_wait3A_45 = tpu.memref_slice %arg4[%dma_wait3A_43, %dma_wait3A_44] : memref<10000x128xf32, #tpu.memory_space<hbm>> -> memref<96x128xf32, #tpu.memory_space<hbm>>
    %dma_wait3A_46 = arith.constant 0 : i32
    %dma_wait3A_47 = arith.constant 0 : i32
    %dma_wait3A_48 = tpu.memref_slice %arg4[%dma_wait3A_46, %dma_wait3A_47] : memref<10000x128xf32, #tpu.memory_space<hbm>> -> memref<96x128xf32, #tpu.memory_space<hbm>>
    tpu.wait_dma2 semaphore(%arg31 : memref<!tpu.dma_semaphore, #tpu.memory_space<semaphore_mem>>) src(%dma_wait3A_48 : memref<96x128xf32, #tpu.memory_space<hbm>>) dst(%arg22 : memref<96x128xf32, #tpu.memory_space<vmem>>)
    %run_scoped3A = arith.constant 0 : i32
    "tpu.region"() ({
      %run_scoped3A_85 = tpu.sem_alloc : memref<!tpu.dma_semaphore, #tpu.memory_space<semaphore_mem>>
      %dma_start3A_86 = arith.constant 0 : i32
      %dma_start3A_87 = tpu.memref_slice %arg6[%dma_start3A_86] : memref<96xi32, #tpu.memory_space<vmem>> -> memref<16xi32, #tpu.memory_space<vmem>>
      %dma_start3A_88 = tpu.memref_slice %arg2[%run_scoped3A, %add3A_42] : memref<2x320000xi32, #tpu.memory_space<hbm>> -> memref<1x16xi32, #tpu.memory_space<hbm>>
      %dma_start3A_89 = tpu.memref_squeeze %dma_start3A_88 : memref<1x16xi32, #tpu.memory_space<hbm>> -> memref<16xi32, #tpu.memory_space<hbm>>
      %dma_start3A_90 = arith.constant 0 : i32
      %dma_start3A_91 = tpu.memref_slice %arg6[%dma_start3A_90] : memref<96xi32, #tpu.memory_space<vmem>> -> memref<16xi32, #tpu.memory_space<vmem>>
      %dma_start3A_92 = tpu.memref_slice %arg2[%run_scoped3A, %add3A_42] : memref<2x320000xi32, #tpu.memory_space<hbm>> -> memref<1x16xi32, #tpu.memory_space<hbm>>
      %dma_start3A_93 = tpu.memref_squeeze %dma_start3A_92 : memref<1x16xi32, #tpu.memory_space<hbm>> -> memref<16xi32, #tpu.memory_space<hbm>>
      tpu.enqueue_dma source(%dma_start3A_93 : memref<16xi32, #tpu.memory_space<hbm>>) target(%dma_start3A_91 : memref<16xi32, #tpu.memory_space<vmem>>) target_semaphore(%run_scoped3A_85 : memref<!tpu.dma_semaphore, #tpu.memory_space<semaphore_mem>>)
      %dma_wait3A_94 = arith.constant 0 : i32
      %dma_wait3A_95 = tpu.memref_slice %arg6[%dma_wait3A_94] : memref<96xi32, #tpu.memory_space<vmem>> -> memref<16xi32, #tpu.memory_space<vmem>>
      %dma_wait3A_96 = tpu.memref_slice %arg2[%run_scoped3A, %add3A_42] : memref<2x320000xi32, #tpu.memory_space<hbm>> -> memref<1x16xi32, #tpu.memory_space<hbm>>
      %dma_wait3A_97 = tpu.memref_squeeze %dma_wait3A_96 : memref<1x16xi32, #tpu.memory_space<hbm>> -> memref<16xi32, #tpu.memory_space<hbm>>
      %dma_wait3A_98 = arith.constant 0 : i32
      %dma_wait3A_99 = tpu.memref_slice %arg6[%dma_wait3A_98] : memref<96xi32, #tpu.memory_space<vmem>> -> memref<16xi32, #tpu.memory_space<vmem>>
      %dma_wait3A_100 = tpu.memref_slice %arg2[%run_scoped3A, %add3A_42] : memref<2x320000xi32, #tpu.memory_space<hbm>> -> memref<1x16xi32, #tpu.memory_space<hbm>>
      %dma_wait3A_101 = tpu.memref_squeeze %dma_wait3A_100 : memref<1x16xi32, #tpu.memory_space<hbm>> -> memref<16xi32, #tpu.memory_space<hbm>>
      tpu.wait_dma2 semaphore(%run_scoped3A_85 : memref<!tpu.dma_semaphore, #tpu.memory_space<semaphore_mem>>) src(%dma_wait3A_101 : memref<16xi32, #tpu.memory_space<hbm>>) dst(%dma_wait3A_99 : memref<16xi32, #tpu.memory_space<vmem>>)
      tpu.yield
    }) : () -> ()
    %run_scoped3A_49 = arith.constant 1 : i32
    "tpu.region"() ({
      %run_scoped3A_85 = tpu.sem_alloc : memref<!tpu.dma_semaphore, #tpu.memory_space<semaphore_mem>>
      %dma_start3A_86 = arith.constant 0 : i32
      %dma_start3A_87 = tpu.memref_slice %arg14[%dma_start3A_86] : memref<96xi32, #tpu.memory_space<vmem>> -> memref<16xi32, #tpu.memory_space<vmem>>
      %dma_start3A_88 = tpu.memref_slice %arg2[%run_scoped3A_49, %add3A_42] : memref<2x320000xi32, #tpu.memory_space<hbm>> -> memref<1x16xi32, #tpu.memory_space<hbm>>
      %dma_start3A_89 = tpu.memref_squeeze %dma_start3A_88 : memref<1x16xi32, #tpu.memory_space<hbm>> -> memref<16xi32, #tpu.memory_space<hbm>>
      %dma_start3A_90 = arith.constant 0 : i32
      %dma_start3A_91 = tpu.memref_slice %arg14[%dma_start3A_90] : memref<96xi32, #tpu.memory_space<vmem>> -> memref<16xi32, #tpu.memory_space<vmem>>
      %dma_start3A_92 = tpu.memref_slice %arg2[%run_scoped3A_49, %add3A_42] : memref<2x320000xi32, #tpu.memory_space<hbm>> -> memref<1x16xi32, #tpu.memory_space<hbm>>
      %dma_start3A_93 = tpu.memref_squeeze %dma_start3A_92 : memref<1x16xi32, #tpu.memory_space<hbm>> -> memref<16xi32, #tpu.memory_space<hbm>>
      tpu.enqueue_dma source(%dma_start3A_93 : memref<16xi32, #tpu.memory_space<hbm>>) target(%dma_start3A_91 : memref<16xi32, #tpu.memory_space<vmem>>) target_semaphore(%run_scoped3A_85 : memref<!tpu.dma_semaphore, #tpu.memory_space<semaphore_mem>>)
      %dma_wait3A_94 = arith.constant 0 : i32
      %dma_wait3A_95 = tpu.memref_slice %arg14[%dma_wait3A_94] : memref<96xi32, #tpu.memory_space<vmem>> -> memref<16xi32, #tpu.memory_space<vmem>>
      %dma_wait3A_96 = tpu.memref_slice %arg2[%run_scoped3A_49, %add3A_42] : memref<2x320000xi32, #tpu.memory_space<hbm>> -> memref<1x16xi32, #tpu.memory_space<hbm>>
      %dma_wait3A_97 = tpu.memref_squeeze %dma_wait3A_96 : memref<1x16xi32, #tpu.memory_space<hbm>> -> memref<16xi32, #tpu.memory_space<hbm>>
      %dma_wait3A_98 = arith.constant 0 : i32
      %dma_wait3A_99 = tpu.memref_slice %arg14[%dma_wait3A_98] : memref<96xi32, #tpu.memory_space<vmem>> -> memref<16xi32, #tpu.memory_space<vmem>>
      %dma_wait3A_100 = tpu.memref_slice %arg2[%run_scoped3A_49, %add3A_42] : memref<2x320000xi32, #tpu.memory_space<hbm>> -> memref<1x16xi32, #tpu.memory_space<hbm>>
      %dma_wait3A_101 = tpu.memref_squeeze %dma_wait3A_100 : memref<1x16xi32, #tpu.memory_space<hbm>> -> memref<16xi32, #tpu.memory_space<hbm>>
      tpu.wait_dma2 semaphore(%run_scoped3A_85 : memref<!tpu.dma_semaphore, #tpu.memory_space<semaphore_mem>>) src(%dma_wait3A_101 : memref<16xi32, #tpu.memory_space<hbm>>) dst(%dma_wait3A_99 : memref<16xi32, #tpu.memory_space<vmem>>)
      tpu.yield
    }) : () -> ()
    %dma_start3A_50 = arith.constant 0 : i32
    %dma_start3A_51 = arith.constant 0 : i32
    %dma_start3A_52 = tpu.memref_slice %arg22[%dma_start3A_50, %dma_start3A_51] : memref<96x128xf32, #tpu.memory_space<vmem>> -> memref<16x128xf32, #tpu.memory_space<vmem>>
    %dma_start3A_53 = arith.constant 0 : i32
    %dma_start3A_54 = tpu.memref_slice %arg6[%dma_start3A_53] : memref<96xi32, #tpu.memory_space<vmem>> -> memref<16xi32, #tpu.memory_space<vmem>>
    %dma_start3A_55 = arith.constant 0 : i32
    %dma_start3A_56 = arith.constant 0 : i32
    %dma_start3A_57 = tpu.memref_slice %arg3[%dma_start3A_55, %dma_start3A_56] : memref<10000x128xf32, #tpu.memory_space<hbm>> -> memref<10000x128xf32, #tpu.memory_space<hbm>>
    tpu.enqueue_indirect_dma source(%dma_start3A_57 : memref<10000x128xf32, #tpu.memory_space<hbm>>) target(%dma_start3A_52 : memref<16x128xf32, #tpu.memory_space<vmem>>) offsets(%dma_start3A_54 : memref<16xi32, #tpu.memory_space<vmem>>) semaphore(%arg27 : memref<!tpu.dma_semaphore, #tpu.memory_space<semaphore_mem>>)
    %dma_wait3A_58 = arith.constant 0 : i32
    %dma_wait3A_59 = arith.constant 0 : i32
    %dma_wait3A_60 = tpu.memref_slice %arg22[%dma_wait3A_58, %dma_wait3A_59] : memref<96x128xf32, #tpu.memory_space<vmem>> -> memref<16x128xf32, #tpu.memory_space<vmem>>
    %dma_wait3A_61 = arith.constant 0 : i32
    %dma_wait3A_62 = tpu.memref_slice %arg6[%dma_wait3A_61] : memref<96xi32, #tpu.memory_space<vmem>> -> memref<16xi32, #tpu.memory_space<vmem>>
    %dma_wait3A_63 = arith.constant 0 : i32
    %dma_wait3A_64 = arith.constant 0 : i32
    %dma_wait3A_65 = tpu.memref_slice %arg3[%dma_wait3A_63, %dma_wait3A_64] : memref<10000x128xf32, #tpu.memory_space<hbm>> -> memref<10000x128xf32, #tpu.memory_space<hbm>>
    tpu.wait_indirect_dma semaphore(%arg27 : memref<!tpu.dma_semaphore, #tpu.memory_space<semaphore_mem>>) src(%dma_wait3A_65 : memref<10000x128xf32, #tpu.memory_space<hbm>>) dst(%dma_wait3A_60 : memref<16x128xf32, #tpu.memory_space<vmem>>)
    "tpu.region"() ({
      %run_scoped3A_85 = tpu.sem_alloc : memref<!tpu.dma_semaphore, #tpu.memory_space<semaphore_mem>>
      %dma_start3A_86 = arith.constant 0 : i32
      %dma_start3A_87 = arith.constant 0 : i32
      %dma_start3A_88 = tpu.memref_slice %arg22[%dma_start3A_86, %dma_start3A_87] : memref<96x128xf32, #tpu.memory_space<vmem>> -> memref<16x128xf32, #tpu.memory_space<vmem>>
      %dma_start3A_89 = arith.constant 0 : i32
      %dma_start3A_90 = tpu.memref_slice %arg14[%dma_start3A_89] : memref<96xi32, #tpu.memory_space<vmem>> -> memref<16xi32, #tpu.memory_space<vmem>>
      %dma_start3A_91 = arith.constant 0 : i32
      %dma_start3A_92 = arith.constant 0 : i32
      %dma_start3A_93 = tpu.memref_slice %arg26[%dma_start3A_91, %dma_start3A_92] : memref<10000x128xf32, #tpu.memory_space<vmem_shared>> -> memref<10000x128xf32, #tpu.memory_space<vmem_shared>>
      tpu.enqueue_indirect_dma source(%dma_start3A_88 : memref<16x128xf32, #tpu.memory_space<vmem>>) target(%dma_start3A_93 : memref<10000x128xf32, #tpu.memory_space<vmem_shared>>) offsets(%dma_start3A_90 : memref<16xi32, #tpu.memory_space<vmem>>) semaphore(%run_scoped3A_85 : memref<!tpu.dma_semaphore, #tpu.memory_space<semaphore_mem>>) {add = true}
      %dma_wait3A_94 = arith.constant 0 : i32
      %dma_wait3A_95 = arith.constant 0 : i32
      %dma_wait3A_96 = tpu.memref_slice %arg22[%dma_wait3A_94, %dma_wait3A_95] : memref<96x128xf32, #tpu.memory_space<vmem>> -> memref<16x128xf32, #tpu.memory_space<vmem>>
      %dma_wait3A_97 = arith.constant 0 : i32
      %dma_wait3A_98 = tpu.memref_slice %arg14[%dma_wait3A_97] : memref<96xi32, #tpu.memory_space<vmem>> -> memref<16xi32, #tpu.memory_space<vmem>>
      %dma_wait3A_99 = arith.constant 0 : i32
      %dma_wait3A_100 = arith.constant 0 : i32
      %dma_wait3A_101 = tpu.memref_slice %arg26[%dma_wait3A_99, %dma_wait3A_100] : memref<10000x128xf32, #tpu.memory_space<vmem_shared>> -> memref<10000x128xf32, #tpu.memory_space<vmem_shared>>
      tpu.wait_indirect_dma semaphore(%run_scoped3A_85 : memref<!tpu.dma_semaphore, #tpu.memory_space<semaphore_mem>>) src(%dma_wait3A_96 : memref<16x128xf32, #tpu.memory_space<vmem>>) dst(%dma_wait3A_101 : memref<10000x128xf32, #tpu.memory_space<vmem_shared>>)
      tpu.yield
    }) : () -> ()
    %dma_wait3A_66 = arith.constant 0 : i32
    %dma_wait3A_67 = arith.constant 0 : i32
    %dma_wait3A_68 = tpu.memref_slice %arg4[%dma_wait3A_66, %dma_wait3A_67] : memref<10000x128xf32, #tpu.memory_space<hbm>> -> memref<96x128xf32, #tpu.memory_space<hbm>>
    %dma_wait3A_69 = arith.constant 0 : i32
    %dma_wait3A_70 = arith.constant 0 : i32
    %dma_wait3A_71 = tpu.memref_slice %arg4[%dma_wait3A_69, %dma_wait3A_70] : memref<10000x128xf32, #tpu.memory_space<hbm>> -> memref<96x128xf32, #tpu.memory_space<hbm>>
    tpu.wait_dma2 semaphore(%arg32 : memref<!tpu.dma_semaphore, #tpu.memory_space<semaphore_mem>>) src(%dma_wait3A_71 : memref<96x128xf32, #tpu.memory_space<hbm>>) dst(%arg23 : memref<96x128xf32, #tpu.memory_space<vmem>>)
    %dma_wait3A_72 = arith.constant 0 : i32
    %dma_wait3A_73 = arith.constant 0 : i32
    %dma_wait3A_74 = tpu.memref_slice %arg4[%dma_wait3A_72, %dma_wait3A_73] : memref<10000x128xf32, #tpu.memory_space<hbm>> -> memref<96x128xf32, #tpu.memory_space<hbm>>
    %dma_wait3A_75 = arith.constant 0 : i32
    %dma_wait3A_76 = arith.constant 0 : i32
    %dma_wait3A_77 = tpu.memref_slice %arg4[%dma_wait3A_75, %dma_wait3A_76] : memref<10000x128xf32, #tpu.memory_space<hbm>> -> memref<96x128xf32, #tpu.memory_space<hbm>>
    tpu.wait_dma2 semaphore(%arg33 : memref<!tpu.dma_semaphore, #tpu.memory_space<semaphore_mem>>) src(%dma_wait3A_77 : memref<96x128xf32, #tpu.memory_space<hbm>>) dst(%arg24 : memref<96x128xf32, #tpu.memory_space<vmem>>)
    %dma_wait3A_78 = arith.constant 0 : i32
    %dma_wait3A_79 = arith.constant 0 : i32
    %dma_wait3A_80 = tpu.memref_slice %arg4[%dma_wait3A_78, %dma_wait3A_79] : memref<10000x128xf32, #tpu.memory_space<hbm>> -> memref<96x128xf32, #tpu.memory_space<hbm>>
    %dma_wait3A_81 = arith.constant 0 : i32
    %dma_wait3A_82 = arith.constant 0 : i32
    %dma_wait3A_83 = tpu.memref_slice %arg4[%dma_wait3A_81, %dma_wait3A_82] : memref<10000x128xf32, #tpu.memory_space<hbm>> -> memref<96x128xf32, #tpu.memory_space<hbm>>
    tpu.wait_dma2 semaphore(%arg34 : memref<!tpu.dma_semaphore, #tpu.memory_space<semaphore_mem>>) src(%dma_wait3A_83 : memref<96x128xf32, #tpu.memory_space<hbm>>) dst(%arg25 : memref<96x128xf32, #tpu.memory_space<vmem>>)
    %barrier3A_84 = arith.constant 0 : index
    tpu.barrier barrier_id(%barrier3A_84)
    "tpu.region"() ({
      %run_scoped3A_85 = tpu.sem_alloc : memref<!tpu.dma_semaphore, #tpu.memory_space<semaphore_mem>>
      %dma_start3A_86 = arith.constant 0 : i32
      %dma_start3A_87 = tpu.memref_slice %arg5[%arg0, %mul3A_4, %dma_start3A_86] : memref<2x10000x128xf32, #tpu.memory_space<hbm>> -> memref<1x625x128xf32, #tpu.memory_space<hbm>>
      %dma_start3A_88 = tpu.memref_squeeze %dma_start3A_87 : memref<1x625x128xf32, #tpu.memory_space<hbm>> -> memref<625x128xf32, #tpu.memory_space<hbm>>
      %dma_start3A_89 = arith.constant 0 : i32
      %dma_start3A_90 = tpu.memref_slice %arg26[%mul3A_4, %dma_start3A_89] : memref<10000x128xf32, #tpu.memory_space<vmem_shared>> -> memref<625x128xf32, #tpu.memory_space<vmem_shared>>
      tpu.enqueue_dma source(%dma_start3A_90 : memref<625x128xf32, #tpu.memory_space<vmem_shared>>) target(%dma_start3A_88 : memref<625x128xf32, #tpu.memory_space<hbm>>) target_semaphore(%run_scoped3A_85 : memref<!tpu.dma_semaphore, #tpu.memory_space<semaphore_mem>>)
      %dma_wait3A_91 = arith.constant 0 : i32
      %dma_wait3A_92 = tpu.memref_slice %arg5[%arg0, %mul3A_4, %dma_wait3A_91] : memref<2x10000x128xf32, #tpu.memory_space<hbm>> -> memref<1x625x128xf32, #tpu.memory_space<hbm>>
      %dma_wait3A_93 = tpu.memref_squeeze %dma_wait3A_92 : memref<1x625x128xf32, #tpu.memory_space<hbm>> -> memref<625x128xf32, #tpu.memory_space<hbm>>
      %dma_wait3A_94 = arith.constant 0 : i32
      %dma_wait3A_95 = tpu.memref_slice %arg26[%mul3A_4, %dma_wait3A_94] : memref<10000x128xf32, #tpu.memory_space<vmem_shared>> -> memref<625x128xf32, #tpu.memory_space<vmem_shared>>
      tpu.wait_dma2 semaphore(%run_scoped3A_85 : memref<!tpu.dma_semaphore, #tpu.memory_space<semaphore_mem>>) src(%dma_wait3A_95 : memref<625x128xf32, #tpu.memory_space<vmem_shared>>) dst(%dma_wait3A_93 : memref<625x128xf32, #tpu.memory_space<hbm>>)
      tpu.yield
    }) : () -> ()
    return
  }
}

#map = affine_map<(d0, d1) -> (0, 0)>
#map1 = affine_map<(d0, d1) -> (0)>
module attributes {stable_mosaic.version = 14 : i64} {
  func.func @_deg_body(%arg0: i32, %arg1: i32, %arg2: memref<2x320000xi32, #tpu.memory_space<hbm>>, %arg3: memref<10000xf32, #tpu.memory_space<hbm>>, %arg4: memref<2x10000xf32, #tpu.memory_space<hbm>>, %arg5: memref<10000xi32, #tpu.memory_space<vmem>>, %arg6: memref<80xf32, #tpu.memory_space<vmem>>, %arg7: memref<10000xf32, #tpu.memory_space<vmem_shared>>, %arg8: memref<!tpu.dma_semaphore, #tpu.memory_space<semaphore_mem>>) attributes {dimension_semantics = [#tpu.dimension_semantics<core_parallel>, #tpu.dimension_semantics<subcore_parallel>], iteration_bounds = array<i64: 2, 16>, scalar_prefetch = 0 : i64, scratch_operands = 4 : i64, tpu.core_type = #tpu.core_type<sc_vector_subcore>, window_params = [{transform_indices = #map}, {transform_indices = #map1}, {transform_indices = #map}]} {
    %mul3A = arith.constant 2 : i32
    %mul3A_0 = arith.muli %arg1, %mul3A : i32
    %add3A = arith.addi %mul3A_0, %arg0 : i32
    %mul3A_1 = arith.constant 10000 : i32
    %mul3A_2 = arith.muli %add3A, %mul3A_1 : i32
    %scan3A = arith.constant 0 : i32
    %scan3A_3 = arith.constant 0 : i32
    %scan3A_4 = arith.constant 5 : i32
    %scan3A_5 = arith.addi %scan3A_3, %scan3A_4 : i32
    %scan3A_6 = arith.constant 1 : i32
    %scan3A_7 = scf.for %scan3A_28 = %scan3A_3 to %scan3A_5 step %scan3A_6 iter_args(%scan3A_29 = %scan3A) -> (i32)  : i32 {
      %broadcast_in_dim3A = arith.constant 1.000000e+00 : f32
      %broadcast_in_dim3A_30 = vector.broadcast %broadcast_in_dim3A : f32 to vector<16xf32>
      %mul3A_31 = arith.constant 16 : i32
      %mul3A_32 = arith.muli %scan3A_28, %mul3A_31 : i32
      %swap3A = arith.index_cast %mul3A_32 : i32 to index
      %swap3A_33 = tpu.vector_load %arg6[%swap3A] {strides = array<i32>} : memref<80xf32, #tpu.memory_space<vmem>>, vector<16xf32>,
      %swap3A_34 = vector.shape_cast %swap3A_33 : vector<16xf32> to vector<16xf32>
      %swap3A_35 = vector.shape_cast %broadcast_in_dim3A_30 : vector<16xf32> to vector<16xf32>
      tpu.vector_store %arg6[%swap3A], %swap3A_35 {strides = array<i32>} : memref<80xf32, #tpu.memory_space<vmem>>, vector<16xf32>,
      %scan3A_36 = arith.constant 0 : i32
      scf.yield %scan3A_36 : i32
    }
    %scan3A_8 = arith.constant 5 : i32
    %lt3A = arith.constant 10 : i32
    %lt3A_9 = arith.cmpi slt, %arg1, %lt3A : i32
    %convert_element_type3A = arith.extui %lt3A_9 : i1 to i32
    %cond3A = arith.constant 0 : i32
    %cond3A_10 = arith.cmpi ne, %convert_element_type3A, %cond3A : i32
    scf.if %cond3A_10 {
      %mul3A_28 = arith.constant 1000 : i32
      %mul3A_29 = arith.muli %arg1, %mul3A_28 : i32
      %mul3A_30 = arith.constant 1000 : i32
      %mul3A_31 = arith.muli %arg1, %mul3A_30 : i32
      "tpu.region"() ({
        %run_scoped3A_32 = tpu.sem_alloc : memref<!tpu.dma_semaphore, #tpu.memory_space<semaphore_mem>>
        %dma_start3A = tpu.memref_slice %arg7[%mul3A_31] : memref<10000xf32, #tpu.memory_space<vmem_shared>> -> memref<1000xf32, #tpu.memory_space<vmem_shared>>
        %dma_start3A_33 = tpu.memref_slice %arg3[%mul3A_29] : memref<10000xf32, #tpu.memory_space<hbm>> -> memref<1000xf32, #tpu.memory_space<hbm>>
        tpu.enqueue_dma source(%dma_start3A_33 : memref<1000xf32, #tpu.memory_space<hbm>>) target(%dma_start3A : memref<1000xf32, #tpu.memory_space<vmem_shared>>) target_semaphore(%run_scoped3A_32 : memref<!tpu.dma_semaphore, #tpu.memory_space<semaphore_mem>>)
        %dma_wait3A_34 = tpu.memref_slice %arg7[%mul3A_31] : memref<10000xf32, #tpu.memory_space<vmem_shared>> -> memref<1000xf32, #tpu.memory_space<vmem_shared>>
        %dma_wait3A_35 = tpu.memref_slice %arg3[%mul3A_29] : memref<10000xf32, #tpu.memory_space<hbm>> -> memref<1000xf32, #tpu.memory_space<hbm>>
        tpu.wait_dma2 semaphore(%run_scoped3A_32 : memref<!tpu.dma_semaphore, #tpu.memory_space<semaphore_mem>>) src(%dma_wait3A_35 : memref<1000xf32, #tpu.memory_space<hbm>>) dst(%dma_wait3A_34 : memref<1000xf32, #tpu.memory_space<vmem_shared>>)
        tpu.yield
      }) : () -> ()
    } else {
    }
    %run_scoped3A = arith.constant 1 : i32
    "tpu.region"() ({
      %run_scoped3A_28 = tpu.sem_alloc : memref<!tpu.dma_semaphore, #tpu.memory_space<semaphore_mem>>
      %dma_start3A = tpu.memref_slice %arg2[%run_scoped3A, %mul3A_2] : memref<2x320000xi32, #tpu.memory_space<hbm>> -> memref<1x10000xi32, #tpu.memory_space<hbm>>
      %dma_start3A_29 = tpu.memref_squeeze %dma_start3A : memref<1x10000xi32, #tpu.memory_space<hbm>> -> memref<10000xi32, #tpu.memory_space<hbm>>
      %dma_start3A_30 = tpu.memref_slice %arg2[%run_scoped3A, %mul3A_2] : memref<2x320000xi32, #tpu.memory_space<hbm>> -> memref<1x10000xi32, #tpu.memory_space<hbm>>
      %dma_start3A_31 = tpu.memref_squeeze %dma_start3A_30 : memref<1x10000xi32, #tpu.memory_space<hbm>> -> memref<10000xi32, #tpu.memory_space<hbm>>
      tpu.enqueue_dma source(%dma_start3A_31 : memref<10000xi32, #tpu.memory_space<hbm>>) target(%arg5 : memref<10000xi32, #tpu.memory_space<vmem>>) target_semaphore(%run_scoped3A_28 : memref<!tpu.dma_semaphore, #tpu.memory_space<semaphore_mem>>)
      %dma_wait3A_32 = tpu.memref_slice %arg2[%run_scoped3A, %mul3A_2] : memref<2x320000xi32, #tpu.memory_space<hbm>> -> memref<1x10000xi32, #tpu.memory_space<hbm>>
      %dma_wait3A_33 = tpu.memref_squeeze %dma_wait3A_32 : memref<1x10000xi32, #tpu.memory_space<hbm>> -> memref<10000xi32, #tpu.memory_space<hbm>>
      %dma_wait3A_34 = tpu.memref_slice %arg2[%run_scoped3A, %mul3A_2] : memref<2x320000xi32, #tpu.memory_space<hbm>> -> memref<1x10000xi32, #tpu.memory_space<hbm>>
      %dma_wait3A_35 = tpu.memref_squeeze %dma_wait3A_34 : memref<1x10000xi32, #tpu.memory_space<hbm>> -> memref<10000xi32, #tpu.memory_space<hbm>>
      tpu.wait_dma2 semaphore(%run_scoped3A_28 : memref<!tpu.dma_semaphore, #tpu.memory_space<semaphore_mem>>) src(%dma_wait3A_35 : memref<10000xi32, #tpu.memory_space<hbm>>) dst(%arg5 : memref<10000xi32, #tpu.memory_space<vmem>>)
      tpu.yield
    }) : () -> ()
    %barrier3A = arith.constant 0 : index
    tpu.barrier barrier_id(%barrier3A)
    %scan3A_11 = arith.constant 0 : i32
    %scan3A_12 = arith.constant 0 : i32
    %scan3A_13 = arith.constant 125 : i32
    %scan3A_14 = arith.addi %scan3A_12, %scan3A_13 : i32
    %scan3A_15 = arith.constant 1 : i32
    %scan3A_16 = scf.for %scan3A_28 = %scan3A_12 to %scan3A_14 step %scan3A_15 iter_args(%scan3A_29 = %scan3A_11) -> (i32)  : i32 {
      %mul3A_30 = arith.constant 80 : i32
      %mul3A_31 = arith.muli %scan3A_28, %mul3A_30 : i32
      %dma_start3A = tpu.memref_slice %arg5[%mul3A_31] : memref<10000xi32, #tpu.memory_space<vmem>> -> memref<80xi32, #tpu.memory_space<vmem>>
      %dma_start3A_32 = arith.constant 0 : i32
      %dma_start3A_33 = tpu.memref_slice %arg7[%dma_start3A_32] : memref<10000xf32, #tpu.memory_space<vmem_shared>> -> memref<10000xf32, #tpu.memory_space<vmem_shared>>
      tpu.enqueue_indirect_dma source(%arg6 : memref<80xf32, #tpu.memory_space<vmem>>) target(%dma_start3A_33 : memref<10000xf32, #tpu.memory_space<vmem_shared>>) offsets(%dma_start3A : memref<80xi32, #tpu.memory_space<vmem>>) semaphore(%arg8 : memref<!tpu.dma_semaphore, #tpu.memory_space<semaphore_mem>>) {add = true}
      %scan3A_34 = arith.constant 0 : i32
      scf.yield %scan3A_34 : i32
    }
    %scan3A_17 = arith.constant 125 : i32
    %dma_wait3A = arith.constant 1 : i32
    %dma_wait3A_18 = tpu.memref_slice %arg2[%dma_wait3A, %mul3A_2] : memref<2x320000xi32, #tpu.memory_space<hbm>> -> memref<1x10000xi32, #tpu.memory_space<hbm>>
    %dma_wait3A_19 = tpu.memref_squeeze %dma_wait3A_18 : memref<1x10000xi32, #tpu.memory_space<hbm>> -> memref<10000xi32, #tpu.memory_space<hbm>>
    %dma_wait3A_20 = tpu.memref_slice %arg2[%dma_wait3A, %mul3A_2] : memref<2x320000xi32, #tpu.memory_space<hbm>> -> memref<1x10000xi32, #tpu.memory_space<hbm>>
    %dma_wait3A_21 = tpu.memref_squeeze %dma_wait3A_20 : memref<1x10000xi32, #tpu.memory_space<hbm>> -> memref<10000xi32, #tpu.memory_space<hbm>>
    tpu.wait_dma2 semaphore(%arg8 : memref<!tpu.dma_semaphore, #tpu.memory_space<semaphore_mem>>) src(%dma_wait3A_21 : memref<10000xi32, #tpu.memory_space<hbm>>) dst(%arg5 : memref<10000xi32, #tpu.memory_space<vmem>>)
    %barrier3A_22 = arith.constant 0 : index
    tpu.barrier barrier_id(%barrier3A_22)
    %lt3A_23 = arith.constant 10 : i32
    %lt3A_24 = arith.cmpi slt, %arg1, %lt3A_23 : i32
    %convert_element_type3A_25 = arith.extui %lt3A_24 : i1 to i32
    %cond3A_26 = arith.constant 0 : i32
    %cond3A_27 = arith.cmpi ne, %convert_element_type3A_25, %cond3A_26 : i32
    scf.if %cond3A_27 {
      %mul3A_28 = arith.constant 1000 : i32
      %mul3A_29 = arith.muli %arg1, %mul3A_28 : i32
      %mul3A_30 = arith.constant 1000 : i32
      %mul3A_31 = arith.muli %arg1, %mul3A_30 : i32
      "tpu.region"() ({
        %run_scoped3A_32 = tpu.sem_alloc : memref<!tpu.dma_semaphore, #tpu.memory_space<semaphore_mem>>
        %dma_start3A = tpu.memref_slice %arg4[%arg0, %mul3A_31] : memref<2x10000xf32, #tpu.memory_space<hbm>> -> memref<1x1000xf32, #tpu.memory_space<hbm>>
        %dma_start3A_33 = tpu.memref_squeeze %dma_start3A : memref<1x1000xf32, #tpu.memory_space<hbm>> -> memref<1000xf32, #tpu.memory_space<hbm>>
        %dma_start3A_34 = tpu.memref_slice %arg7[%mul3A_29] : memref<10000xf32, #tpu.memory_space<vmem_shared>> -> memref<1000xf32, #tpu.memory_space<vmem_shared>>
        tpu.enqueue_dma source(%dma_start3A_34 : memref<1000xf32, #tpu.memory_space<vmem_shared>>) target(%dma_start3A_33 : memref<1000xf32, #tpu.memory_space<hbm>>) target_semaphore(%run_scoped3A_32 : memref<!tpu.dma_semaphore, #tpu.memory_space<semaphore_mem>>)
        %dma_wait3A_35 = tpu.memref_slice %arg4[%arg0, %mul3A_31] : memref<2x10000xf32, #tpu.memory_space<hbm>> -> memref<1x1000xf32, #tpu.memory_space<hbm>>
        %dma_wait3A_36 = tpu.memref_squeeze %dma_wait3A_35 : memref<1x1000xf32, #tpu.memory_space<hbm>> -> memref<1000xf32, #tpu.memory_space<hbm>>
        %dma_wait3A_37 = tpu.memref_slice %arg7[%mul3A_29] : memref<10000xf32, #tpu.memory_space<vmem_shared>> -> memref<1000xf32, #tpu.memory_space<vmem_shared>>
        tpu.wait_dma2 semaphore(%run_scoped3A_32 : memref<!tpu.dma_semaphore, #tpu.memory_space<semaphore_mem>>) src(%dma_wait3A_37 : memref<1000xf32, #tpu.memory_space<vmem_shared>>) dst(%dma_wait3A_36 : memref<1000xf32, #tpu.memory_space<hbm>>)
        tpu.yield
      }) : () -> ()
    } else {
    }
    return
  }
}

module attributes {stable_mosaic.version = 14 : i64} {
  func.func @_scale_body(%arg0: i32, %arg1: memref<1024x128xf32, #tpu.memory_space<vmem>>, %arg2: memref<128x128xf32, #tpu.memory_space<vmem>>, %arg3: memref<2x1024xf32, #tpu.memory_space<vmem>>, %arg4: memref<1024x128xf32, #tpu.memory_space<vmem>>, %arg5: memref<1024xf32, #tpu.memory_space<vmem>>) attributes {dimension_semantics = [#tpu.dimension_semantics<arbitrary>], iteration_bounds = array<i64: 10>, scalar_prefetch = 0 : i64, scratch_operands = 0 : i64, tpu.core_type = #tpu.core_type<tc>, window_params = [{transform_indices = @transform_0, window_bounds = array<i64: 1024, 128>}, {pipeline_mode = #tpu.pipeline_mode<synchronous>, transform_indices = @transform_1, window_bounds = array<i64: 128, 128>}, {transform_indices = @transform_2, window_bounds = array<i64: 2, 1024>}, {transform_indices = @transform_3, window_bounds = array<i64: 1024, 128>}, {transform_indices = @transform_4, window_bounds = array<i64: 1024>}]} {
    %get3A = arith.constant 0 : index
    %get3A_0 = arith.constant 0 : index
    %get3A_1 = vector.load %arg1[%get3A, %get3A_0] : memref<1024x128xf32, #tpu.memory_space<vmem>>, vector<1024x128xf32>
    %get3A_2 = arith.constant 0 : index
    %get3A_3 = arith.constant 0 : index
    %get3A_4 = vector.load %arg2[%get3A_2, %get3A_3] : memref<128x128xf32, #tpu.memory_space<vmem>>, vector<128x128xf32>
    %dot_general3A = arith.constant dense<0.000000e+00> : vector<1024x128xf32>
    %dot_general3A_5 = tpu.matmul %get3A_1, %get3A_4, %dot_general3A {dimension_numbers = #tpu.dot_dimension_numbers<[1], [0], [0], [1], [0, 0, 1, 1], [], []>, transpose_lhs_hint = false} : vector<1024x128xf32>, vector<128x128xf32>, vector<1024x128xf32> -> vector<1024x128xf32>
    %get3A_6 = arith.constant 0 : index
    %get3A_7 = arith.constant 0 : index
    %get3A_8 = vector.load %arg3[%get3A_6, %get3A_7] : memref<2x1024xf32, #tpu.memory_space<vmem>>, vector<2x1024xf32>
    %reduce_sum3A = arith.constant dense<0.000000e+00> : vector<1024xf32>
    %reduce_sum3A_9 = vector.multi_reduction <add>, %get3A_8, %reduce_sum3A [0] : vector<2x1024xf32> to vector<1024xf32>
    %add3A = arith.constant 1.000000e+00 : f32
    %add3A_10 = vector.broadcast %add3A : f32 to vector<1024xf32>
    %add3A_11 = arith.addf %reduce_sum3A_9, %add3A_10 : vector<1024xf32>
    %rsqrt3A = math.rsqrt %add3A_11 : vector<1024xf32>
    %broadcast_in_dim3A = vector.shape_cast %rsqrt3A : vector<1024xf32> to vector<1024x1xf32>
    %mul3A = vector.broadcast %broadcast_in_dim3A : vector<1024x1xf32> to vector<1024x128xf32>
    %mul3A_12 = arith.mulf %dot_general3A_5, %mul3A : vector<1024x128xf32>
    %swap3A = arith.constant 0 : index
    %swap3A_13 = arith.constant 0 : index
    %swap3A_14 = vector.load %arg4[%swap3A, %swap3A_13] : memref<1024x128xf32, #tpu.memory_space<vmem>>, vector<1024x128xf32>
    tpu.vector_store %arg4[%swap3A, %swap3A_13], %mul3A_12 {strides = array<i32>} : memref<1024x128xf32, #tpu.memory_space<vmem>>, vector<1024x128xf32>,
    %swap3A_15 = arith.constant 0 : index
    %swap3A_16 = vector.load %arg5[%swap3A_15] : memref<1024xf32, #tpu.memory_space<vmem>>, vector<1024xf32>
    tpu.vector_store %arg5[%swap3A_15], %rsqrt3A {strides = array<i32>} : memref<1024xf32, #tpu.memory_space<vmem>>, vector<1024xf32>,
    return
  }
  func.func @transform_0(%arg0: i32) -> (i32, i32) {
    %c0_i32 = arith.constant 0 : i32
    %c0_i32_0 = arith.constant 0 : i32
    return %arg0, %c0_i32 : i32, i32
  }
  func.func @transform_1(%arg0: i32) -> (i32, i32) {
    %c0_i32 = arith.constant 0 : i32
    %c0_i32_0 = arith.constant 0 : i32
    %c0_i32_1 = arith.constant 0 : i32
    return %c0_i32, %c0_i32_0 : i32, i32
  }
  func.func @transform_2(%arg0: i32) -> (i32, i32) {
    %c0_i32 = arith.constant 0 : i32
    %c0_i32_0 = arith.constant 0 : i32
    return %c0_i32, %arg0 : i32, i32
  }
  func.func @transform_3(%arg0: i32) -> (i32, i32) {
    %c0_i32 = arith.constant 0 : i32
    %c0_i32_0 = arith.constant 0 : i32
    return %arg0, %c0_i32 : i32, i32
  }
  func.func @transform_4(%arg0: i32) -> i32 {
    %c0_i32 = arith.constant 0 : i32
    return %arg0 : i32
  }
}

module attributes {stable_mosaic.version = 14 : i64} {
  func.func @_mlp_body(%arg0: i32, %arg1: memref<2x1024x128xf32, #tpu.memory_space<vmem>>, %arg2: memref<1024x128xf32, #tpu.memory_space<vmem>>, %arg3: memref<1024xf32, #tpu.memory_space<vmem>>, %arg4: memref<128xf32, #tpu.memory_space<vmem>>, %arg5: memref<5x128x128xf32, #tpu.memory_space<vmem>>, %arg6: memref<5x128xf32, #tpu.memory_space<vmem>>, %arg7: memref<128x128xf32, #tpu.memory_space<vmem>>, %arg8: memref<128xf32, #tpu.memory_space<vmem>>, %arg9: memref<128x128xf32, #tpu.memory_space<vmem>>, %arg10: memref<128xf32, #tpu.memory_space<vmem>>, %arg11: memref<1024x128xf32, #tpu.memory_space<vmem>>, %arg12: memref<1024x128xf32, #tpu.memory_space<vmem>>, %arg13: memref<1024x128xf32, #tpu.memory_space<vmem>>, %arg14: memref<1024x128xf32, #tpu.memory_space<vmem>>) attributes {dimension_semantics = [#tpu.dimension_semantics<arbitrary>], iteration_bounds = array<i64: 10>, scalar_prefetch = 0 : i64, scratch_operands = 0 : i64, tpu.core_type = #tpu.core_type<tc>, window_params = [{transform_indices = @transform_0, window_bounds = array<i64: 2, 1024, 128>}, {transform_indices = @transform_1, window_bounds = array<i64: 1024, 128>}, {transform_indices = @transform_2, window_bounds = array<i64: 1024>}, {pipeline_mode = #tpu.pipeline_mode<synchronous>, transform_indices = @transform_3, window_bounds = array<i64: 128>}, {pipeline_mode = #tpu.pipeline_mode<synchronous>, transform_indices = @transform_4, window_bounds = array<i64: 5, 128, 128>}, {pipeline_mode = #tpu.pipeline_mode<synchronous>, transform_indices = @transform_5, window_bounds = array<i64: 5, 128>}, {pipeline_mode = #tpu.pipeline_mode<synchronous>, transform_indices = @transform_6, window_bounds = array<i64: 128, 128>}, {pipeline_mode = #tpu.pipeline_mode<synchronous>, transform_indices = @transform_7, window_bounds = array<i64: 128>}, {pipeline_mode = #tpu.pipeline_mode<synchronous>, transform_indices = @transform_8, window_bounds = array<i64: 128, 128>}, {pipeline_mode = #tpu.pipeline_mode<synchronous>, transform_indices = @transform_9, window_bounds = array<i64: 128>}, {transform_indices = @transform_10, window_bounds = array<i64: 1024, 128>}, {transform_indices = @transform_11, window_bounds = array<i64: 1024, 128>}, {transform_indices = @transform_12, window_bounds = array<i64: 1024, 128>}, {transform_indices = @transform_13, window_bounds = array<i64: 1024, 128>}]} {
    %get3A = arith.constant 0 : index
    %get3A_0 = arith.constant 0 : index
    %get3A_1 = arith.constant 0 : index
    %get3A_2 = vector.load %arg1[%get3A, %get3A_0, %get3A_1] : memref<2x1024x128xf32, #tpu.memory_space<vmem>>, vector<1x1024x128xf32>
    %get3A_3 = vector.shape_cast %get3A_2 : vector<1x1024x128xf32> to vector<1024x128xf32>
    %get3A_4 = arith.constant 1 : index
    %get3A_5 = arith.constant 0 : index
    %get3A_6 = arith.constant 0 : index
    %get3A_7 = vector.load %arg1[%get3A_4, %get3A_5, %get3A_6] : memref<2x1024x128xf32, #tpu.memory_space<vmem>>, vector<1x1024x128xf32>
    %get3A_8 = vector.shape_cast %get3A_7 : vector<1x1024x128xf32> to vector<1024x128xf32>
    %add3A = arith.addf %get3A_3, %get3A_8 : vector<1024x128xf32>
    %get3A_9 = arith.constant 0 : index
    %get3A_10 = vector.load %arg3[%get3A_9] : memref<1024xf32, #tpu.memory_space<vmem>>, vector<1024xf32>
    %broadcast_in_dim3A = vector.shape_cast %get3A_10 : vector<1024xf32> to vector<1024x1xf32>
    %get3A_11 = arith.constant 0 : index
    %get3A_12 = arith.constant 0 : index
    %get3A_13 = vector.load %arg2[%get3A_11, %get3A_12] : memref<1024x128xf32, #tpu.memory_space<vmem>>, vector<1024x128xf32>
    %add3A_14 = arith.addf %add3A, %get3A_13 : vector<1024x128xf32>
    %mul3A = vector.broadcast %broadcast_in_dim3A : vector<1024x1xf32> to vector<1024x128xf32>
    %mul3A_15 = arith.mulf %mul3A, %add3A_14 : vector<1024x128xf32>
    %get3A_16 = arith.constant 0 : index
    %get3A_17 = vector.load %arg4[%get3A_16] : memref<128xf32, #tpu.memory_space<vmem>>, vector<128xf32>
    %broadcast_in_dim3A_18 = vector.shape_cast %get3A_17 : vector<128xf32> to vector<1x128xf32>
    %add3A_19 = vector.broadcast %broadcast_in_dim3A_18 : vector<1x128xf32> to vector<1024x128xf32>
    %add3A_20 = arith.addf %mul3A_15, %add3A_19 : vector<1024x128xf32>
    %get3A_21 = arith.constant 0 : index
    %get3A_22 = arith.constant 0 : index
    %get3A_23 = arith.constant 0 : index
    %get3A_24 = vector.load %arg5[%get3A_21, %get3A_22, %get3A_23] : memref<5x128x128xf32, #tpu.memory_space<vmem>>, vector<1x128x128xf32>
    %get3A_25 = vector.shape_cast %get3A_24 : vector<1x128x128xf32> to vector<128x128xf32>
    %dot_general3A = arith.constant dense<0.000000e+00> : vector<1024x128xf32>
    %dot_general3A_26 = tpu.matmul %add3A_20, %get3A_25, %dot_general3A {dimension_numbers = #tpu.dot_dimension_numbers<[1], [0], [0], [1], [0, 0, 1, 1], [], []>, transpose_lhs_hint = false} : vector<1024x128xf32>, vector<128x128xf32>, vector<1024x128xf32> -> vector<1024x128xf32>
    %get3A_27 = arith.constant 0 : index
    %get3A_28 = arith.constant 0 : index
    %get3A_29 = vector.load %arg6[%get3A_27, %get3A_28] : memref<5x128xf32, #tpu.memory_space<vmem>>, vector<1x128xf32>
    %get3A_30 = vector.shape_cast %get3A_29 : vector<1x128xf32> to vector<128xf32>
    %broadcast_in_dim3A_31 = vector.shape_cast %get3A_30 : vector<128xf32> to vector<1x128xf32>
    %add3A_32 = vector.broadcast %broadcast_in_dim3A_31 : vector<1x128xf32> to vector<1024x128xf32>
    %add3A_33 = arith.addf %dot_general3A_26, %add3A_32 : vector<1024x128xf32>
    %logistic3A = arith.negf %add3A_33 : vector<1024x128xf32>
    %logistic3A_34 = math.exp %logistic3A : vector<1024x128xf32>
    %logistic3A_35 = arith.constant 1.000000e+00 : f32
    %logistic3A_36 = vector.broadcast %logistic3A_35 : f32 to vector<1024x128xf32>
    %logistic3A_37 = arith.addf %logistic3A_36, %logistic3A_34 : vector<1024x128xf32>
    %logistic3A_38 = arith.divf %logistic3A_36, %logistic3A_37 : vector<1024x128xf32>
    %get3A_39 = arith.constant 1 : index
    %get3A_40 = arith.constant 0 : index
    %get3A_41 = arith.constant 0 : index
    %get3A_42 = vector.load %arg5[%get3A_39, %get3A_40, %get3A_41] : memref<5x128x128xf32, #tpu.memory_space<vmem>>, vector<1x128x128xf32>
    %get3A_43 = vector.shape_cast %get3A_42 : vector<1x128x128xf32> to vector<128x128xf32>
    %dot_general3A_44 = arith.constant dense<0.000000e+00> : vector<1024x128xf32>
    %dot_general3A_45 = tpu.matmul %logistic3A_38, %get3A_43, %dot_general3A_44 {dimension_numbers = #tpu.dot_dimension_numbers<[1], [0], [0], [1], [0, 0, 1, 1], [], []>, transpose_lhs_hint = false} : vector<1024x128xf32>, vector<128x128xf32>, vector<1024x128xf32> -> vector<1024x128xf32>
    %get3A_46 = arith.constant 1 : index
    %get3A_47 = arith.constant 0 : index
    %get3A_48 = vector.load %arg6[%get3A_46, %get3A_47] : memref<5x128xf32, #tpu.memory_space<vmem>>, vector<1x128xf32>
    %get3A_49 = vector.shape_cast %get3A_48 : vector<1x128xf32> to vector<128xf32>
    %broadcast_in_dim3A_50 = vector.shape_cast %get3A_49 : vector<128xf32> to vector<1x128xf32>
    %add3A_51 = vector.broadcast %broadcast_in_dim3A_50 : vector<1x128xf32> to vector<1024x128xf32>
    %add3A_52 = arith.addf %dot_general3A_45, %add3A_51 : vector<1024x128xf32>
    %logistic3A_53 = arith.negf %add3A_52 : vector<1024x128xf32>
    %logistic3A_54 = math.exp %logistic3A_53 : vector<1024x128xf32>
    %logistic3A_55 = arith.constant 1.000000e+00 : f32
    %logistic3A_56 = vector.broadcast %logistic3A_55 : f32 to vector<1024x128xf32>
    %logistic3A_57 = arith.addf %logistic3A_56, %logistic3A_54 : vector<1024x128xf32>
    %logistic3A_58 = arith.divf %logistic3A_56, %logistic3A_57 : vector<1024x128xf32>
    %get3A_59 = arith.constant 2 : index
    %get3A_60 = arith.constant 0 : index
    %get3A_61 = arith.constant 0 : index
    %get3A_62 = vector.load %arg5[%get3A_59, %get3A_60, %get3A_61] : memref<5x128x128xf32, #tpu.memory_space<vmem>>, vector<1x128x128xf32>
    %get3A_63 = vector.shape_cast %get3A_62 : vector<1x128x128xf32> to vector<128x128xf32>
    %dot_general3A_64 = arith.constant dense<0.000000e+00> : vector<1024x128xf32>
    %dot_general3A_65 = tpu.matmul %logistic3A_58, %get3A_63, %dot_general3A_64 {dimension_numbers = #tpu.dot_dimension_numbers<[1], [0], [0], [1], [0, 0, 1, 1], [], []>, transpose_lhs_hint = false} : vector<1024x128xf32>, vector<128x128xf32>, vector<1024x128xf32> -> vector<1024x128xf32>
    %get3A_66 = arith.constant 2 : index
    %get3A_67 = arith.constant 0 : index
    %get3A_68 = vector.load %arg6[%get3A_66, %get3A_67] : memref<5x128xf32, #tpu.memory_space<vmem>>, vector<1x128xf32>
    %get3A_69 = vector.shape_cast %get3A_68 : vector<1x128xf32> to vector<128xf32>
    %broadcast_in_dim3A_70 = vector.shape_cast %get3A_69 : vector<128xf32> to vector<1x128xf32>
    %add3A_71 = vector.broadcast %broadcast_in_dim3A_70 : vector<1x128xf32> to vector<1024x128xf32>
    %add3A_72 = arith.addf %dot_general3A_65, %add3A_71 : vector<1024x128xf32>
    %logistic3A_73 = arith.negf %add3A_72 : vector<1024x128xf32>
    %logistic3A_74 = math.exp %logistic3A_73 : vector<1024x128xf32>
    %logistic3A_75 = arith.constant 1.000000e+00 : f32
    %logistic3A_76 = vector.broadcast %logistic3A_75 : f32 to vector<1024x128xf32>
    %logistic3A_77 = arith.addf %logistic3A_76, %logistic3A_74 : vector<1024x128xf32>
    %logistic3A_78 = arith.divf %logistic3A_76, %logistic3A_77 : vector<1024x128xf32>
    %get3A_79 = arith.constant 3 : index
    %get3A_80 = arith.constant 0 : index
    %get3A_81 = arith.constant 0 : index
    %get3A_82 = vector.load %arg5[%get3A_79, %get3A_80, %get3A_81] : memref<5x128x128xf32, #tpu.memory_space<vmem>>, vector<1x128x128xf32>
    %get3A_83 = vector.shape_cast %get3A_82 : vector<1x128x128xf32> to vector<128x128xf32>
    %dot_general3A_84 = arith.constant dense<0.000000e+00> : vector<1024x128xf32>
    %dot_general3A_85 = tpu.matmul %logistic3A_78, %get3A_83, %dot_general3A_84 {dimension_numbers = #tpu.dot_dimension_numbers<[1], [0], [0], [1], [0, 0, 1, 1], [], []>, transpose_lhs_hint = false} : vector<1024x128xf32>, vector<128x128xf32>, vector<1024x128xf32> -> vector<1024x128xf32>
    %get3A_86 = arith.constant 3 : index
    %get3A_87 = arith.constant 0 : index
    %get3A_88 = vector.load %arg6[%get3A_86, %get3A_87] : memref<5x128xf32, #tpu.memory_space<vmem>>, vector<1x128xf32>
    %get3A_89 = vector.shape_cast %get3A_88 : vector<1x128xf32> to vector<128xf32>
    %broadcast_in_dim3A_90 = vector.shape_cast %get3A_89 : vector<128xf32> to vector<1x128xf32>
    %add3A_91 = vector.broadcast %broadcast_in_dim3A_90 : vector<1x128xf32> to vector<1024x128xf32>
    %add3A_92 = arith.addf %dot_general3A_85, %add3A_91 : vector<1024x128xf32>
    %logistic3A_93 = arith.negf %add3A_92 : vector<1024x128xf32>
    %logistic3A_94 = math.exp %logistic3A_93 : vector<1024x128xf32>
    %logistic3A_95 = arith.constant 1.000000e+00 : f32
    %logistic3A_96 = vector.broadcast %logistic3A_95 : f32 to vector<1024x128xf32>
    %logistic3A_97 = arith.addf %logistic3A_96, %logistic3A_94 : vector<1024x128xf32>
    %logistic3A_98 = arith.divf %logistic3A_96, %logistic3A_97 : vector<1024x128xf32>
    %get3A_99 = arith.constant 4 : index
    %get3A_100 = arith.constant 0 : index
    %get3A_101 = arith.constant 0 : index
    %get3A_102 = vector.load %arg5[%get3A_99, %get3A_100, %get3A_101] : memref<5x128x128xf32, #tpu.memory_space<vmem>>, vector<1x128x128xf32>
    %get3A_103 = vector.shape_cast %get3A_102 : vector<1x128x128xf32> to vector<128x128xf32>
    %dot_general3A_104 = arith.constant dense<0.000000e+00> : vector<1024x128xf32>
    %dot_general3A_105 = tpu.matmul %logistic3A_98, %get3A_103, %dot_general3A_104 {dimension_numbers = #tpu.dot_dimension_numbers<[1], [0], [0], [1], [0, 0, 1, 1], [], []>, transpose_lhs_hint = false} : vector<1024x128xf32>, vector<128x128xf32>, vector<1024x128xf32> -> vector<1024x128xf32>
    %get3A_106 = arith.constant 4 : index
    %get3A_107 = arith.constant 0 : index
    %get3A_108 = vector.load %arg6[%get3A_106, %get3A_107] : memref<5x128xf32, #tpu.memory_space<vmem>>, vector<1x128xf32>
    %get3A_109 = vector.shape_cast %get3A_108 : vector<1x128xf32> to vector<128xf32>
    %broadcast_in_dim3A_110 = vector.shape_cast %get3A_109 : vector<128xf32> to vector<1x128xf32>
    %add3A_111 = vector.broadcast %broadcast_in_dim3A_110 : vector<1x128xf32> to vector<1024x128xf32>
    %add3A_112 = arith.addf %dot_general3A_105, %add3A_111 : vector<1024x128xf32>
    %logistic3A_113 = arith.negf %add3A_112 : vector<1024x128xf32>
    %logistic3A_114 = math.exp %logistic3A_113 : vector<1024x128xf32>
    %logistic3A_115 = arith.constant 1.000000e+00 : f32
    %logistic3A_116 = vector.broadcast %logistic3A_115 : f32 to vector<1024x128xf32>
    %logistic3A_117 = arith.addf %logistic3A_116, %logistic3A_114 : vector<1024x128xf32>
    %logistic3A_118 = arith.divf %logistic3A_116, %logistic3A_117 : vector<1024x128xf32>
    %get3A_119 = arith.constant 0 : index
    %get3A_120 = arith.constant 0 : index
    %get3A_121 = vector.load %arg7[%get3A_119, %get3A_120] : memref<128x128xf32, #tpu.memory_space<vmem>>, vector<128x128xf32>
    %dot_general3A_122 = arith.constant dense<0.000000e+00> : vector<1024x128xf32>
    %dot_general3A_123 = tpu.matmul %logistic3A_118, %get3A_121, %dot_general3A_122 {dimension_numbers = #tpu.dot_dimension_numbers<[1], [0], [0], [1], [0, 0, 1, 1], [], []>, transpose_lhs_hint = false} : vector<1024x128xf32>, vector<128x128xf32>, vector<1024x128xf32> -> vector<1024x128xf32>
    %get3A_124 = arith.constant 0 : index
    %get3A_125 = vector.load %arg8[%get3A_124] : memref<128xf32, #tpu.memory_space<vmem>>, vector<128xf32>
    %broadcast_in_dim3A_126 = vector.shape_cast %get3A_125 : vector<128xf32> to vector<1x128xf32>
    %add3A_127 = vector.broadcast %broadcast_in_dim3A_126 : vector<1x128xf32> to vector<1024x128xf32>
    %add3A_128 = arith.addf %dot_general3A_123, %add3A_127 : vector<1024x128xf32>
    %get3A_129 = arith.constant 0 : index
    %get3A_130 = arith.constant 0 : index
    %get3A_131 = vector.load %arg9[%get3A_129, %get3A_130] : memref<128x128xf32, #tpu.memory_space<vmem>>, vector<128x128xf32>
    %dot_general3A_132 = arith.constant dense<0.000000e+00> : vector<1024x128xf32>
    %dot_general3A_133 = tpu.matmul %logistic3A_118, %get3A_131, %dot_general3A_132 {dimension_numbers = #tpu.dot_dimension_numbers<[1], [0], [0], [1], [0, 0, 1, 1], [], []>, transpose_lhs_hint = false} : vector<1024x128xf32>, vector<128x128xf32>, vector<1024x128xf32> -> vector<1024x128xf32>
    %get3A_134 = arith.constant 0 : index
    %get3A_135 = vector.load %arg10[%get3A_134] : memref<128xf32, #tpu.memory_space<vmem>>, vector<128xf32>
    %broadcast_in_dim3A_136 = vector.shape_cast %get3A_135 : vector<128xf32> to vector<1x128xf32>
    %add3A_137 = vector.broadcast %broadcast_in_dim3A_136 : vector<1x128xf32> to vector<1024x128xf32>
    %add3A_138 = arith.addf %dot_general3A_133, %add3A_137 : vector<1024x128xf32>
    %sub3A = arith.constant 5.000000e+00 : f32
    %sub3A_139 = vector.broadcast %sub3A : f32 to vector<1024x128xf32>
    %sub3A_140 = arith.subf %add3A_138, %sub3A_139 : vector<1024x128xf32>
    %max3A = arith.constant 0.000000e+00 : f32
    %max3A_141 = vector.broadcast %max3A : f32 to vector<1024x128xf32>
    %max3A_142 = arith.maximumf %sub3A_140, %max3A_141 : vector<1024x128xf32>
    %abs3A = math.absf %sub3A_140 : vector<1024x128xf32>
    %neg3A = arith.constant 0.000000e+00 : f32
    %neg3A_143 = vector.broadcast %neg3A : f32 to vector<1024x128xf32>
    %neg3A_144 = arith.subf %neg3A_143, %abs3A : vector<1024x128xf32>
    %exp3A = math.exp %neg3A_144 : vector<1024x128xf32>
    %log1p3A = math.log1p %exp3A : vector<1024x128xf32>
    %add3A_145 = arith.addf %max3A_142, %log1p3A : vector<1024x128xf32>
    %swap3A = arith.constant 0 : index
    %swap3A_146 = arith.constant 0 : index
    %swap3A_147 = vector.load %arg13[%swap3A, %swap3A_146] : memref<1024x128xf32, #tpu.memory_space<vmem>>, vector<1024x128xf32>
    tpu.vector_store %arg13[%swap3A, %swap3A_146], %add3A_128 {strides = array<i32>} : memref<1024x128xf32, #tpu.memory_space<vmem>>, vector<1024x128xf32>,
    %swap3A_148 = arith.constant 0 : index
    %swap3A_149 = arith.constant 0 : index
    %swap3A_150 = vector.load %arg14[%swap3A_148, %swap3A_149] : memref<1024x128xf32, #tpu.memory_space<vmem>>, vector<1024x128xf32>
    tpu.vector_store %arg14[%swap3A_148, %swap3A_149], %add3A_145 {strides = array<i32>} : memref<1024x128xf32, #tpu.memory_space<vmem>>, vector<1024x128xf32>,
    %get3A_151 = arith.constant 0 : index
    %get3A_152 = arith.constant 0 : index
    %get3A_153 = vector.load %arg11[%get3A_151, %get3A_152] : memref<1024x128xf32, #tpu.memory_space<vmem>>, vector<1024x128xf32>
    %mul3A_154 = arith.mulf %add3A_145, %get3A_153 : vector<1024x128xf32>
    %add3A_155 = arith.addf %add3A_128, %mul3A_154 : vector<1024x128xf32>
    %swap3A_156 = arith.constant 0 : index
    %swap3A_157 = arith.constant 0 : index
    %swap3A_158 = vector.load %arg12[%swap3A_156, %swap3A_157] : memref<1024x128xf32, #tpu.memory_space<vmem>>, vector<1024x128xf32>
    tpu.vector_store %arg12[%swap3A_156, %swap3A_157], %add3A_155 {strides = array<i32>} : memref<1024x128xf32, #tpu.memory_space<vmem>>, vector<1024x128xf32>,
    return
  }
  func.func @transform_0(%arg0: i32) -> (i32, i32, i32) {
    %c0_i32 = arith.constant 0 : i32
    %c0_i32_0 = arith.constant 0 : i32
    %c0_i32_1 = arith.constant 0 : i32
    return %c0_i32, %arg0, %c0_i32_0 : i32, i32, i32
  }
  func.func @transform_1(%arg0: i32) -> (i32, i32) {
    %c0_i32 = arith.constant 0 : i32
    %c0_i32_0 = arith.constant 0 : i32
    return %arg0, %c0_i32 : i32, i32
  }
  func.func @transform_2(%arg0: i32) -> i32 {
    %c0_i32 = arith.constant 0 : i32
    return %arg0 : i32
  }
  func.func @transform_3(%arg0: i32) -> i32 {
    %c0_i32 = arith.constant 0 : i32
    %c0_i32_0 = arith.constant 0 : i32
    return %c0_i32 : i32
  }
  func.func @transform_4(%arg0: i32) -> (i32, i32, i32) {
    %c0_i32 = arith.constant 0 : i32
    %c0_i32_0 = arith.constant 0 : i32
    %c0_i32_1 = arith.constant 0 : i32
    %c0_i32_2 = arith.constant 0 : i32
    return %c0_i32, %c0_i32_0, %c0_i32_1 : i32, i32, i32
  }
  func.func @transform_5(%arg0: i32) -> (i32, i32) {
    %c0_i32 = arith.constant 0 : i32
    %c0_i32_0 = arith.constant 0 : i32
    %c0_i32_1 = arith.constant 0 : i32
    return %c0_i32, %c0_i32_0 : i32, i32
  }
  func.func @transform_6(%arg0: i32) -> (i32, i32) {
    %c0_i32 = arith.constant 0 : i32
    %c0_i32_0 = arith.constant 0 : i32
    %c0_i32_1 = arith.constant 0 : i32
    return %c0_i32, %c0_i32_0 : i32, i32
  }
  func.func @transform_7(%arg0: i32) -> i32 {
    %c0_i32 = arith.constant 0 : i32
    %c0_i32_0 = arith.constant 0 : i32
    return %c0_i32 : i32
  }
  func.func @transform_8(%arg0: i32) -> (i32, i32) {
    %c0_i32 = arith.constant 0 : i32
    %c0_i32_0 = arith.constant 0 : i32
    %c0_i32_1 = arith.constant 0 : i32
    return %c0_i32, %c0_i32_0 : i32, i32
  }
  func.func @transform_9(%arg0: i32) -> i32 {
    %c0_i32 = arith.constant 0 : i32
    %c0_i32_0 = arith.constant 0 : i32
    return %c0_i32 : i32
  }
  func.func @transform_10(%arg0: i32) -> (i32, i32) {
    %c0_i32 = arith.constant 0 : i32
    %c0_i32_0 = arith.constant 0 : i32
    return %arg0, %c0_i32 : i32, i32
  }
  func.func @transform_11(%arg0: i32) -> (i32, i32) {
    %c0_i32 = arith.constant 0 : i32
    %c0_i32_0 = arith.constant 0 : i32
    return %arg0, %c0_i32 : i32, i32
  }
  func.func @transform_12(%arg0: i32) -> (i32, i32) {
    %c0_i32 = arith.constant 0 : i32
    %c0_i32_0 = arith.constant 0 : i32
    return %arg0, %c0_i32 : i32, i32
  }
  func.func @transform_13(%arg0: i32) -> (i32, i32) {
    %c0_i32 = arith.constant 0 : i32
    %c0_i32_0 = arith.constant 0 : i32
    return %arg0, %c0_i32 : i32, i32
  }
}

</mosaic_0001>

<sc_bundles>
// kernel: kernel.6.cloned.1.call-start
scs
__scs_entry_jumppad:
0x0: {  	(pc) =	sbr.rel $0x88, $3  }
0x1: {  	(tag) =	ssettag $0x0;
	lr =	simm.s32 $0x1  }
0x2: {  	[smem:$0x3F97] =	sst lr;
	_ =	strace $0xD0000000  }
0x3: {  	_ = 	snop  }
0x4: {  	_ = 	snop  }
0x5: {  	_ = 	snop  }
0x6: {  	_ = 	snop  }
0x7: {  	_ = 	snop  }
__scs_overlays_trampoline_lowered:
0x8: {  	[smem:$0x3FA6] =	sst s0  }
0x9: {  	[smem:$0x3FA7] =	sst s1  }
0xa: {  	[smem:$0x3FA8] =	sst s2  }
0xb: {  	[smem:$0x3FA9] =	sst s3  }
0xc: {  	[smem:$0x3FAA] =	sst s4  }
0xd: {  	[smem:$0x3FAB] =	sst s5  }
0xe: {  	[smem:$0x3FAC] =	sst s6  }
0xf: {  	[smem:$0x3FAD] =	sst s7  }
0x10: {  	[smem:$0x3FAE] =	sst s8  }
0x11: {  	[smem:$0x3FAF] =	sst s9;
	s0 =	simm.s32 @!p0 $0x0  }
0x12: {  	s1 =	sld [smem:$0x3F95];
	s0 =	simm.s32 @p0 $0x1  }
0x13: {  	[smem:$0x3FB0] =	sst s0;
	s0 =	simm.s32 @!p1 $0x0  }
0x14: {  	s2 =	sld [smem:$0x3F94];
	s0 =	simm.s32 @p1 $0x1  }
0x15: {  	[smem:$0x3FB1] =	sst s0;
	s0 =	simm.s32 @!p2 $0x0  }
0x16: {  	s3 =	sld [smem:$0x3FDB];
	s0 =	simm.s32 @p2 $0x1  }
0x17: {  	s4 =	simm.s32 $0x1BF5;
	[smem:$0x3FB3] =	sst s0  }
0x18: {  	s0 =	sld [smem:$0x3F96];
	_ =	swait.ge [sflag:s4], $0x0  }
0x19: {  	s7 =	sld [smem:$0x3F97]  }
0x1a: {  	s8 =	sadd.s32 $0xFFFFE003, lr  }
0x1b: {  	s9 =	sadd.s32 $0xFFFFFEF7, lr;
	s5 =	simm.s32 $0xFFFFFFFF;
	p2 =	slt.u32 s8, $0xFFFFF086  }
0x1c: {  	p1 =	slt.u32 s9, $0xF7A;
	s5 =	simm.s32 @!p2 $0x0  }
0x1d: {  	s5 =	simm.s32 @p1 $0x1;
	p0 =	seq.s32 s7, s2  }
0x1e: {  	s7 =	smul.u32 @!p0 $0xF7A, s2;
	p2 =	seq.s32 @!p0 s5, $0x0  }
0x1f: {  	s9 =	smul.u32 $0xF7A, s1;
	s8 =	simm.s32 @!p0 $0x1BF5;
	p2 =	por !p2, p0  }
0x20: {  	[sflag:s8] =	ssyncset.s32 @!p0 $0xFFFFF086;
	s6 =	sadd.s32 @!p0 s3, s7;
	s7 =	simm.s32 @!p0 $0x108  }
0x21: {  	s3 =	sadd.s32 s3, s9;
	s6 =	sadd.s32 @!p0 $0x88, s6;
	s7 =	simm.s32 @p2 $0x1082  }
0x22: {  	[simem:s7], [sflag:s8] =	dma.local @!p0 [hbm:s6], $0xF7A  }
0x23: {  	s9 =	sor.u32 $0xD0000000, s2;
	s6 =	simm.s32 $0x108;
	_ =	swait.ge @!p0 [sflag:s8], $0x0  }
0x24: {  	s3 =	sadd.s32 $0x88, s3;
	s6 =	simm.s32 @!p1 $0x1082;
	[sflag:s4] =	ssyncset.s32 $0xFFFFF086  }
0x25: {  	[simem:s6], [sflag:s4] =	dma.local [hbm:s3], $0xF7A  }
0x26: {  	[smem:$0x3F97] =	sst s1;
	(tag) =	ssettag s2;
	_ =	strace s9  }
0x27: {  	s1 =	sld [smem:$0x3FA7]  }
0x28: {  	s2 =	sld [smem:$0x3FA8]  }
0x29: {  	s4 =	sld [smem:$0x3FAA]  }
0x2a: {  	p0 =	seq.s32 s5, $0x0;
	s5 =	sld [smem:$0x3FAB]  }
0x2b: {  	s6 =	sld [smem:$0x3FAC]  }
0x2c: {  	s7 =	sld [smem:$0x3FAD]  }
0x2d: {  	s3 =	simm.s32 $0x108;
	s8 =	sld [smem:$0x3FAE]  }
0x2e: {  	s3 =	simm.s32 @!p0 $0x1082;
	s9 =	sld [smem:$0x3FAF]  }
0x2f: {  	lr =	sadd.s32 s0, s3;
	s0 =	sld [smem:$0x3FA6]  }
0x30: {  	s3 =	sld [smem:$0x3FA9]  }
0x31: {  	[smem:$0x3FB2] =	sst s10  }
0x32: {  	s10 =	sld [smem:$0x3FB0];
	_ =	sdelay $0x3  }
0x33: {  	p0 =	seq.s32 s10, $0x1;
	s10 =	sld [smem:$0x3FB2];
	_ =	sdelay $0x3  }
0x34: {  	[smem:$0x3FB2] =	sst s10  }
0x35: {  	s10 =	sld [smem:$0x3FB1];
	_ =	sdelay $0x3  }
0x36: {  	p1 =	seq.s32 s10, $0x1;
	s10 =	sld [smem:$0x3FB2];
	_ =	sdelay $0x3  }
0x37: {  	[smem:$0x3FB2] =	sst s10  }
0x38: {  	s10 =	sld [smem:$0x3FB3]  }
0x39: {  	_ = 	snop;
	(pc) =	sbr.ind lr, $3  }
0x3a: {  	_ = 	snop  }
0x3b: {  	_ = 	snop  }
0x3c: {  	p2 =	seq.s32 s10, $0x1;
	s10 =	sld [smem:$0x3FB2]  }
0x3d: {  	_ =	shalt  }
0x3e: {  	_ =	shalt  }
0x3f: {  	_ =	shalt  }
0x40: {  	_ =	shalt  }
0x41: {  	_ =	shalt  }
0x42: {  	_ =	shalt  }
0x43: {  	_ =	shalt  }
0x44: {  	_ =	shalt  }
0x45: {  	_ =	shalt  }
0x46: {  	_ =	shalt  }
0x47: {  	_ =	shalt  }
0x48: {  	_ =	shalt  }
0x49: {  	_ =	shalt  }
0x4a: {  	_ =	shalt  }
0x4b: {  	_ =	shalt  }
0x4c: {  	_ =	shalt  }
0x4d: {  	_ =	shalt  }
0x4e: {  	_ =	shalt  }
0x4f: {  	_ =	shalt  }
0x50: {  	_ =	shalt  }
0x51: {  	_ =	shalt  }
0x52: {  	_ =	shalt  }
0x53: {  	_ =	shalt  }
0x54: {  	_ =	shalt  }
0x55: {  	_ =	shalt  }
0x56: {  	_ =	shalt  }
0x57: {  	_ =	shalt  }
0x58: {  	_ =	shalt  }
0x59: {  	_ =	shalt  }
0x5a: {  	_ =	shalt  }
0x5b: {  	_ =	shalt  }
0x5c: {  	_ =	shalt  }
0x5d: {  	_ =	shalt  }
0x5e: {  	_ =	shalt  }
0x5f: {  	_ =	shalt  }
0x60: {  	_ =	shalt  }
0x61: {  	_ =	shalt  }
0x62: {  	_ =	shalt  }
0x63: {  	_ =	shalt  }
0x64: {  	_ =	shalt  }
0x65: {  	_ =	shalt  }
0x66: {  	_ =	shalt  }
0x67: {  	_ =	shalt  }
0x68: {  	_ =	shalt  }
0x69: {  	_ =	shalt  }
0x6a: {  	_ =	shalt  }
0x6b: {  	_ =	shalt  }
0x6c: {  	_ =	shalt  }
0x6d: {  	_ =	shalt  }
0x6e: {  	_ =	shalt  }
0x6f: {  	_ =	shalt  }
0x70: {  	_ =	shalt  }
0x71: {  	_ =	shalt  }
0x72: {  	_ =	shalt  }
0x73: {  	_ =	shalt  }
0x74: {  	_ =	shalt  }
0x75: {  	_ =	shalt  }
0x76: {  	_ =	shalt  }
0x77: {  	_ =	shalt  }
0x78: {  	_ =	shalt  }
0x79: {  	_ =	shalt  }
0x7a: {  	_ =	shalt  }
0x7b: {  	_ =	shalt  }
0x7c: {  	_ =	shalt  }
0x7d: {  	_ =	shalt  }
0x7e: {  	_ =	shalt  }
0x7f: {  	_ =	shalt  }
0x80: {  	_ =	shalt  }
0x81: {  	_ =	shalt  }
0x82: {  	_ =	shalt  }
0x83: {  	_ =	shalt  }
0x84: {  	_ =	shalt  }
0x85: {  	_ =	shalt  }
0x86: {  	_ =	shalt  }
0x87: {  	_ =	shalt  }
.Lfunc_end0:
.L_simem_size_0:
called_computation_lowered:
.L_overlay_start_0:
0x88: {  	s2 =	sld [smem:$0x3FD9]  }
0x89: {  	s3 =	sld [smem:$0x3FFE];
	_ =	sdelay $0x1  }
0x8a: {  	s1 =	srdreg.scid  }
0x8b: {  	s0 =	sand.u32 $0x1, s1  }
0x8c: {  	s15 =	sshll.u32 s0, $0xA;
	s2 =	sadd.s32 s3, s2  }
0x8d: {  	s2 =	sadd.s32 s2, s15  }
0x8e: {  	[smem:$0x3FBE] =	sst s2  }
0x8f: {  	_ = 	snop  }
0x90: {  	s2 =	sld [smem:$0x3FD0];
	_ =	sdelay $0x2  }
0x91: {  	s16 =	simm.s32 $0xA;
	s4 =	simm.s32 $0x10  }
0x92: {  	[smem:s4], [sflag:s16] =	dma.local [hbm:s2], $0x1  }
0x93: {  	_ =	swait.eq [sflag:s16], $0x1  }
0x94: {  	s17 =	sld [smem:$0x10];
	[sflag:s16] =	ssyncset.done $0x0  }
0x95: {  	s18 =	sld [smem:$0x11];
	[sflag:s16] =	ssyncadd.s32 $0xFFFFFFFF  }
0x96: {  	s19 =	sld [smem:$0x12];
	(tm) =	ssettm $0x1  }
0x97: {  	s5 =	sld [smem:$0x3FFB];
	_ =	sdelay $0x3  }
0x98: {  	_ =	strace s5  }
0x99: {  	s5 =	sld [smem:$0x3FFC];
	_ =	sdelay $0x3  }
0x9a: {  	_ =	strace s5  }
0x9b: {  	s5 =	sld [smem:$0x3FFD];
	_ =	sdelay $0x3  }
0x9c: {  	_ =	strace s5  }
0x9d: {  	_ =	strace $0x8FFFFFFF  }
0x9e: {  	s20 =	sld [smem:$0x3FDB];
	_ =	sdelay $0x1  }
0x9f: {  	s6 =	simm.s32 $_scs_section_size  }
0xa0: {  	s7 =	simm.s32 $_size__tile_overlayer_lowered;
	s8 =	simm.s32 $_tile_overlayer_lowered  }
0xa1: {  	s23 =	simm.s32 $0x1BFF;
	s22 =	sshll.u32 s8, $0x1;
	s5 =	sadd.s32 s6, s20  }
0xa2: {  	s9 =	simm.s32 $0x0;
	s21 =	sshll.u32 s7, $0x1;
	s7 =	sadd.s32 s22, s5  }
0xa3: {  	[timem:s9], [sflag:s23] =	dma.local [hbm:s7], s21  }
0xa4: {  	_ =	swait.ge [sflag:s23], s21  }
0xa5: {  	s6 =	ssub.s32 $0x0, s21;
	[sflag:s23] =	ssyncset.done $0x0  }
0xa6: {  	[sflag:s23] =	ssyncadd.s32 s6;
	_ =	sdelay $0x1  }
0xa7: {  	s24 =	simm.s32 $0x1B8B  }
0xa8: {  	_ =	swait.ge [sflag:s24], $0x1  }
0xa9: {  	[sflag:s24] =	ssyncset.done $0x0  }
0xaa: {  	s25 =	simm.s32 $0x1B8E;
	[sflag:s24] =	ssyncadd.s32 $0xFFFFFFFF  }
0xab: {  	s26 =	simm.s32 $execute0_lowered;
	[smem:$0x3FD2] =	sst s25  }
0xac: {  	s6 =	sshll.u32 s26, $0x1;
	_ =	strace $0x80000046;
	[dreg:$0x1] =	wrdreg $0xFFFFFFFF  }
0xad: {  	s28 =	simm.s32 $_size_execute0_lowered;
	s5 =	sadd.s32 s5, s6;
	[dreg:$0x0] =	wrdreg $0x0  }
0xae: {  	s6 =	sshll.u32 s28, $0x1;
	[dreg:$0x2] =	wrdreg s5  }
0xaf: {  	[dreg:$0x3] =	wrdreg s6  }
0xb0: {  	[dreg:$0x4] =	wrdreg $0xC0  }
0xb1: {  	_ =	task [dreg:s9], $0x5FFFF  }
0xb2: {  	[dreg:$0x1] =	wrdreg $0xFFFFFFFF  }
0xb3: {  	[dreg:$0x0] =	wrdreg $0x60  }
0xb4: {  	[dreg:$0x2] =	wrdreg s17  }
0xb5: {  	[dreg:$0x3] =	wrdreg s18  }
0xb6: {  	[dreg:$0x4] =	wrdreg s19  }
0xb7: {  	[dreg:$0x5] =	wrdreg $0x27600  }
0xb8: {  	[dreg:$0x6] =	wrdreg $0x9  }
0xb9: {  	_ =	task.clear_ibuf [dreg:s9], $0x7FFFF;
	_ =	strace $0x90000046  }
0xba: {  	s29 =	simm.s32 $0x9;
	_ =	strace $0x80000048  }
0xbb: {  	_ =	swait.ge [sflag:s29], $0x1  }
0xbc: {  	[sflag:s29] =	ssyncadd.s32 $0xFFFFFFFF  }
0xbd: {  	_ =	strace $0x90000048  }
0xbe: {  	_ =	sfence  }
0xbf: {  	s30 =	sld [smem:$0x0];
	_ =	sdelay $0x2  }
0xc0: {  	s31 =	sshll.u32 s1, $0xD;
	s1 =	sshrl.u32 s1, $0x2  }
0xc1: {  	s3 =	sand.u32 $0x4000, s31;
	s1 =	sadd.s32 s1, s30  }
0xc2: {  	s0 =	sor.u32 s3, s0;
	s1 =	sshll.u32 s1, $0x11  }
0xc3: {  	s0 =	sor.u32 s1, s0  }
0xc4: {  	s0 =	sadd.s32 $0x8F2B, s0  }
0xc5: {  	[sflag:s0] =	ssyncadd.remote.s32 $0x1  }
0xc6: {  	_ =	sfence.sel $0xFFFF  }
0xc7: {  	[dreg:$0x0] =	wrdreg $0xFFFFFFFF;
	(pc) =	sbr.abs _section_cstart, $3  }
0xc8: {  	[dreg:$0x1] =	wrdreg $0xFFFFFFFF  }
0xc9: {  	_ =	task.clear_ibuf [dreg:s9], $0x2FFFF;
	_ =	strace $0x9FFFFFFF  }
0xca: {  	(tm) =	ssettm $0x7FFFFFFF  }
0xcb: {  	_ =	shalt  }
tec
execute0_lowered:
.L_overlay_start_1:
0x0: {  	(tag) =	ssettag $0x1  }
0x1: {  	s5 =	rddreg [dreg:$0x0]  }
0x2: {  	s4 =	rddreg [dreg:$0x1]  }
0x3: {  	s6 =	rddreg [dreg:$0x2]  }
0x4: {  	s2 =	rddreg [dreg:$0x3]  }
0x5: {  	s0 =	rddreg [dreg:$0x4]  }
0x6: {  	s3 =	simm.s32 $0x0;
	s7 =	srdreg.scid;
	s1 =	stileid.u32  }
0x7: {  	s13 =	simm.s32 $0x1;
	s14 =	simm.s32 $0x0;
	[smem:$0x7FF] =	sst s3  }
0x8: {  	s7 =	sand.u32 $0x1, s7;
	s8 =	sshll.u32 s1, $0x1;
	s10 =	smul.u32 $0x3E8, s1  }
0x9: {  	p0 =	sgt.u32 s1, $0x9;
	s9 =	ssub.s32 $0x2, s7;
	s8 =	sor.u32 s7, s8  }
0xa: {  	_ =	strace $0x80000047;
	s7 =	smul.u32 $0x2710, s7;
	s11 =	sshrl.u32 s9, $0x1  }
0xb: {  	s8 =	smul.u32 $0x2710, s8;
	s31 =	sshrl.u32 s10, $0x3;
	s12 =	sadd.s32 s10, s2  }
0xc: {  	s9 =	ssub.s32 s9, s11;
	s4 =	sadd.s32 s4, s31;
	s7 =	sadd.s32 s10, s7  }
0xd: {  	s10 =	simm.s32 $0x2;
	s11 =	simm.s32 $0x50;
	s8 =	sshrl.u32 s8, $0x3  }
0xe: {  	s7 =	sshrl.u32 s7, $0x3;
	s5 =	sadd.s32 s5, s8;
	s8 =	sshll.u32 @!p0 s1, $0x6  }
0xf: {  	s6 =	sadd.s32 s6, s7;
	s7 =	smax.u32 s9, $0x1;
	s9 =	sshrl.u32 @!p0 s12, $0x3  }
0x10: {  	v0 =	vimm.f32 $1.000000000e+00;
	s12 =	simm.s32 $0x2710;
	s5 =	sadd.s32 $0x9C40, s5;
	s8 =	sor.u32 @!p0 $0x1C02, s8  }
.LBB2_1:
0x11: {  	[tilespmem:$0x2710] =	vst v0  }
0x12: {  	[tilespmem:$0x2720] =	vst v0  }
0x13: {  	[tilespmem:$0x2730] =	vst v0  }
0x14: {  	[tilespmem:$0x2740] =	vst v0  }
0x15: {  	[tilespmem:$0x2750] =	vst v0;
	s15 =	simm.s32 @!p0 $0x2  }
0x16: {  	[spmem:s9], [sflag:s8] =	dma.local @!p0 [hbm:s4], $0x7D  }
0x17: {  	_ =	swait.ge @!p0 [sflag:s15], $0x7D  }
0x18: {  	[sflag:s15] =	ssyncset.done @!p0 $0x0  }
0x19: {  	[sflag:s15] =	ssyncadd.s32 @!p0 $0xFFFFFF83  }
0x1a: {  	[tilespmem:s3], [sflag:$0x2] =	stream.linear.gather [hbm4b:s5+s3], $0x2710, $0x38;
	[tilespmem:$0x29D8] =	vst v63  }
0x1b: {  	_ =	swait.ge [sflag:s10], $0x2710  }
0x1c: {  	[sflag:s10] =	ssyncset.done $0x0  }
0x1d: {  	[sflag:s10] =	ssyncadd.s32 $0xFFFFD8F0  }
0x1e: {  	s16 =	simm.s32 $0x0;
	s15 =	simm.s32 $0x140;
	[bflag:$0x0] =	sbarrier.arrive $0xFFFF  }
.LBB2_2:
0x1f: {  	[spmem:s2] =	stream.indirect.scatter.add.f32 [tilespmem:s12], [sflag:$0x1], $0x1, s16, s11, $0xb8;
	[tilespmem:$0x29D8] =	vst v63  }
0x20: {  	s16 =	smov.u32 s15;
	p1 =	sne.s32 s15, $0x9B00  }
.Ltmp0:
0x21: {  	s15 =	sadd.s32 $0x140, s15;
	(pc) =	sbr.rel @p1 .LBB2_2-.Ltmp0, $2  }
0x22: {  	_ =	sdelay $0x2  }
0x23: {  	s16 =	sshra.s32 s16, $0x2  }
0x24: {  	[spmem:s2] =	stream.indirect.scatter.add.f32 [tilespmem:s12], [sflag:$0x1], $0x1, s16, s11, $0xb8;
	[tilespmem:$0x29D8] =	vst v63  }
0x25: {  	_ =	swait.ge [sflag:s13], $0x2710  }
0x26: {  	s14 =	sadd.s32 $0x1, s14;
	[sflag:s13] =	ssyncset.done $0x0  }
0x27: {  	p1 =	sne.s32 s14, s7;
	[sflag:s13] =	ssyncadd.s32 $0xFFFFD8F0  }
.Ltmp1:
0x28: {  	s15 =	simm.s32 @!p0 $0x2;
	[bflag:$0x0] =	sbarrier.arrive $0xFFFF;
	(pc) =	sbr.rel @p1 .LBB2_1-.Ltmp1, $4  }
0x29: {  	[hbm:s6], [sflag:s8] =	dma.local @!p0 [spmem:s9], $0x7D  }
0x2a: {  	_ =	swait.ge @!p0 [sflag:s15], $0x7D  }
0x2b: {  	[sflag:s15] =	ssyncset.done @!p0 $0x0  }
0x2c: {  	[sflag:s15] =	ssyncadd.s32 @!p0 $0xFFFFFF83  }
0x2d: {  	_ =	sfence.sel $0x180000  }
0x2e: {  	[bflag:$0x0] =	sbarrier.arrive $0xFFFF  }
0x2f: {  	p0 =	sne.s32 s1, $0x0;
	_ =	strace $0x90000047  }
0x30: {  	s0 =	sadd.s32 @!p0 $0x100000, s0;
	[bflag:$0x2] =	sbarrier.arrive $0xFFFF  }
0x31: {  	[sflag:s0] =	ssyncadd.tile.s32 @!p0 $0x1;
	_ =	shalt  }
.Lfunc_end2:
_tile_overlayer_lowered:
.L_overlay_start_2:
0x32: {  	(tag) =	ssettag $0x2  }
0x33: {  	s0 =	rddreg [dreg:$0x0];
	s2 =	stileid.u32  }
0x34: {  	s1 =	rddreg [dreg:$0x1];
	p0 =	sne.s32 s2, $0x0  }
0x35: {  	s3 =	rddreg [dreg:$0x2];
	[bflag:$0x3] =	sbarrier.arrive $0xFFFF;
	s2 =	simm.s32 @!p0 $0x1C02  }
0x36: {  	[timem:s3], [sflag:s2] =	dma.local @!p0 [hbm:s0], s1  }
0x37: {  	s0 =	simm.s32 @!p0 $0x2  }
0x38: {  	_ =	swait.ge @!p0 [sflag:s0], s1  }
0x39: {  	s1 =	ssub.s32 @!p0 $0x0, s1;
	[sflag:s0] =	ssyncset.done @!p0 $0x0  }
0x3a: {  	[sflag:s0] =	ssyncadd.s32 @!p0 s1  }
0x3b: {  	[bflag:$0x3] =	sbarrier.arrive $0xFFFF  }
0x3c: {  	_ =	shalt  }

// kernel: kernel.9.cloned.1.call-start
scs
__scs_entry_jumppad:
0x0: {  	(pc) =	sbr.rel $0x88, $3  }
0x1: {  	(tag) =	ssettag $0x0;
	lr =	simm.s32 $0x1  }
0x2: {  	[smem:$0x3F97] =	sst lr;
	_ =	strace $0xD0000000  }
0x3: {  	_ = 	snop  }
0x4: {  	_ = 	snop  }
0x5: {  	_ = 	snop  }
0x6: {  	_ = 	snop  }
0x7: {  	_ = 	snop  }
__scs_overlays_trampoline_lowered:
0x8: {  	[smem:$0x3FA6] =	sst s0  }
0x9: {  	[smem:$0x3FA7] =	sst s1  }
0xa: {  	[smem:$0x3FA8] =	sst s2  }
0xb: {  	[smem:$0x3FA9] =	sst s3  }
0xc: {  	[smem:$0x3FAA] =	sst s4  }
0xd: {  	[smem:$0x3FAB] =	sst s5  }
0xe: {  	[smem:$0x3FAC] =	sst s6  }
0xf: {  	[smem:$0x3FAD] =	sst s7  }
0x10: {  	[smem:$0x3FAE] =	sst s8  }
0x11: {  	[smem:$0x3FAF] =	sst s9;
	s0 =	simm.s32 @!p0 $0x0  }
0x12: {  	s1 =	sld [smem:$0x3F95];
	s0 =	simm.s32 @p0 $0x1  }
0x13: {  	[smem:$0x3FB0] =	sst s0;
	s0 =	simm.s32 @!p1 $0x0  }
0x14: {  	s2 =	sld [smem:$0x3F94];
	s0 =	simm.s32 @p1 $0x1  }
0x15: {  	[smem:$0x3FB1] =	sst s0;
	s0 =	simm.s32 @!p2 $0x0  }
0x16: {  	s3 =	sld [smem:$0x3FDB];
	s0 =	simm.s32 @p2 $0x1  }
0x17: {  	s4 =	simm.s32 $0x1BF5;
	[smem:$0x3FB3] =	sst s0  }
0x18: {  	s0 =	sld [smem:$0x3F96];
	_ =	swait.ge [sflag:s4], $0x0  }
0x19: {  	s7 =	sld [smem:$0x3F97]  }
0x1a: {  	s8 =	sadd.s32 $0xFFFFE003, lr  }
0x1b: {  	s9 =	sadd.s32 $0xFFFFFEF7, lr;
	s5 =	simm.s32 $0xFFFFFFFF;
	p2 =	slt.u32 s8, $0xFFFFF086  }
0x1c: {  	p1 =	slt.u32 s9, $0xF7A;
	s5 =	simm.s32 @!p2 $0x0  }
0x1d: {  	s5 =	simm.s32 @p1 $0x1;
	p0 =	seq.s32 s7, s2  }
0x1e: {  	s7 =	smul.u32 @!p0 $0xF7A, s2;
	p2 =	seq.s32 @!p0 s5, $0x0  }
0x1f: {  	s9 =	smul.u32 $0xF7A, s1;
	s8 =	simm.s32 @!p0 $0x1BF5;
	p2 =	por !p2, p0  }
0x20: {  	[sflag:s8] =	ssyncset.s32 @!p0 $0xFFFFF086;
	s6 =	sadd.s32 @!p0 s3, s7;
	s7 =	simm.s32 @!p0 $0x108  }
0x21: {  	s3 =	sadd.s32 s3, s9;
	s6 =	sadd.s32 @!p0 $0x88, s6;
	s7 =	simm.s32 @p2 $0x1082  }
0x22: {  	[simem:s7], [sflag:s8] =	dma.local @!p0 [hbm:s6], $0xF7A  }
0x23: {  	s9 =	sor.u32 $0xD0000000, s2;
	s6 =	simm.s32 $0x108;
	_ =	swait.ge @!p0 [sflag:s8], $0x0  }
0x24: {  	s3 =	sadd.s32 $0x88, s3;
	s6 =	simm.s32 @!p1 $0x1082;
	[sflag:s4] =	ssyncset.s32 $0xFFFFF086  }
0x25: {  	[simem:s6], [sflag:s4] =	dma.local [hbm:s3], $0xF7A  }
0x26: {  	[smem:$0x3F97] =	sst s1;
	(tag) =	ssettag s2;
	_ =	strace s9  }
0x27: {  	s1 =	sld [smem:$0x3FA7]  }
0x28: {  	s2 =	sld [smem:$0x3FA8]  }
0x29: {  	s4 =	sld [smem:$0x3FAA]  }
0x2a: {  	p0 =	seq.s32 s5, $0x0;
	s5 =	sld [smem:$0x3FAB]  }
0x2b: {  	s6 =	sld [smem:$0x3FAC]  }
0x2c: {  	s7 =	sld [smem:$0x3FAD]  }
0x2d: {  	s3 =	simm.s32 $0x108;
	s8 =	sld [smem:$0x3FAE]  }
0x2e: {  	s3 =	simm.s32 @!p0 $0x1082;
	s9 =	sld [smem:$0x3FAF]  }
0x2f: {  	lr =	sadd.s32 s0, s3;
	s0 =	sld [smem:$0x3FA6]  }
0x30: {  	s3 =	sld [smem:$0x3FA9]  }
0x31: {  	[smem:$0x3FB2] =	sst s10  }
0x32: {  	s10 =	sld [smem:$0x3FB0];
	_ =	sdelay $0x3  }
0x33: {  	p0 =	seq.s32 s10, $0x1;
	s10 =	sld [smem:$0x3FB2];
	_ =	sdelay $0x3  }
0x34: {  	[smem:$0x3FB2] =	sst s10  }
0x35: {  	s10 =	sld [smem:$0x3FB1];
	_ =	sdelay $0x3  }
0x36: {  	p1 =	seq.s32 s10, $0x1;
	s10 =	sld [smem:$0x3FB2];
	_ =	sdelay $0x3  }
0x37: {  	[smem:$0x3FB2] =	sst s10  }
0x38: {  	s10 =	sld [smem:$0x3FB3]  }
0x39: {  	_ = 	snop;
	(pc) =	sbr.ind lr, $3  }
0x3a: {  	_ = 	snop  }
0x3b: {  	_ = 	snop  }
0x3c: {  	p2 =	seq.s32 s10, $0x1;
	s10 =	sld [smem:$0x3FB2]  }
0x3d: {  	_ =	shalt  }
0x3e: {  	_ =	shalt  }
0x3f: {  	_ =	shalt  }
0x40: {  	_ =	shalt  }
0x41: {  	_ =	shalt  }
0x42: {  	_ =	shalt  }
0x43: {  	_ =	shalt  }
0x44: {  	_ =	shalt  }
0x45: {  	_ =	shalt  }
0x46: {  	_ =	shalt  }
0x47: {  	_ =	shalt  }
0x48: {  	_ =	shalt  }
0x49: {  	_ =	shalt  }
0x4a: {  	_ =	shalt  }
0x4b: {  	_ =	shalt  }
0x4c: {  	_ =	shalt  }
0x4d: {  	_ =	shalt  }
0x4e: {  	_ =	shalt  }
0x4f: {  	_ =	shalt  }
0x50: {  	_ =	shalt  }
0x51: {  	_ =	shalt  }
0x52: {  	_ =	shalt  }
0x53: {  	_ =	shalt  }
0x54: {  	_ =	shalt  }
0x55: {  	_ =	shalt  }
0x56: {  	_ =	shalt  }
0x57: {  	_ =	shalt  }
0x58: {  	_ =	shalt  }
0x59: {  	_ =	shalt  }
0x5a: {  	_ =	shalt  }
0x5b: {  	_ =	shalt  }
0x5c: {  	_ =	shalt  }
0x5d: {  	_ =	shalt  }
0x5e: {  	_ =	shalt  }
0x5f: {  	_ =	shalt  }
0x60: {  	_ =	shalt  }
0x61: {  	_ =	shalt  }
0x62: {  	_ =	shalt  }
0x63: {  	_ =	shalt  }
0x64: {  	_ =	shalt  }
0x65: {  	_ =	shalt  }
0x66: {  	_ =	shalt  }
0x67: {  	_ =	shalt  }
0x68: {  	_ =	shalt  }
0x69: {  	_ =	shalt  }
0x6a: {  	_ =	shalt  }
0x6b: {  	_ =	shalt  }
0x6c: {  	_ =	shalt  }
0x6d: {  	_ =	shalt  }
0x6e: {  	_ =	shalt  }
0x6f: {  	_ =	shalt  }
0x70: {  	_ =	shalt  }
0x71: {  	_ =	shalt  }
0x72: {  	_ =	shalt  }
0x73: {  	_ =	shalt  }
0x74: {  	_ =	shalt  }
0x75: {  	_ =	shalt  }
0x76: {  	_ =	shalt  }
0x77: {  	_ =	shalt  }
0x78: {  	_ =	shalt  }
0x79: {  	_ =	shalt  }
0x7a: {  	_ =	shalt  }
0x7b: {  	_ =	shalt  }
0x7c: {  	_ =	shalt  }
0x7d: {  	_ =	shalt  }
0x7e: {  	_ =	shalt  }
0x7f: {  	_ =	shalt  }
0x80: {  	_ =	shalt  }
0x81: {  	_ =	shalt  }
0x82: {  	_ =	shalt  }
0x83: {  	_ =	shalt  }
0x84: {  	_ =	shalt  }
0x85: {  	_ =	shalt  }
0x86: {  	_ =	shalt  }
0x87: {  	_ =	shalt  }
.Lfunc_end0:
.L_simem_size_0:
called_computation.1_lowered:
.L_overlay_start_0:
0x88: {  	s2 =	sld [smem:$0x3FD9]  }
0x89: {  	s3 =	sld [smem:$0x3FFE];
	_ =	sdelay $0x1  }
0x8a: {  	s1 =	srdreg.scid  }
0x8b: {  	s0 =	sand.u32 $0x1, s1  }
0x8c: {  	s14 =	sshll.u32 s0, $0xA;
	s2 =	sadd.s32 s3, s2  }
0x8d: {  	s2 =	sadd.s32 s2, s14  }
0x8e: {  	[smem:$0x3FBE] =	sst s2  }
0x8f: {  	_ = 	snop  }
0x90: {  	s2 =	sld [smem:$0x3FD0];
	_ =	sdelay $0x2  }
0x91: {  	s15 =	simm.s32 $0xA;
	s4 =	simm.s32 $0x10  }
0x92: {  	[smem:s4], [sflag:s15] =	dma.local [hbm:s2], $0x1  }
0x93: {  	_ =	swait.eq [sflag:s15], $0x1  }
0x94: {  	s16 =	sld [smem:$0x10];
	[sflag:s15] =	ssyncset.done $0x0  }
0x95: {  	s17 =	sld [smem:$0x11];
	[sflag:s15] =	ssyncadd.s32 $0xFFFFFFFF  }
0x96: {  	s18 =	sld [smem:$0x12];
	(tm) =	ssettm $0x1  }
0x97: {  	s5 =	sld [smem:$0x3FFB];
	_ =	sdelay $0x3  }
0x98: {  	_ =	strace s5  }
0x99: {  	s5 =	sld [smem:$0x3FFC];
	_ =	sdelay $0x3  }
0x9a: {  	_ =	strace s5  }
0x9b: {  	s5 =	sld [smem:$0x3FFD];
	_ =	sdelay $0x3  }
0x9c: {  	_ =	strace s5  }
0x9d: {  	_ =	strace $0x8FFFFFFF  }
0x9e: {  	s19 =	sld [smem:$0x3FDB];
	_ =	sdelay $0x1  }
0x9f: {  	s6 =	simm.s32 $_scs_section_size  }
0xa0: {  	s7 =	simm.s32 $_size__tile_overlayer_lowered;
	s8 =	simm.s32 $_tile_overlayer_lowered  }
0xa1: {  	s22 =	simm.s32 $0x1BFF;
	s21 =	sshll.u32 s8, $0x1;
	s5 =	sadd.s32 s6, s19  }
0xa2: {  	s9 =	simm.s32 $0x0;
	s20 =	sshll.u32 s7, $0x1;
	s7 =	sadd.s32 s21, s5  }
0xa3: {  	[timem:s9], [sflag:s22] =	dma.local [hbm:s7], s20  }
0xa4: {  	_ =	swait.ge [sflag:s22], s20  }
0xa5: {  	s6 =	ssub.s32 $0x0, s20;
	[sflag:s22] =	ssyncset.done $0x0  }
0xa6: {  	[sflag:s22] =	ssyncadd.s32 s6;
	_ =	sdelay $0x1  }
0xa7: {  	s23 =	simm.s32 $0x1B8B  }
0xa8: {  	_ =	swait.ge [sflag:s23], $0x1  }
0xa9: {  	[sflag:s23] =	ssyncset.done $0x0  }
0xaa: {  	s25 =	simm.s32 $0x1B8E;
	s24 =	sld [smem:$0x3FFE];
	[sflag:s23] =	ssyncadd.s32 $0xFFFFFFFF  }
0xab: {  	s26 =	simm.s32 $execute0_lowered;
	[smem:$0x3FD2] =	sst s25  }
0xac: {  	s7 =	sshll.u32 s26, $0x1;
	_ =	strace $0x80000049;
	[dreg:$0x1] =	wrdreg $0xFFFFFFFF  }
0xad: {  	s28 =	simm.s32 $_size_execute0_lowered;
	s5 =	sadd.s32 s5, s7;
	[dreg:$0x0] =	wrdreg $0x0  }
0xae: {  	s7 =	sshll.u32 s28, $0x1;
	[dreg:$0x2] =	wrdreg s5  }
0xaf: {  	[dreg:$0x3] =	wrdreg s7  }
0xb0: {  	[dreg:$0x4] =	wrdreg $0xC0  }
0xb1: {  	_ =	task [dreg:s9], $0x5FFFF  }
0xb2: {  	[dreg:$0x1] =	wrdreg $0xFFFFFFFF  }
0xb3: {  	[dreg:$0x0] =	wrdreg $0x60  }
0xb4: {  	[dreg:$0x2] =	wrdreg s16  }
0xb5: {  	[dreg:$0x3] =	wrdreg s18  }
0xb6: {  	[dreg:$0x4] =	wrdreg s17  }
0xb7: {  	[dreg:$0x5] =	wrdreg s24  }
0xb8: {  	[dreg:$0x6] =	wrdreg $0xC6000  }
0xb9: {  	[dreg:$0x7] =	wrdreg $0x9  }
0xba: {  	_ =	task.clear_ibuf [dreg:s9], $0x8FFFF;
	_ =	strace $0x90000049  }
0xbb: {  	s29 =	simm.s32 $0x9;
	_ =	strace $0x8000004B  }
0xbc: {  	_ =	swait.ge [sflag:s29], $0x1  }
0xbd: {  	[sflag:s29] =	ssyncadd.s32 $0xFFFFFFFF  }
0xbe: {  	_ =	strace $0x9000004B  }
0xbf: {  	_ =	sfence  }
0xc0: {  	s30 =	sld [smem:$0x0];
	_ =	sdelay $0x2  }
0xc1: {  	s31 =	sshll.u32 s1, $0xD;
	s1 =	sshrl.u32 s1, $0x2  }
0xc2: {  	s3 =	sand.u32 $0x4000, s31;
	s1 =	sadd.s32 s1, s30  }
0xc3: {  	s0 =	sor.u32 s3, s0;
	s1 =	sshll.u32 s1, $0x11  }
0xc4: {  	s0 =	sor.u32 s1, s0  }
0xc5: {  	s0 =	sadd.s32 $0x8F2B, s0  }
0xc6: {  	[sflag:s0] =	ssyncadd.remote.s32 $0x1  }
0xc7: {  	_ =	sfence.sel $0xFFFF  }
0xc8: {  	[dreg:$0x0] =	wrdreg $0xFFFFFFFF;
	(pc) =	sbr.abs _section_cstart, $3  }
0xc9: {  	[dreg:$0x1] =	wrdreg $0xFFFFFFFF  }
0xca: {  	_ =	task.clear_ibuf [dreg:s9], $0x2FFFF;
	_ =	strace $0x9FFFFFFF  }
0xcb: {  	(tm) =	ssettm $0x7FFFFFFF  }
tec
execute0_lowered:
.L_overlay_start_1:
0x0: {  	(tag) =	ssettag $0x1  }
0x1: {  	s10 =	rddreg [dreg:$0x0]  }
0x2: {  	s2 =	rddreg [dreg:$0x1]  }
0x3: {  	s1 =	rddreg [dreg:$0x2]  }
0x4: {  	s0 =	rddreg [dreg:$0x3]  }
0x5: {  	s3 =	srdreg.scid;
	s11 =	stileid.u32  }
0x6: {  	s4 =	rddreg [dreg:$0x4];
	s5 =	simm.s32 $0x0;
	s28 =	simm.s32 $0x6600  }
0x7: {  	s29 =	simm.s32 $0x1;
	s3 =	sand.u32 $0x1, s3;
	s6 =	smul.u32 $0x13880, s11  }
0x8: {  	[smem:$0x7FF] =	sst s5;
	s8 =	sshll.u32 s11, $0x1;
	s26 =	smul.u32 $0x4E20, s11  }
0x9: {  	s30 =	sshll.u32 s11, $0x6;
	s7 =	smul.u32 $0x138800, s3;
	_ =	strace $0x8000004A  }
0xa: {  	s9 =	ssub.s32 $0x2, s3;
	s8 =	sor.u32 s3, s8;
	s3 =	smul.u32 $0x2710, s3  }
0xb: {  	s16 =	sor.u32 $0x1C0A, s30;
	s24 =	sshrl.u32 s9, $0x1;
	s8 =	smul.u32 $0x2710, s8  }
0xc: {  	s25 =	sadd.s32 s6, s4;
	[dreg:$0x18] =	wrdreg s16;
	s7 =	sadd.s32 s6, s7  }
0xd: {  	[dreg:$0x15] =	wrdreg s25;
	s6 =	sshrl.u32 s6, $0x3;
	s7 =	sshrl.u32 s7, $0x3  }
0xe: {  	s8 =	sshrl.u32 s8, $0x3;
	s1 =	sadd.s32 s1, s6;
	s7 =	sadd.s32 s7, s0  }
0xf: {  	s0 =	ssub.s32 s9, s24;
	[dreg:$0x16] =	wrdreg s1;
	s31 =	sadd.s32 s10, s8  }
0x10: {  	s1 =	sadd.s32 s3, s26;
	s8 =	sadd.s32 $0x9C40, s31;
	s11 =	sadd.s32 $0x4E0, s31  }
0x11: {  	[dreg:$0x17] =	wrdreg s31;
	s12 =	sadd.s32 $0xA120, s31;
	s13 =	sadd.s32 $0x4E500, s1  }
0x12: {  	s14 =	sadd.s32 $0x3000, s7;
	s15 =	sadd.s32 $0x2A0, s1;
	s17 =	sadd.s32 $0x4E4A0, s1  }
0x13: {  	s21 =	sadd.s32 $0x240, s1;
	s23 =	sadd.s32 $0x4E440, s1;
	[dreg:$0x19] =	wrdreg s8  }
0x14: {  	s24 =	sadd.s32 $0x1E0, s1;
	s31 =	sadd.s32 $0x4E3E0, s1;
	[dreg:$0x1a] =	wrdreg s11  }
0x15: {  	s9 =	sadd.s32 $0x4E380, s1;
	s0 =	smax.u32 s0, $0x1;
	[dreg:$0x1b] =	wrdreg s12  }
0x16: {  	[dreg:$0x1c] =	wrdreg s14;
	s3 =	sshrl.u32 s13, $0x3;
	s6 =	sshrl.u32 s15, $0x3  }
0x17: {  	s19 =	sshrl.u32 s17, $0x3;
	s22 =	sshrl.u32 s21, $0x3;
	s26 =	sshrl.u32 s24, $0x3  }
0x18: {  	s7 =	sshrl.u32 s31, $0x3;
	s8 =	sadd.s32 $0x180, s1;
	s12 =	sshrl.u32 s9, $0x3  }
0x19: {  	s14 =	sadd.s32 $0x120, s1;
	s17 =	sadd.s32 $0x4E320, s1;
	s24 =	sadd.s32 $0x60, s1  }
0x1a: {  	[dreg:$0x1d] =	wrdreg s0;
	s9 =	simm.s32 $0x7;
	s3 =	sadd.s32 s3, s10  }
0x1b: {  	s0 =	simm.s32 $0x8;
	s18 =	sadd.s32 s6, s10;
	[dreg:$0x6] =	wrdreg s3  }
0x1c: {  	s20 =	sadd.s32 s19, s10;
	s6 =	sshrl.u32 s23, $0x3;
	[dreg:$0x7] =	wrdreg s18  }
0x1d: {  	s30 =	sadd.s32 s26, s10;
	s13 =	sadd.s32 s12, s10;
	[dreg:$0x8] =	wrdreg s20  }
0x1e: {  	s15 =	sshrl.u32 s14, $0x3;
	s12 =	simm.s32 $0x6;
	[dreg:$0xb] =	wrdreg s30  }
0x1f: {  	s3 =	sadd.s32 s22, s10;
	s25 =	sadd.s32 s6, s10;
	[dreg:$0xe] =	wrdreg s13  }
0x20: {  	s6 =	sshrl.u32 s8, $0x3;
	s18 =	sadd.s32 $0xC0, s1;
	[dreg:$0x9] =	wrdreg s3  }
0x21: {  	s22 =	sadd.s32 $0x4E2C0, s1;
	s8 =	simm.s32 $0x4;
	[dreg:$0xa] =	wrdreg s25  }
0x22: {  	s3 =	sadd.s32 s7, s10;
	s11 =	sadd.s32 s6, s10;
	s6 =	sshrl.u32 s17, $0x3  }
0x23: {  	s20 =	sshrl.u32 s18, $0x3;
	s23 =	sshrl.u32 s22, $0x3;
	s25 =	sadd.s32 $0x4E260, s1  }
0x24: {  	s1 =	sadd.s32 $0x300, s1;
	s17 =	simm.s32 $0xA;
	[dreg:$0xc] =	wrdreg s3  }
0x25: {  	s18 =	simm.s32 $0x60;
	s7 =	simm.s32 $0x0;
	[dreg:$0xd] =	wrdreg s11  }
0x26: {  	s3 =	sadd.s32 s15, s10;
	s19 =	sadd.s32 s6, s10;
	s21 =	sadd.s32 s20, s10  }
0x27: {  	s6 =	sshrl.u32 s24, $0x3;
	s30 =	sshrl.u32 s25, $0x3;
	[dreg:$0x1e] =	wrdreg s1  }
0x28: {  	s20 =	simm.s32 $0x9;
	s24 =	simm.s32 $0x3600;
	[dreg:$0xf] =	wrdreg s3  }
0x29: {  	s1 =	simm.s32 $0x2;
	s11 =	simm.s32 $0x3;
	[dreg:$0x10] =	wrdreg s19  }
0x2a: {  	s15 =	simm.s32 $0x5A0;
	[dreg:$0x11] =	wrdreg s21;
	s3 =	sadd.s32 s23, s10  }
0x2b: {  	s26 =	sadd.s32 s6, s10;
	s31 =	sadd.s32 s30, s10;
	[dreg:$0x12] =	wrdreg s3  }
0x2c: {  	s21 =	simm.s32 $0x600;
	s6 =	simm.s32 $0x5;
	[dreg:$0x13] =	wrdreg s26  }
0x2d: {  	[dreg:$0x14] =	wrdreg s31;
	s3 =	simm.s32 $0x9600;
	s26 =	simm.s32 $0x4E0  }
.LBB2_1:
0x2e: {  	[dreg:$0x1f] =	wrdreg s7  }
0x2f: {  	s14 =	rddreg [dreg:$0x15]  }
0x30: {  	s30 =	rddreg [dreg:$0x16];
	s25 =	sshrl.u32 s14, $0x3  }
0x31: {  	[smem:$0x7FD] =	sst s25  }
0x32: {  	[spmem:s25], [sflag:s16] =	dma.local [hbm:s30], $0x2710  }
0x33: {  	_ =	swait.ge [sflag:s17], $0x2710  }
0x34: {  	[sflag:s17] =	ssyncset.done $0x0  }
0x35: {  	[sflag:s17] =	ssyncadd.s32 $0xFFFFD8F0  }
0x36: {  	[bflag:$0x0] =	sbarrier.arrive $0xFFFF  }
0x37: {  	p0 =	por $0x1, $0x1;
	s31 =	rddreg [dreg:$0x17]  }
0x38: {  	[tilespmem:s5], [sflag:$0x9] =	stream.linear.gather [hbm4b:s31+s5], $0x60, $0x38;
	[tilespmem:$0x1FE80] =	vst v63  }
0x39: {  	s22 =	simm.s32 $0x300;
	s14 =	simm.s32 @!p0 $0x5;
	s7 =	rddreg [dreg:$0x19]  }
0x3a: {  	[tilespmem:s22], [sflag:$0x9] =	stream.linear.gather [hbm4b:s7+s5], $0x60, $0x38;
	[tilespmem:$0x1FE80] =	vst v63  }
0x3b: {  	_ =	swait.ge @!p0 [sflag:s14], $0x3000  }
0x3c: {  	s10 =	rddreg [dreg:$0x13];
	[sflag:s14] =	ssyncset.done @!p0 $0x0  }
0x3d: {  	s13 =	rddreg [dreg:$0x14];
	[sflag:s14] =	ssyncadd.s32 @!p0 $0xFFFFD000;
	s16 =	sadd.s32 $0x0, s10  }
0x3e: {  	[tilespmem:s18], [sflag:$0x9] =	stream.linear.gather [hbm4b:s16+s5], $0x60, $0x38;
	[tilespmem:$0x1FE80] =	vst v63  }
0x3f: {  	s23 =	simm.s32 $0x360;
	s19 =	sadd.s32 $0x0, s13  }
0x40: {  	[tilespmem:s23], [sflag:$0x9] =	stream.linear.gather [hbm4b:s19+s5], $0x60, $0x38;
	[tilespmem:$0x1FE80] =	vst v63  }
0x41: {  	_ =	swait.ge [sflag:s20], $0x60  }
0x42: {  	[sflag:s20] =	ssyncset.done $0x0  }
0x43: {  	[sflag:s20] =	ssyncadd.s32 $0xFFFFFFA0  }
0x44: {  	_ =	swait.ge [sflag:s20], $0x60  }
0x45: {  	[sflag:s20] =	ssyncset.done $0x0  }
0x46: {  	s14 =	simm.s32 @!p0 $0x3;
	[sflag:s20] =	ssyncadd.s32 $0xFFFFFFA0  }
0x47: {  	[tilespmem:s21], [sflag:$0x1] =	stream.indirect.gather [hbm4b:s2+s18], $0x80, s5, s18, $0xb8;
	[tilespmem:$0x1FE80] =	vst v63  }
0x48: {  	_ =	swait.ge @!p0 [sflag:s14], $0x3000  }
0x49: {  	s17 =	simm.s32 @!p0 $0x6;
	s16 =	simm.s32 @!p0 $0x6600;
	[sflag:s14] =	ssyncset.done @!p0 $0x0  }
0x4a: {  	s19 =	simm.s32 @!p0 $0x540;
	[sflag:s14] =	ssyncadd.s32 @!p0 $0xFFFFD000;
	s14 =	simm.s32 @!p0 $0x60  }
0x4b: {  	[spmem:s4] =	stream.indirect.scatter.add.f32 @!p0 [tilespmem:s16], [sflag:$0x7], $0x80, s19, s14, $0xb8;
	[tilespmem:$0x1FE80] =	vst v63  }
0x4c: {  	_ =	swait.ge @!p0 [sflag:s17], $0x3000  }
0x4d: {  	s25 =	rddreg [dreg:$0x11]  }
0x4e: {  	[sflag:s17] =	ssyncset.done @!p0 $0x0;
	s30 =	rddreg [dreg:$0x12]  }
0x4f: {  	[sflag:s17] =	ssyncadd.s32 @!p0 $0xFFFFD000;
	s16 =	sadd.s32 $0x0, s25;
	s25 =	simm.s32 $0xC0  }
0x50: {  	[tilespmem:s25], [sflag:$0x9] =	stream.linear.gather [hbm4b:s16+s5], $0x60, $0x38;
	[tilespmem:$0x1FE80] =	vst v63  }
0x51: {  	s7 =	simm.s32 $0x3C0;
	s31 =	sadd.s32 $0x0, s30  }
0x52: {  	[tilespmem:s7], [sflag:$0x9] =	stream.linear.gather [hbm4b:s31+s5], $0x60, $0x38;
	[tilespmem:$0x1FE80] =	vst v63  }
0x53: {  	_ =	swait.ge [sflag:s20], $0x60  }
0x54: {  	[sflag:s20] =	ssyncset.done $0x0  }
0x55: {  	[sflag:s20] =	ssyncadd.s32 $0xFFFFFFA0  }
0x56: {  	_ =	swait.ge [sflag:s20], $0x60  }
0x57: {  	[sflag:s20] =	ssyncset.done $0x0  }
0x58: {  	s16 =	simm.s32 @!p0 $0x4;
	[sflag:s20] =	ssyncadd.s32 $0xFFFFFFA0  }
0x59: {  	[tilespmem:s24], [sflag:$0x2] =	stream.indirect.gather [hbm4b:s2+s18], $0x80, s18, s18, $0xb8;
	[tilespmem:$0x1FE80] =	vst v63  }
0x5a: {  	_ =	swait.ge @!p0 [sflag:s16], $0x3000  }
0x5b: {  	[sflag:s16] =	ssyncset.done @!p0 $0x0  }
0x5c: {  	s17 =	simm.s32 @!p0 $0x9600;
	[sflag:s16] =	ssyncadd.s32 @!p0 $0xFFFFD000;
	s16 =	simm.s32 @!p0 $0x5A0  }
0x5d: {  	[spmem:s4] =	stream.indirect.scatter.add.f32 @!p0 [tilespmem:s17], [sflag:$0x8], $0x80, s16, s14, $0xb8;
	[tilespmem:$0x1FE80] =	vst v63  }
0x5e: {  	s14 =	simm.s32 @!p0 $0x7  }
0x5f: {  	_ =	swait.ge @!p0 [sflag:s14], $0x3000  }
0x60: {  	s19 =	simm.s32 $0x120;
	s10 =	rddreg [dreg:$0xf];
	[sflag:s14] =	ssyncset.done @!p0 $0x0  }
0x61: {  	s13 =	rddreg [dreg:$0x10];
	[sflag:s14] =	ssyncadd.s32 @!p0 $0xFFFFD000;
	s16 =	sadd.s32 $0x0, s10  }
0x62: {  	[tilespmem:s19], [sflag:$0x9] =	stream.linear.gather [hbm4b:s16+s5], $0x60, $0x38;
	[tilespmem:$0x1FE80] =	vst v63  }
0x63: {  	s17 =	sadd.s32 $0x0, s13;
	s10 =	simm.s32 $0x420  }
0x64: {  	[tilespmem:s10], [sflag:$0x9] =	stream.linear.gather [hbm4b:s17+s5], $0x60, $0x38;
	[tilespmem:$0x1FE80] =	vst v63  }
0x65: {  	_ =	swait.ge [sflag:s20], $0x60  }
0x66: {  	[sflag:s20] =	ssyncset.done $0x0  }
0x67: {  	[sflag:s20] =	ssyncadd.s32 $0xFFFFFFA0  }
0x68: {  	_ =	swait.ge [sflag:s20], $0x60  }
0x69: {  	[sflag:s20] =	ssyncset.done $0x0  }
0x6a: {  	[sflag:s20] =	ssyncadd.s32 $0xFFFFFFA0  }
0x6b: {  	[tilespmem:s28], [sflag:$0x3] =	stream.indirect.gather [hbm4b:s2+s18], $0x80, s25, s18, $0xb8;
	[tilespmem:$0x1FE80] =	vst v63  }
0x6c: {  	_ =	swait.ge [sflag:s29], $0x3000  }
0x6d: {  	[sflag:s29] =	ssyncset.done $0x0  }
0x6e: {  	s14 =	simm.s32 @!p0 $0x8;
	[sflag:s29] =	ssyncadd.s32 $0xFFFFD000  }
0x6f: {  	[spmem:s4] =	stream.indirect.scatter.add.f32 [tilespmem:s21], [sflag:$0x5], $0x80, s22, s18, $0xb8;
	[tilespmem:$0x1FE80] =	vst v63  }
0x70: {  	_ =	swait.ge @!p0 [sflag:s14], $0x3000  }
0x71: {  	s13 =	simm.s32 $0x180;
	s25 =	rddreg [dreg:$0xd];
	[sflag:s14] =	ssyncset.done @!p0 $0x0  }
0x72: {  	s30 =	rddreg [dreg:$0xe];
	[sflag:s14] =	ssyncadd.s32 @!p0 $0xFFFFD000;
	s31 =	sadd.s32 $0x0, s25  }
0x73: {  	[tilespmem:s13], [sflag:$0x9] =	stream.linear.gather [hbm4b:s31+s5], $0x60, $0x38;
	[tilespmem:$0x1FE80] =	vst v63  }
0x74: {  	s17 =	simm.s32 $0x480;
	s16 =	sadd.s32 $0x0, s30  }
0x75: {  	[tilespmem:s17], [sflag:$0x9] =	stream.linear.gather [hbm4b:s16+s5], $0x60, $0x38;
	[tilespmem:$0x1FE80] =	vst v63  }
0x76: {  	_ =	swait.ge [sflag:s20], $0x60  }
0x77: {  	[sflag:s20] =	ssyncset.done $0x0  }
0x78: {  	[sflag:s20] =	ssyncadd.s32 $0xFFFFFFA0  }
0x79: {  	_ =	swait.ge [sflag:s20], $0x60  }
0x7a: {  	[sflag:s20] =	ssyncset.done $0x0  }
0x7b: {  	[sflag:s20] =	ssyncadd.s32 $0xFFFFFFA0  }
0x7c: {  	[tilespmem:s3], [sflag:$0x4] =	stream.indirect.gather [hbm4b:s2+s18], $0x80, s19, s18, $0xb8;
	[tilespmem:$0x1FE80] =	vst v63  }
0x7d: {  	_ =	swait.ge [sflag:s1], $0x3000  }
0x7e: {  	[sflag:s1] =	ssyncset.done $0x0  }
0x7f: {  	[sflag:s1] =	ssyncadd.s32 $0xFFFFD000  }
0x80: {  	[spmem:s4] =	stream.indirect.scatter.add.f32 [tilespmem:s24], [sflag:$0x6], $0x80, s23, s18, $0xb8;
	[tilespmem:$0x1FE80] =	vst v63  }
0x81: {  	_ =	swait.ge [sflag:s6], $0x3000  }
0x82: {  	s30 =	simm.s32 $0x1E0;
	s23 =	rddreg [dreg:$0xb];
	[sflag:s6] =	ssyncset.done $0x0  }
0x83: {  	s25 =	rddreg [dreg:$0xc];
	[sflag:s6] =	ssyncadd.s32 $0xFFFFD000;
	s14 =	sadd.s32 $0x0, s23  }
0x84: {  	[tilespmem:s30], [sflag:$0x9] =	stream.linear.gather [hbm4b:s14+s5], $0x60, $0x38;
	[tilespmem:$0x1FE80] =	vst v63  }
0x85: {  	s31 =	sadd.s32 $0x0, s25  }
0x86: {  	[tilespmem:s26], [sflag:$0x9] =	stream.linear.gather [hbm4b:s31+s5], $0x60, $0x38;
	[tilespmem:$0x1FE80] =	vst v63  }
0x87: {  	_ =	swait.ge [sflag:s20], $0x60  }
0x88: {  	[sflag:s20] =	ssyncset.done $0x0  }
0x89: {  	[sflag:s20] =	ssyncadd.s32 $0xFFFFFFA0  }
0x8a: {  	_ =	swait.ge [sflag:s20], $0x60  }
0x8b: {  	[sflag:s20] =	ssyncset.done $0x0  }
0x8c: {  	[sflag:s20] =	ssyncadd.s32 $0xFFFFFFA0  }
0x8d: {  	[tilespmem:s21], [sflag:$0x1] =	stream.indirect.gather [hbm4b:s2+s18], $0x80, s13, s18, $0xb8;
	[tilespmem:$0x1FE80] =	vst v63  }
0x8e: {  	_ =	swait.ge [sflag:s11], $0x3000  }
0x8f: {  	[sflag:s11] =	ssyncset.done $0x0  }
0x90: {  	[sflag:s11] =	ssyncadd.s32 $0xFFFFD000  }
0x91: {  	[spmem:s4] =	stream.indirect.scatter.add.f32 [tilespmem:s28], [sflag:$0x7], $0x80, s7, s18, $0xb8;
	[tilespmem:$0x1FE80] =	vst v63  }
0x92: {  	_ =	swait.ge [sflag:s12], $0x3000  }
0x93: {  	s22 =	simm.s32 $0x240;
	s7 =	rddreg [dreg:$0x9];
	[sflag:s12] =	ssyncset.done $0x0  }
0x94: {  	s13 =	rddreg [dreg:$0xa];
	[sflag:s12] =	ssyncadd.s32 $0xFFFFD000;
	s14 =	sadd.s32 $0x0, s7  }
0x95: {  	[tilespmem:s22], [sflag:$0x9] =	stream.linear.gather [hbm4b:s14+s5], $0x60, $0x38;
	[tilespmem:$0x1FE80] =	vst v63  }
0x96: {  	s23 =	sadd.s32 $0x0, s13;
	s13 =	simm.s32 $0x540  }
0x97: {  	[tilespmem:s13], [sflag:$0x9] =	stream.linear.gather [hbm4b:s23+s5], $0x60, $0x38;
	[tilespmem:$0x1FE80] =	vst v63  }
0x98: {  	_ =	swait.ge [sflag:s20], $0x60  }
0x99: {  	[sflag:s20] =	ssyncset.done $0x0  }
0x9a: {  	[sflag:s20] =	ssyncadd.s32 $0xFFFFFFA0  }
0x9b: {  	_ =	swait.ge [sflag:s20], $0x60  }
0x9c: {  	[sflag:s20] =	ssyncset.done $0x0  }
0x9d: {  	[sflag:s20] =	ssyncadd.s32 $0xFFFFFFA0  }
0x9e: {  	[tilespmem:s24], [sflag:$0x2] =	stream.indirect.gather [hbm4b:s2+s18], $0x80, s30, s18, $0xb8;
	[tilespmem:$0x1FE80] =	vst v63  }
0x9f: {  	_ =	swait.ge [sflag:s8], $0x3000  }
0xa0: {  	[sflag:s8] =	ssyncset.done $0x0  }
0xa1: {  	[sflag:s8] =	ssyncadd.s32 $0xFFFFD000  }
0xa2: {  	[spmem:s4] =	stream.indirect.scatter.add.f32 [tilespmem:s3], [sflag:$0x8], $0x80, s10, s18, $0xb8;
	[tilespmem:$0x1FE80] =	vst v63  }
0xa3: {  	_ =	swait.ge [sflag:s9], $0x3000  }
0xa4: {  	s30 =	simm.s32 $0x2A0;
	s25 =	rddreg [dreg:$0x7];
	[sflag:s9] =	ssyncset.done $0x0  }
0xa5: {  	s26 =	rddreg [dreg:$0x8];
	[sflag:s9] =	ssyncadd.s32 $0xFFFFD000;
	s14 =	sadd.s32 $0x0, s25  }
0xa6: {  	[tilespmem:s30], [sflag:$0x9] =	stream.linear.gather [hbm4b:s14+s5], $0x60, $0x38;
	[tilespmem:$0x1FE80] =	vst v63  }
0xa7: {  	s31 =	sadd.s32 $0x0, s26  }
0xa8: {  	[tilespmem:s15], [sflag:$0x9] =	stream.linear.gather [hbm4b:s31+s5], $0x60, $0x38;
	[tilespmem:$0x1FE80] =	vst v63  }
0xa9: {  	_ =	swait.ge [sflag:s20], $0x60  }
0xaa: {  	[sflag:s20] =	ssyncset.done $0x0  }
0xab: {  	[sflag:s20] =	ssyncadd.s32 $0xFFFFFFA0  }
0xac: {  	_ =	swait.ge [sflag:s20], $0x60  }
0xad: {  	[sflag:s20] =	ssyncset.done $0x0  }
0xae: {  	[sflag:s20] =	ssyncadd.s32 $0xFFFFFFA0  }
0xaf: {  	[tilespmem:s28], [sflag:$0x3] =	stream.indirect.gather [hbm4b:s2+s18], $0x80, s22, s18, $0xb8;
	[tilespmem:$0x1FE80] =	vst v63  }
0xb0: {  	_ =	swait.ge [sflag:s29], $0x3000  }
0xb1: {  	[sflag:s29] =	ssyncset.done $0x0  }
0xb2: {  	[sflag:s29] =	ssyncadd.s32 $0xFFFFD000  }
0xb3: {  	[spmem:s4] =	stream.indirect.scatter.add.f32 [tilespmem:s21], [sflag:$0x5], $0x80, s17, s18, $0xb8;
	[tilespmem:$0x1FE80] =	vst v63  }
0xb4: {  	_ =	swait.ge [sflag:s0], $0x3000  }
0xb5: {  	[sflag:s0] =	ssyncset.done $0x0  }
0xb6: {  	p0 =	por $0x0, $0x0;
	s19 =	rddreg [dreg:$0x1e];
	[sflag:s0] =	ssyncadd.s32 $0xFFFFD000  }
0xb7: {  	s14 =	sshrl.u32 @!p0 s19, $0x3;
	s17 =	rddreg [dreg:$0x0]  }
0xb8: {  	s16 =	rddreg [dreg:$0x6];
	s14 =	sadd.s32 @!p0 s17, s14;
	s17 =	simm.s32 @!p0 $0x0  }
0xb9: {  	[tilespmem:s17], [sflag:$0x9] =	stream.linear.gather @!p0 [hbm4b:s14+s17], $0x60, $0x38;
	[tilespmem:$0x1FE80] =	vst v63  }
0xba: {  	s14 =	sadd.s32 @!p0 $0x0, s16;
	s16 =	simm.s32 @!p0 $0x300  }
0xbb: {  	[tilespmem:s16], [sflag:$0x9] =	stream.linear.gather @!p0 [hbm4b:s14+s17], $0x60, $0x38;
	[tilespmem:$0x1FE80] =	vst v63  }
0xbc: {  	_ =	swait.ge [sflag:s20], $0x60  }
0xbd: {  	[sflag:s20] =	ssyncset.done $0x0  }
0xbe: {  	[sflag:s20] =	ssyncadd.s32 $0xFFFFFFA0  }
0xbf: {  	_ =	swait.ge [sflag:s20], $0x60  }
0xc0: {  	[sflag:s20] =	ssyncset.done $0x0  }
0xc1: {  	[sflag:s20] =	ssyncadd.s32 $0xFFFFFFA0  }
0xc2: {  	[tilespmem:s3], [sflag:$0x4] =	stream.indirect.gather [hbm4b:s2+s18], $0x80, s30, s18, $0xb8;
	[tilespmem:$0x1FE80] =	vst v63  }
0xc3: {  	p1 =	por $0x0, $0x0;
	s17 =	simm.s32 $0x60;
	_ =	swait.ge [sflag:s1], $0x3000  }
0xc4: {  	s16 =	simm.s32 $0xC0;
	s14 =	sadd.s32 $0x300, s19;
	[sflag:s1] =	ssyncset.done $0x0  }
.LBB2_2:
0xc5: {  	s22 =	simm.s32 @!p1 $0x5;
	[sflag:s1] =	ssyncadd.s32 $0xFFFFD000;
	s13 =	simm.s32 $0x4E0  }
0xc6: {  	[spmem:s4] =	stream.indirect.scatter.add.f32 [tilespmem:s24], [sflag:$0x6], $0x80, s13, s18, $0xb8;
	[tilespmem:$0x1FE80] =	vst v63  }
0xc7: {  	_ =	swait.ge @!p1 [sflag:s22], $0x3000  }
0xc8: {  	[sflag:s22] =	ssyncset.done @!p1 $0x0;
	s23 =	rddreg [dreg:$0x13]  }
0xc9: {  	s31 =	rddreg [dreg:$0x14];
	[sflag:s22] =	ssyncadd.s32 @!p1 $0xFFFFD000;
	s23 =	sadd.s32 s17, s23  }
0xca: {  	[tilespmem:s18], [sflag:$0x9] =	stream.linear.gather [hbm4b:s23+s5], $0x60, $0x38;
	[tilespmem:$0x1FE80] =	vst v63  }
0xcb: {  	s30 =	simm.s32 $0x360;
	s22 =	sadd.s32 s17, s31  }
0xcc: {  	[tilespmem:s30], [sflag:$0x9] =	stream.linear.gather [hbm4b:s22+s5], $0x60, $0x38;
	[tilespmem:$0x1FE80] =	vst v63  }
0xcd: {  	_ =	swait.ge [sflag:s20], $0x60  }
0xce: {  	[sflag:s20] =	ssyncset.done $0x0  }
0xcf: {  	[sflag:s20] =	ssyncadd.s32 $0xFFFFFFA0  }
0xd0: {  	_ =	swait.ge [sflag:s20], $0x60  }
0xd1: {  	[sflag:s20] =	ssyncset.done $0x0  }
0xd2: {  	s22 =	simm.s32 @!p1 $0x3;
	[sflag:s20] =	ssyncadd.s32 $0xFFFFFFA0  }
0xd3: {  	[tilespmem:s21], [sflag:$0x1] =	stream.indirect.gather [hbm4b:s2+s18], $0x80, s5, s18, $0xb8;
	[tilespmem:$0x1FE80] =	vst v63  }
0xd4: {  	_ =	swait.ge @!p1 [sflag:s22], $0x3000  }
0xd5: {  	s25 =	simm.s32 @!p1 $0x6;
	s26 =	simm.s32 @!p1 $0x540;
	[sflag:s22] =	ssyncset.done @!p1 $0x0  }
0xd6: {  	s23 =	simm.s32 @!p1 $0x6600;
	[sflag:s22] =	ssyncadd.s32 @!p1 $0xFFFFD000;
	s22 =	simm.s32 @!p1 $0x60  }
0xd7: {  	[spmem:s4] =	stream.indirect.scatter.add.f32 @!p1 [tilespmem:s23], [sflag:$0x7], $0x80, s26, s22, $0xb8;
	[tilespmem:$0x1FE80] =	vst v63  }
0xd8: {  	_ =	swait.ge @!p1 [sflag:s25], $0x3000  }
0xd9: {  	s31 =	simm.s32 $0xC0;
	s7 =	rddreg [dreg:$0x11];
	[sflag:s25] =	ssyncset.done @!p1 $0x0  }
0xda: {  	s10 =	rddreg [dreg:$0x12];
	[sflag:s25] =	ssyncadd.s32 @!p1 $0xFFFFD000;
	s23 =	sadd.s32 s17, s7  }
0xdb: {  	[tilespmem:s31], [sflag:$0x9] =	stream.linear.gather [hbm4b:s23+s5], $0x60, $0x38;
	[tilespmem:$0x1FE80] =	vst v63  }
0xdc: {  	s25 =	sadd.s32 s17, s10;
	s7 =	simm.s32 $0x3C0  }
0xdd: {  	[tilespmem:s7], [sflag:$0x9] =	stream.linear.gather [hbm4b:s25+s5], $0x60, $0x38;
	[tilespmem:$0x1FE80] =	vst v63  }
0xde: {  	_ =	swait.ge [sflag:s20], $0x60  }
0xdf: {  	[sflag:s20] =	ssyncset.done $0x0  }
0xe0: {  	[sflag:s20] =	ssyncadd.s32 $0xFFFFFFA0  }
0xe1: {  	_ =	swait.ge [sflag:s20], $0x60  }
0xe2: {  	[sflag:s20] =	ssyncset.done $0x0  }
0xe3: {  	s23 =	simm.s32 @!p1 $0x4;
	[sflag:s20] =	ssyncadd.s32 $0xFFFFFFA0  }
0xe4: {  	[tilespmem:s24], [sflag:$0x2] =	stream.indirect.gather [hbm4b:s2+s18], $0x80, s18, s18, $0xb8;
	[tilespmem:$0x1FE80] =	vst v63  }
0xe5: {  	_ =	swait.ge @!p1 [sflag:s23], $0x3000  }
0xe6: {  	s26 =	simm.s32 @!p1 $0x9600;
	[sflag:s23] =	ssyncset.done @!p1 $0x0  }
0xe7: {  	s25 =	simm.s32 @!p1 $0x7;
	[sflag:s23] =	ssyncadd.s32 @!p1 $0xFFFFD000;
	s23 =	simm.s32 @!p1 $0x5A0  }
0xe8: {  	[spmem:s4] =	stream.indirect.scatter.add.f32 @!p1 [tilespmem:s26], [sflag:$0x8], $0x80, s23, s22, $0xb8;
	[tilespmem:$0x1FE80] =	vst v63  }
0xe9: {  	_ =	swait.ge @!p1 [sflag:s25], $0x3000  }
0xea: {  	s26 =	rddreg [dreg:$0xf]  }
0xeb: {  	[sflag:s25] =	ssyncset.done @!p1 $0x0;
	s10 =	rddreg [dreg:$0x10]  }
0xec: {  	[sflag:s25] =	ssyncadd.s32 @!p1 $0xFFFFD000;
	s22 =	sadd.s32 s17, s26;
	s26 =	simm.s32 $0x120  }
0xed: {  	[tilespmem:s26], [sflag:$0x9] =	stream.linear.gather [hbm4b:s22+s5], $0x60, $0x38;
	[tilespmem:$0x1FE80] =	vst v63  }
0xee: {  	s23 =	sadd.s32 s17, s10;
	s10 =	simm.s32 $0x420  }
0xef: {  	[tilespmem:s10], [sflag:$0x9] =	stream.linear.gather [hbm4b:s23+s5], $0x60, $0x38;
	[tilespmem:$0x1FE80] =	vst v63  }
0xf0: {  	_ =	swait.ge [sflag:s20], $0x60  }
0xf1: {  	[sflag:s20] =	ssyncset.done $0x0  }
0xf2: {  	[sflag:s20] =	ssyncadd.s32 $0xFFFFFFA0  }
0xf3: {  	_ =	swait.ge [sflag:s20], $0x60  }
0xf4: {  	[sflag:s20] =	ssyncset.done $0x0  }
0xf5: {  	[sflag:s20] =	ssyncadd.s32 $0xFFFFFFA0  }
0xf6: {  	[tilespmem:s28], [sflag:$0x3] =	stream.indirect.gather [hbm4b:s2+s18], $0x80, s31, s18, $0xb8;
	[tilespmem:$0x1FE80] =	vst v63  }
0xf7: {  	_ =	swait.ge [sflag:s29], $0x3000  }
0xf8: {  	[sflag:s29] =	ssyncset.done $0x0  }
0xf9: {  	s25 =	simm.s32 $0x300;
	s22 =	simm.s32 @!p1 $0x8;
	[sflag:s29] =	ssyncadd.s32 $0xFFFFD000  }
0xfa: {  	[spmem:s4] =	stream.indirect.scatter.add.f32 [tilespmem:s21], [sflag:$0x5], $0x80, s25, s18, $0xb8;
	[tilespmem:$0x1FE80] =	vst v63  }
0xfb: {  	_ =	swait.ge @!p1 [sflag:s22], $0x3000  }
0xfc: {  	s31 =	rddreg [dreg:$0xd]  }
0xfd: {  	[sflag:s22] =	ssyncset.done @!p1 $0x0;
	s25 =	rddreg [dreg:$0xe]  }
0xfe: {  	[sflag:s22] =	ssyncadd.s32 @!p1 $0xFFFFD000;
	s23 =	sadd.s32 s17, s31;
	s31 =	simm.s32 $0x180  }
0xff: {  	[tilespmem:s31], [sflag:$0x9] =	stream.linear.gather [hbm4b:s23+s5], $0x60, $0x38;
	[tilespmem:$0x1FE80] =	vst v63  }
0x100: {  	s23 =	sadd.s32 s17, s25;
	s25 =	simm.s32 $0x480  }
0x101: {  	[tilespmem:s25], [sflag:$0x9] =	stream.linear.gather [hbm4b:s23+s5], $0x60, $0x38;
	[tilespmem:$0x1FE80] =	vst v63  }
0x102: {  	_ =	swait.ge [sflag:s20], $0x60  }
0x103: {  	[sflag:s20] =	ssyncset.done $0x0  }
0x104: {  	[sflag:s20] =	ssyncadd.s32 $0xFFFFFFA0  }
0x105: {  	_ =	swait.ge [sflag:s20], $0x60  }
0x106: {  	[sflag:s20] =	ssyncset.done $0x0  }
0x107: {  	[sflag:s20] =	ssyncadd.s32 $0xFFFFFFA0  }
0x108: {  	[tilespmem:s3], [sflag:$0x4] =	stream.indirect.gather [hbm4b:s2+s18], $0x80, s26, s18, $0xb8;
	[tilespmem:$0x1FE80] =	vst v63  }
0x109: {  	_ =	swait.ge [sflag:s1], $0x3000  }
0x10a: {  	[sflag:s1] =	ssyncset.done $0x0  }
0x10b: {  	[sflag:s1] =	ssyncadd.s32 $0xFFFFD000  }
0x10c: {  	[spmem:s4] =	stream.indirect.scatter.add.f32 [tilespmem:s24], [sflag:$0x6], $0x80, s30, s18, $0xb8;
	[tilespmem:$0x1FE80] =	vst v63  }
0x10d: {  	_ =	swait.ge [sflag:s6], $0x3000  }
0x10e: {  	s26 =	rddreg [dreg:$0xb]  }
0x10f: {  	[sflag:s6] =	ssyncset.done $0x0;
	s30 =	rddreg [dreg:$0xc]  }
0x110: {  	[sflag:s6] =	ssyncadd.s32 $0xFFFFD000;
	s22 =	sadd.s32 s17, s26;
	s26 =	simm.s32 $0x1E0  }
0x111: {  	[tilespmem:s26], [sflag:$0x9] =	stream.linear.gather [hbm4b:s22+s5], $0x60, $0x38;
	[tilespmem:$0x1FE80] =	vst v63  }
0x112: {  	s30 =	sadd.s32 s17, s30  }
0x113: {  	[tilespmem:s13], [sflag:$0x9] =	stream.linear.gather [hbm4b:s30+s5], $0x60, $0x38;
	[tilespmem:$0x1FE80] =	vst v63  }
0x114: {  	_ =	swait.ge [sflag:s20], $0x60  }
0x115: {  	[sflag:s20] =	ssyncset.done $0x0  }
0x116: {  	[sflag:s20] =	ssyncadd.s32 $0xFFFFFFA0  }
0x117: {  	_ =	swait.ge [sflag:s20], $0x60  }
0x118: {  	[sflag:s20] =	ssyncset.done $0x0  }
0x119: {  	[sflag:s20] =	ssyncadd.s32 $0xFFFFFFA0  }
0x11a: {  	[tilespmem:s21], [sflag:$0x1] =	stream.indirect.gather [hbm4b:s2+s18], $0x80, s31, s18, $0xb8;
	[tilespmem:$0x1FE80] =	vst v63  }
0x11b: {  	_ =	swait.ge [sflag:s11], $0x3000  }
0x11c: {  	[sflag:s11] =	ssyncset.done $0x0  }
0x11d: {  	[sflag:s11] =	ssyncadd.s32 $0xFFFFD000  }
0x11e: {  	[spmem:s4] =	stream.indirect.scatter.add.f32 [tilespmem:s28], [sflag:$0x7], $0x80, s7, s18, $0xb8;
	[tilespmem:$0x1FE80] =	vst v63  }
0x11f: {  	_ =	swait.ge [sflag:s12], $0x3000  }
0x120: {  	s7 =	rddreg [dreg:$0x9]  }
0x121: {  	[sflag:s12] =	ssyncset.done $0x0;
	s13 =	rddreg [dreg:$0xa]  }
0x122: {  	[sflag:s12] =	ssyncadd.s32 $0xFFFFD000;
	s22 =	sadd.s32 s17, s7;
	s7 =	simm.s32 $0x240  }
0x123: {  	[tilespmem:s7], [sflag:$0x9] =	stream.linear.gather [hbm4b:s22+s5], $0x60, $0x38;
	[tilespmem:$0x1FE80] =	vst v63  }
0x124: {  	s31 =	simm.s32 $0x540;
	s30 =	sadd.s32 s17, s13  }
0x125: {  	[tilespmem:s31], [sflag:$0x9] =	stream.linear.gather [hbm4b:s30+s5], $0x60, $0x38;
	[tilespmem:$0x1FE80] =	vst v63  }
0x126: {  	_ =	swait.ge [sflag:s20], $0x60  }
0x127: {  	[sflag:s20] =	ssyncset.done $0x0  }
0x128: {  	[sflag:s20] =	ssyncadd.s32 $0xFFFFFFA0  }
0x129: {  	_ =	swait.ge [sflag:s20], $0x60  }
0x12a: {  	[sflag:s20] =	ssyncset.done $0x0  }
0x12b: {  	[sflag:s20] =	ssyncadd.s32 $0xFFFFFFA0  }
0x12c: {  	[tilespmem:s24], [sflag:$0x2] =	stream.indirect.gather [hbm4b:s2+s18], $0x80, s26, s18, $0xb8;
	[tilespmem:$0x1FE80] =	vst v63  }
0x12d: {  	_ =	swait.ge [sflag:s8], $0x3000  }
0x12e: {  	[sflag:s8] =	ssyncset.done $0x0  }
0x12f: {  	[sflag:s8] =	ssyncadd.s32 $0xFFFFD000  }
0x130: {  	[spmem:s4] =	stream.indirect.scatter.add.f32 [tilespmem:s3], [sflag:$0x8], $0x80, s10, s18, $0xb8;
	[tilespmem:$0x1FE80] =	vst v63  }
0x131: {  	_ =	swait.ge [sflag:s9], $0x3000  }
0x132: {  	s30 =	simm.s32 $0x2A0;
	s23 =	rddreg [dreg:$0x7];
	[sflag:s9] =	ssyncset.done $0x0  }
0x133: {  	s26 =	rddreg [dreg:$0x8];
	[sflag:s9] =	ssyncadd.s32 $0xFFFFD000;
	s22 =	sadd.s32 s17, s23  }
0x134: {  	[tilespmem:s30], [sflag:$0x9] =	stream.linear.gather [hbm4b:s22+s5], $0x60, $0x38;
	[tilespmem:$0x1FE80] =	vst v63  }
0x135: {  	s31 =	sadd.s32 s17, s26  }
0x136: {  	[tilespmem:s15], [sflag:$0x9] =	stream.linear.gather [hbm4b:s31+s5], $0x60, $0x38;
	[tilespmem:$0x1FE80] =	vst v63  }
0x137: {  	_ =	swait.ge [sflag:s20], $0x60  }
0x138: {  	[sflag:s20] =	ssyncset.done $0x0  }
0x139: {  	[sflag:s20] =	ssyncadd.s32 $0xFFFFFFA0  }
0x13a: {  	_ =	swait.ge [sflag:s20], $0x60  }
0x13b: {  	[sflag:s20] =	ssyncset.done $0x0  }
0x13c: {  	[sflag:s20] =	ssyncadd.s32 $0xFFFFFFA0  }
0x13d: {  	[tilespmem:s28], [sflag:$0x3] =	stream.indirect.gather [hbm4b:s2+s18], $0x80, s7, s18, $0xb8;
	[tilespmem:$0x1FE80] =	vst v63  }
0x13e: {  	_ =	swait.ge [sflag:s29], $0x3000  }
0x13f: {  	[sflag:s29] =	ssyncset.done $0x0  }
0x140: {  	[sflag:s29] =	ssyncadd.s32 $0xFFFFD000  }
0x141: {  	[spmem:s4] =	stream.indirect.scatter.add.f32 [tilespmem:s21], [sflag:$0x5], $0x80, s25, s18, $0xb8;
	[tilespmem:$0x1FE80] =	vst v63  }
0x142: {  	_ =	swait.ge [sflag:s0], $0x3000  }
0x143: {  	[sflag:s0] =	ssyncset.done $0x0  }
0x144: {  	p1 =	seq.s32 s17, $0x480;
	[sflag:s0] =	ssyncadd.s32 $0xFFFFD000  }
0x145: {  	s22 =	sshrl.u32 @!p1 s14, $0x3;
	s25 =	rddreg [dreg:$0x0]  }
0x146: {  	s23 =	rddreg [dreg:$0x6];
	s22 =	sadd.s32 @!p1 s25, s22;
	s25 =	simm.s32 @!p1 $0x0  }
0x147: {  	[tilespmem:s25], [sflag:$0x9] =	stream.linear.gather @!p1 [hbm4b:s22+s25], $0x60, $0x38;
	[tilespmem:$0x1FE80] =	vst v63  }
0x148: {  	s22 =	sadd.s32 @!p1 s17, s23;
	s23 =	simm.s32 @!p1 $0x300  }
0x149: {  	[tilespmem:s23], [sflag:$0x9] =	stream.linear.gather @!p1 [hbm4b:s22+s25], $0x60, $0x38;
	[tilespmem:$0x1FE80] =	vst v63  }
0x14a: {  	_ =	swait.ge [sflag:s20], $0x60  }
0x14b: {  	[sflag:s20] =	ssyncset.done $0x0  }
0x14c: {  	s19 =	smov.u32 s16;
	s16 =	sadd.s32 $0x60, s16;
	[sflag:s20] =	ssyncadd.s32 $0xFFFFFFA0  }
0x14d: {  	p0 =	sne.s32 s16, $0x4E0;
	_ =	swait.ge [sflag:s20], $0x60  }
.Ltmp0:
0x14e: {  	[sflag:s20] =	ssyncset.done $0x0;
	(pc) =	sbr.rel @p0 .LBB2_2-.Ltmp0, $4  }
0x14f: {  	[sflag:s20] =	ssyncadd.s32 $0xFFFFFFA0  }
0x150: {  	[tilespmem:s3], [sflag:$0x4] =	stream.indirect.gather [hbm4b:s2+s18], $0x80, s30, s18, $0xb8;
	[tilespmem:$0x1FE80] =	vst v63  }
0x151: {  	s17 =	smov.u32 s19;
	_ =	swait.ge [sflag:s1], $0x3000  }
0x152: {  	s14 =	sadd.s32 $0x300, s14;
	p1 =	seq.s32 s17, $0x0;
	[sflag:s1] =	ssyncset.done $0x0  }
0x153: {  	s16 =	simm.s32 @!p1 $0x5;
	[sflag:s1] =	ssyncadd.s32 $0xFFFFD000;
	s13 =	simm.s32 $0x4E0  }
0x154: {  	[spmem:s4] =	stream.indirect.scatter.add.f32 [tilespmem:s24], [sflag:$0x6], $0x80, s13, s18, $0xb8;
	[tilespmem:$0x1FE80] =	vst v63  }
0x155: {  	_ =	swait.ge @!p1 [sflag:s16], $0x3000  }
0x156: {  	s19 =	rddreg [dreg:$0x13];
	[sflag:s16] =	ssyncset.done @!p1 $0x0  }
0x157: {  	s22 =	rddreg [dreg:$0x14];
	[sflag:s16] =	ssyncadd.s32 @!p1 $0xFFFFD000;
	s19 =	sadd.s32 s17, s19  }
0x158: {  	[tilespmem:s18], [sflag:$0x9] =	stream.linear.gather [hbm4b:s19+s5], $0x60, $0x38;
	[tilespmem:$0x1FE80] =	vst v63  }
0x159: {  	s25 =	simm.s32 $0x360;
	s23 =	sadd.s32 s17, s22  }
0x15a: {  	[tilespmem:s25], [sflag:$0x9] =	stream.linear.gather [hbm4b:s23+s5], $0x60, $0x38;
	[tilespmem:$0x1FE80] =	vst v63  }
0x15b: {  	_ =	swait.ge [sflag:s20], $0x60  }
0x15c: {  	[sflag:s20] =	ssyncset.done $0x0  }
0x15d: {  	[sflag:s20] =	ssyncadd.s32 $0xFFFFFFA0  }
0x15e: {  	_ =	swait.ge [sflag:s20], $0x60  }
0x15f: {  	[sflag:s20] =	ssyncset.done $0x0  }
0x160: {  	s16 =	simm.s32 @!p1 $0x3;
	[sflag:s20] =	ssyncadd.s32 $0xFFFFFFA0  }
0x161: {  	[tilespmem:s21], [sflag:$0x1] =	stream.indirect.gather [hbm4b:s2+s18], $0x80, s5, s18, $0xb8;
	[tilespmem:$0x1FE80] =	vst v63  }
0x162: {  	_ =	swait.ge @!p1 [sflag:s16], $0x3000  }
0x163: {  	s22 =	simm.s32 @!p1 $0x6;
	s19 =	simm.s32 @!p1 $0x6600;
	[sflag:s16] =	ssyncset.done @!p1 $0x0  }
0x164: {  	s23 =	simm.s32 @!p1 $0x540;
	[sflag:s16] =	ssyncadd.s32 @!p1 $0xFFFFD000;
	s16 =	simm.s32 @!p1 $0x60  }
0x165: {  	[spmem:s4] =	stream.indirect.scatter.add.f32 @!p1 [tilespmem:s19], [sflag:$0x7], $0x80, s23, s16, $0xb8;
	[tilespmem:$0x1FE80] =	vst v63  }
0x166: {  	_ =	swait.ge @!p1 [sflag:s22], $0x3000  }
0x167: {  	s26 =	rddreg [dreg:$0x11]  }
0x168: {  	[sflag:s22] =	ssyncset.done @!p1 $0x0;
	s30 =	rddreg [dreg:$0x12]  }
0x169: {  	[sflag:s22] =	ssyncadd.s32 @!p1 $0xFFFFD000;
	s19 =	sadd.s32 s17, s26;
	s26 =	simm.s32 $0xC0  }
0x16a: {  	[tilespmem:s26], [sflag:$0x9] =	stream.linear.gather [hbm4b:s19+s5], $0x60, $0x38;
	[tilespmem:$0x1FE80] =	vst v63  }
0x16b: {  	s7 =	simm.s32 $0x3C0;
	s31 =	sadd.s32 s17, s30  }
0x16c: {  	[tilespmem:s7], [sflag:$0x9] =	stream.linear.gather [hbm4b:s31+s5], $0x60, $0x38;
	[tilespmem:$0x1FE80] =	vst v63  }
0x16d: {  	_ =	swait.ge [sflag:s20], $0x60  }
0x16e: {  	[sflag:s20] =	ssyncset.done $0x0  }
0x16f: {  	[sflag:s20] =	ssyncadd.s32 $0xFFFFFFA0  }
0x170: {  	_ =	swait.ge [sflag:s20], $0x60  }
0x171: {  	[sflag:s20] =	ssyncset.done $0x0  }
0x172: {  	s19 =	simm.s32 @!p1 $0x4;
	[sflag:s20] =	ssyncadd.s32 $0xFFFFFFA0  }
0x173: {  	[tilespmem:s24], [sflag:$0x2] =	stream.indirect.gather [hbm4b:s2+s18], $0x80, s18, s18, $0xb8;
	[tilespmem:$0x1FE80] =	vst v63  }
0x174: {  	_ =	swait.ge @!p1 [sflag:s19], $0x3000  }
0x175: {  	[sflag:s19] =	ssyncset.done @!p1 $0x0  }
0x176: {  	s22 =	simm.s32 @!p1 $0x9600;
	[sflag:s19] =	ssyncadd.s32 @!p1 $0xFFFFD000;
	s19 =	simm.s32 @!p1 $0x5A0  }
0x177: {  	[spmem:s4] =	stream.indirect.scatter.add.f32 @!p1 [tilespmem:s22], [sflag:$0x8], $0x80, s19, s16, $0xb8;
	[tilespmem:$0x1FE80] =	vst v63  }
0x178: {  	s16 =	simm.s32 @!p1 $0x7  }
0x179: {  	_ =	swait.ge @!p1 [sflag:s16], $0x3000  }
0x17a: {  	s30 =	simm.s32 $0x120;
	s10 =	rddreg [dreg:$0xf];
	[sflag:s16] =	ssyncset.done @!p1 $0x0  }
0x17b: {  	s15 =	rddreg [dreg:$0x10];
	[sflag:s16] =	ssyncadd.s32 @!p1 $0xFFFFD000;
	s19 =	sadd.s32 s17, s10  }
0x17c: {  	[tilespmem:s30], [sflag:$0x9] =	stream.linear.gather [hbm4b:s19+s5], $0x60, $0x38;
	[tilespmem:$0x1FE80] =	vst v63  }
0x17d: {  	s23 =	sadd.s32 s17, s15;
	s10 =	simm.s32 $0x420  }
0x17e: {  	[tilespmem:s10], [sflag:$0x9] =	stream.linear.gather [hbm4b:s23+s5], $0x60, $0x38;
	[tilespmem:$0x1FE80] =	vst v63  }
0x17f: {  	_ =	swait.ge [sflag:s20], $0x60  }
0x180: {  	[sflag:s20] =	ssyncset.done $0x0  }
0x181: {  	[sflag:s20] =	ssyncadd.s32 $0xFFFFFFA0  }
0x182: {  	_ =	swait.ge [sflag:s20], $0x60  }
0x183: {  	[sflag:s20] =	ssyncset.done $0x0  }
0x184: {  	[sflag:s20] =	ssyncadd.s32 $0xFFFFFFA0  }
0x185: {  	[tilespmem:s28], [sflag:$0x3] =	stream.indirect.gather [hbm4b:s2+s18], $0x80, s26, s18, $0xb8;
	[tilespmem:$0x1FE80] =	vst v63  }
0x186: {  	_ =	swait.ge [sflag:s29], $0x3000  }
0x187: {  	[sflag:s29] =	ssyncset.done $0x0  }
0x188: {  	s16 =	simm.s32 @!p1 $0x8;
	s23 =	simm.s32 $0x300;
	[sflag:s29] =	ssyncadd.s32 $0xFFFFD000  }
0x189: {  	[spmem:s4] =	stream.indirect.scatter.add.f32 [tilespmem:s21], [sflag:$0x5], $0x80, s23, s18, $0xb8;
	[tilespmem:$0x1FE80] =	vst v63  }
0x18a: {  	_ =	swait.ge @!p1 [sflag:s16], $0x3000  }
0x18b: {  	s26 =	rddreg [dreg:$0xd]  }
0x18c: {  	[sflag:s16] =	ssyncset.done @!p1 $0x0;
	s31 =	rddreg [dreg:$0xe]  }
0x18d: {  	[sflag:s16] =	ssyncadd.s32 @!p1 $0xFFFFD000;
	s15 =	sadd.s32 s17, s26;
	s26 =	simm.s32 $0x180  }
0x18e: {  	[tilespmem:s26], [sflag:$0x9] =	stream.linear.gather [hbm4b:s15+s5], $0x60, $0x38;
	[tilespmem:$0x1FE80] =	vst v63  }
0x18f: {  	s22 =	simm.s32 $0x480;
	s19 =	sadd.s32 s17, s31  }
0x190: {  	[tilespmem:s22], [sflag:$0x9] =	stream.linear.gather [hbm4b:s19+s5], $0x60, $0x38;
	[tilespmem:$0x1FE80] =	vst v63  }
0x191: {  	_ =	swait.ge [sflag:s20], $0x60  }
0x192: {  	[sflag:s20] =	ssyncset.done $0x0  }
0x193: {  	[sflag:s20] =	ssyncadd.s32 $0xFFFFFFA0  }
0x194: {  	_ =	swait.ge [sflag:s20], $0x60  }
0x195: {  	[sflag:s20] =	ssyncset.done $0x0  }
0x196: {  	[sflag:s20] =	ssyncadd.s32 $0xFFFFFFA0  }
0x197: {  	[tilespmem:s3], [sflag:$0x4] =	stream.indirect.gather [hbm4b:s2+s18], $0x80, s30, s18, $0xb8;
	[tilespmem:$0x1FE80] =	vst v63  }
0x198: {  	_ =	swait.ge [sflag:s1], $0x3000  }
0x199: {  	[sflag:s1] =	ssyncset.done $0x0  }
0x19a: {  	[sflag:s1] =	ssyncadd.s32 $0xFFFFD000  }
0x19b: {  	[spmem:s4] =	stream.indirect.scatter.add.f32 [tilespmem:s24], [sflag:$0x6], $0x80, s25, s18, $0xb8;
	[tilespmem:$0x1FE80] =	vst v63  }
0x19c: {  	_ =	swait.ge [sflag:s6], $0x3000  }
0x19d: {  	s15 =	simm.s32 $0x1E0;
	s30 =	rddreg [dreg:$0xb];
	[sflag:s6] =	ssyncset.done $0x0  }
0x19e: {  	s31 =	rddreg [dreg:$0xc];
	[sflag:s6] =	ssyncadd.s32 $0xFFFFD000;
	s16 =	sadd.s32 s17, s30  }
0x19f: {  	[tilespmem:s15], [sflag:$0x9] =	stream.linear.gather [hbm4b:s16+s5], $0x60, $0x38;
	[tilespmem:$0x1FE80] =	vst v63  }
0x1a0: {  	s19 =	sadd.s32 s17, s31  }
0x1a1: {  	[tilespmem:s13], [sflag:$0x9] =	stream.linear.gather [hbm4b:s19+s5], $0x60, $0x38;
	[tilespmem:$0x1FE80] =	vst v63  }
0x1a2: {  	_ =	swait.ge [sflag:s20], $0x60  }
0x1a3: {  	[sflag:s20] =	ssyncset.done $0x0  }
0x1a4: {  	[sflag:s20] =	ssyncadd.s32 $0xFFFFFFA0  }
0x1a5: {  	_ =	swait.ge [sflag:s20], $0x60  }
0x1a6: {  	[sflag:s20] =	ssyncset.done $0x0  }
0x1a7: {  	[sflag:s20] =	ssyncadd.s32 $0xFFFFFFA0  }
0x1a8: {  	[tilespmem:s21], [sflag:$0x1] =	stream.indirect.gather [hbm4b:s2+s18], $0x80, s26, s18, $0xb8;
	[tilespmem:$0x1FE80] =	vst v63  }
0x1a9: {  	_ =	swait.ge [sflag:s11], $0x3000  }
0x1aa: {  	[sflag:s11] =	ssyncset.done $0x0  }
0x1ab: {  	[sflag:s11] =	ssyncadd.s32 $0xFFFFD000  }
0x1ac: {  	[spmem:s4] =	stream.indirect.scatter.add.f32 [tilespmem:s28], [sflag:$0x7], $0x80, s7, s18, $0xb8;
	[tilespmem:$0x1FE80] =	vst v63  }
0x1ad: {  	_ =	swait.ge [sflag:s12], $0x3000  }
0x1ae: {  	s7 =	simm.s32 $0x240;
	s26 =	rddreg [dreg:$0x9];
	[sflag:s12] =	ssyncset.done $0x0  }
0x1af: {  	s30 =	rddreg [dreg:$0xa];
	[sflag:s12] =	ssyncadd.s32 $0xFFFFD000;
	s16 =	sadd.s32 s17, s26  }
0x1b0: {  	[tilespmem:s7], [sflag:$0x9] =	stream.linear.gather [hbm4b:s16+s5], $0x60, $0x38;
	[tilespmem:$0x1FE80] =	vst v63  }
0x1b1: {  	s31 =	sadd.s32 s17, s30;
	s30 =	simm.s32 $0x540  }
0x1b2: {  	[tilespmem:s30], [sflag:$0x9] =	stream.linear.gather [hbm4b:s31+s5], $0x60, $0x38;
	[tilespmem:$0x1FE80] =	vst v63  }
0x1b3: {  	_ =	swait.ge [sflag:s20], $0x60  }
0x1b4: {  	[sflag:s20] =	ssyncset.done $0x0  }
0x1b5: {  	[sflag:s20] =	ssyncadd.s32 $0xFFFFFFA0  }
0x1b6: {  	_ =	swait.ge [sflag:s20], $0x60  }
0x1b7: {  	[sflag:s20] =	ssyncset.done $0x0  }
0x1b8: {  	[sflag:s20] =	ssyncadd.s32 $0xFFFFFFA0  }
0x1b9: {  	[tilespmem:s24], [sflag:$0x2] =	stream.indirect.gather [hbm4b:s2+s18], $0x80, s15, s18, $0xb8;
	[tilespmem:$0x1FE80] =	vst v63  }
0x1ba: {  	_ =	swait.ge [sflag:s8], $0x3000  }
0x1bb: {  	[sflag:s8] =	ssyncset.done $0x0  }
0x1bc: {  	[sflag:s8] =	ssyncadd.s32 $0xFFFFD000  }
0x1bd: {  	[spmem:s4] =	stream.indirect.scatter.add.f32 [tilespmem:s3], [sflag:$0x8], $0x80, s10, s18, $0xb8;
	[tilespmem:$0x1FE80] =	vst v63  }
0x1be: {  	_ =	swait.ge [sflag:s9], $0x3000  }
0x1bf: {  	s25 =	simm.s32 $0x2A0;
	s10 =	rddreg [dreg:$0x7];
	[sflag:s9] =	ssyncset.done $0x0  }
0x1c0: {  	s15 =	rddreg [dreg:$0x8];
	[sflag:s9] =	ssyncadd.s32 $0xFFFFD000;
	s16 =	sadd.s32 s17, s10  }
0x1c1: {  	[tilespmem:s25], [sflag:$0x9] =	stream.linear.gather [hbm4b:s16+s5], $0x60, $0x38;
	[tilespmem:$0x1FE80] =	vst v63  }
0x1c2: {  	s31 =	simm.s32 $0x5A0;
	s26 =	sadd.s32 s17, s15  }
0x1c3: {  	[tilespmem:s31], [sflag:$0x9] =	stream.linear.gather [hbm4b:s26+s5], $0x60, $0x38;
	[tilespmem:$0x1FE80] =	vst v63  }
0x1c4: {  	_ =	swait.ge [sflag:s20], $0x60  }
0x1c5: {  	[sflag:s20] =	ssyncset.done $0x0  }
0x1c6: {  	[sflag:s20] =	ssyncadd.s32 $0xFFFFFFA0  }
0x1c7: {  	_ =	swait.ge [sflag:s20], $0x60  }
0x1c8: {  	[sflag:s20] =	ssyncset.done $0x0  }
0x1c9: {  	[sflag:s20] =	ssyncadd.s32 $0xFFFFFFA0  }
0x1ca: {  	[tilespmem:s28], [sflag:$0x3] =	stream.indirect.gather [hbm4b:s2+s18], $0x80, s7, s18, $0xb8;
	[tilespmem:$0x1FE80] =	vst v63  }
0x1cb: {  	_ =	swait.ge [sflag:s29], $0x3000  }
0x1cc: {  	[sflag:s29] =	ssyncset.done $0x0  }
0x1cd: {  	[sflag:s29] =	ssyncadd.s32 $0xFFFFD000  }
0x1ce: {  	[spmem:s4] =	stream.indirect.scatter.add.f32 [tilespmem:s21], [sflag:$0x5], $0x80, s22, s18, $0xb8;
	[tilespmem:$0x1FE80] =	vst v63  }
0x1cf: {  	_ =	swait.ge [sflag:s0], $0x3000  }
0x1d0: {  	[sflag:s0] =	ssyncset.done $0x0  }
0x1d1: {  	p0 =	seq.s32 s17, $0x480;
	[sflag:s0] =	ssyncadd.s32 $0xFFFFD000  }
0x1d2: {  	s14 =	sshrl.u32 @!p0 s14, $0x3;
	s19 =	rddreg [dreg:$0x0]  }
0x1d3: {  	s16 =	rddreg [dreg:$0x6];
	s14 =	sadd.s32 @!p0 s19, s14;
	s19 =	simm.s32 @!p0 $0x0  }
0x1d4: {  	[tilespmem:s19], [sflag:$0x9] =	stream.linear.gather @!p0 [hbm4b:s14+s19], $0x60, $0x38;
	[tilespmem:$0x1FE80] =	vst v63  }
0x1d5: {  	s14 =	sadd.s32 @!p0 s17, s16;
	s16 =	simm.s32 @!p0 $0x300  }
0x1d6: {  	[tilespmem:s16], [sflag:$0x9] =	stream.linear.gather @!p0 [hbm4b:s14+s19], $0x60, $0x38;
	[tilespmem:$0x1FE80] =	vst v63  }
0x1d7: {  	_ =	swait.ge [sflag:s20], $0x60  }
0x1d8: {  	[sflag:s20] =	ssyncset.done $0x0  }
0x1d9: {  	[sflag:s20] =	ssyncadd.s32 $0xFFFFFFA0  }
0x1da: {  	_ =	swait.ge [sflag:s20], $0x60  }
0x1db: {  	[sflag:s20] =	ssyncset.done $0x0  }
0x1dc: {  	[sflag:s20] =	ssyncadd.s32 $0xFFFFFFA0  }
0x1dd: {  	[tilespmem:s3], [sflag:$0x4] =	stream.indirect.gather [hbm4b:s2+s18], $0x80, s25, s18, $0xb8;
	[tilespmem:$0x1FE80] =	vst v63  }
0x1de: {  	_ =	swait.ge [sflag:s1], $0x3000  }
0x1df: {  	[sflag:s1] =	ssyncset.done $0x0  }
0x1e0: {  	[sflag:s1] =	ssyncadd.s32 $0xFFFFD000  }
0x1e1: {  	[spmem:s4] =	stream.indirect.scatter.add.f32 [tilespmem:s24], [sflag:$0x6], $0x80, s13, s18, $0xb8;
	[tilespmem:$0x1FE80] =	vst v63  }
0x1e2: {  	_ =	swait.ge [sflag:s11], $0x3000  }
0x1e3: {  	[sflag:s11] =	ssyncset.done $0x0  }
0x1e4: {  	[sflag:s11] =	ssyncadd.s32 $0xFFFFD000  }
0x1e5: {  	[spmem:s4] =	stream.indirect.scatter.add.f32 [tilespmem:s28], [sflag:$0x7], $0x80, s30, s18, $0xb8;
	[tilespmem:$0x1FE80] =	vst v63  }
0x1e6: {  	_ =	swait.ge [sflag:s8], $0x3000  }
0x1e7: {  	[sflag:s8] =	ssyncset.done $0x0  }
0x1e8: {  	[sflag:s8] =	ssyncadd.s32 $0xFFFFD000  }
0x1e9: {  	[spmem:s4] =	stream.indirect.scatter.add.f32 [tilespmem:s3], [sflag:$0x8], $0x80, s31, s18, $0xb8;
	[tilespmem:$0x1FE80] =	vst v63  }
0x1ea: {  	_ =	swait.ge [sflag:s6], $0x3000  }
0x1eb: {  	[sflag:s6] =	ssyncset.done $0x0  }
0x1ec: {  	s17 =	rddreg [dreg:$0x1a];
	[sflag:s6] =	ssyncadd.s32 $0xFFFFD000  }
0x1ed: {  	[tilespmem:s5], [sflag:$0xA] =	stream.linear.gather [hbm4b:s17+s5], $0x10, $0x38;
	[tilespmem:$0x1FE80] =	vst v63  }
0x1ee: {  	s17 =	simm.s32 $0xA  }
0x1ef: {  	_ =	swait.ge [sflag:s17], $0x10  }
0x1f0: {  	[sflag:s17] =	ssyncset.done $0x0  }
0x1f1: {  	s19 =	rddreg [dreg:$0x1b];
	[sflag:s17] =	ssyncadd.s32 $0xFFFFFFF0  }
0x1f2: {  	[tilespmem:s23], [sflag:$0xA] =	stream.linear.gather [hbm4b:s19+s5], $0x10, $0x38;
	[tilespmem:$0x1FE80] =	vst v63  }
0x1f3: {  	_ =	swait.ge [sflag:s17], $0x10  }
0x1f4: {  	[sflag:s17] =	ssyncset.done $0x0  }
0x1f5: {  	s22 =	simm.s32 $0x10;
	[sflag:s17] =	ssyncadd.s32 $0xFFFFFFF0  }
0x1f6: {  	[tilespmem:s21], [sflag:$0x1] =	stream.indirect.gather [hbm4b:s2+s22], $0x80, s5, s22, $0xb8;
	[tilespmem:$0x1FE80] =	vst v63  }
0x1f7: {  	_ =	swait.ge [sflag:s29], $0x800  }
0x1f8: {  	[sflag:s29] =	ssyncset.done $0x0  }
0x1f9: {  	[sflag:s29] =	ssyncadd.s32 $0xFFFFF800  }
0x1fa: {  	[spmem:s4] =	stream.indirect.scatter.add.f32 [tilespmem:s21], [sflag:$0xA], $0x80, s23, s22, $0xb8;
	[tilespmem:$0x1FE80] =	vst v63  }
0x1fb: {  	_ =	swait.ge [sflag:s17], $0x800  }
0x1fc: {  	[sflag:s17] =	ssyncset.done $0x0  }
0x1fd: {  	[sflag:s17] =	ssyncadd.s32 $0xFFFFF800  }
0x1fe: {  	_ =	swait.ge [sflag:s12], $0x3000  }
0x1ff: {  	[sflag:s12] =	ssyncset.done $0x0  }
0x200: {  	[sflag:s12] =	ssyncadd.s32 $0xFFFFD000  }
0x201: {  	_ =	swait.ge [sflag:s9], $0x3000  }
0x202: {  	[sflag:s9] =	ssyncset.done $0x0  }
0x203: {  	[sflag:s9] =	ssyncadd.s32 $0xFFFFD000  }
0x204: {  	_ =	swait.ge [sflag:s0], $0x3000  }
0x205: {  	[sflag:s0] =	ssyncset.done $0x0  }
0x206: {  	[sflag:s0] =	ssyncadd.s32 $0xFFFFD000  }
0x207: {  	[bflag:$0x0] =	sbarrier.arrive $0xFFFF  }
0x208: {  	s25 =	sld [smem:$0x7FD]  }
0x209: {  	s16 =	rddreg [dreg:$0x18]  }
0x20a: {  	s23 =	rddreg [dreg:$0x1c]  }
0x20b: {  	[hbm:s23], [sflag:s16] =	dma.local [spmem:s25], $0x2710  }
0x20c: {  	_ =	swait.ge [sflag:s17], $0x2710  }
0x20d: {  	s30 =	rddreg [dreg:$0x1f]  }
0x20e: {  	s31 =	rddreg [dreg:$0x1d];
	s7 =	sadd.s32 $0x1, s30  }
0x20f: {  	p0 =	sne.s32 s7, s31  }
.Ltmp1:
0x210: {  	_ = 	snop;
	(pc) =	sbr.rel @p0 .LBB2_1-.Ltmp1, $3  }
0x211: {  	_ =	sdelay $0x1  }
0x212: {  	[sflag:s17] =	ssyncset.done $0x0  }
0x213: {  	s15 =	simm.s32 $0x5A0;
	s26 =	simm.s32 $0x4E0;
	[sflag:s17] =	ssyncadd.s32 $0xFFFFD8F0  }
0x214: {  	_ =	sfence.sel $0x180000  }
0x215: {  	[bflag:$0x0] =	sbarrier.arrive $0xFFFF  }
0x216: {  	_ =	strace $0x9000004A  }
0x217: {  	s0 =	stileid.u32;
	[bflag:$0x2] =	sbarrier.arrive $0xFFFF  }
0x218: {  	p0 =	sne.s32 s0, $0x0;
	s0 =	rddreg [dreg:$0x5]  }
0x219: {  	s0 =	sadd.s32 @!p0 $0x100000, s0  }
0x21a: {  	[sflag:s0] =	ssyncadd.tile.s32 @!p0 $0x1;
	_ =	shalt  }
.Lfunc_end2:
_tile_overlayer_lowered:
.L_overlay_start_2:
0x21b: {  	(tag) =	ssettag $0x2  }
0x21c: {  	s0 =	rddreg [dreg:$0x0];
	s2 =	stileid.u32  }
0x21d: {  	s1 =	rddreg [dreg:$0x1];
	p0 =	sne.s32 s2, $0x0  }
0x21e: {  	s3 =	rddreg [dreg:$0x2];
	[bflag:$0x3] =	sbarrier.arrive $0xFFFF;
	s2 =	simm.s32 @!p0 $0x1C0A  }
0x21f: {  	[timem:s3], [sflag:s2] =	dma.local @!p0 [hbm:s0], s1  }
0x220: {  	s0 =	simm.s32 @!p0 $0xA  }
0x221: {  	_ =	swait.ge @!p0 [sflag:s0], s1  }
0x222: {  	s1 =	ssub.s32 @!p0 $0x0, s1;
	[sflag:s0] =	ssyncset.done @!p0 $0x0  }
0x223: {  	[sflag:s0] =	ssyncadd.s32 @!p0 s1  }
0x224: {  	[bflag:$0x3] =	sbarrier.arrive $0xFFFF  }
0x225: {  	_ =	shalt  }

</sc_bundles>
